<compile_context>
chip_gen: v7x
topology: tpu7x:2x2x1
jax: 0.10.2.dev20260603
libtpu: 0.0.44.dev20260713+nightly
codegen_flags: <defaults>
</compile_context>

<pallas_src>
import functools

import jax
import jax.numpy as jnp
from jax import lax
from jax.experimental import pallas as pl
from jax.experimental.pallas import tpu as pltpu
from jax.experimental.pallas import tpu_sc as plsc

C_EMB = 64
NXY = 512 * 512
N_POINTS = 100000
D = 8

NC = 2
NS = 16
NW = NC * NS
CHUNK = 128
NCHUNK = 25
BPW = CHUNK * NCHUNK
NPAD = NW * BPW
L = 16

XB = 8
BN3 = 2048


def _proj_body(e_ref, a_ref, m_ref, o_ref):
    m = m_ref[...]
    for xx in range(XB):
        y_rep = lax.dot_general(
            e_ref[:, xx, :], a_ref[...],
            dimension_numbers=(((0,), (0,)), ((), ())),
            preferred_element_type=jnp.float32,
        )
        y3 = y_rep.reshape(32, 16, 128)
        o_ref[xx, :, :] = jnp.sum(y3 * m[None, :, :], axis=1)


def _project_table(emb3d, a_rep, mask):
    return pl.pallas_call(
        _proj_body,
        grid=(512 // XB,),
        in_specs=[
            pl.BlockSpec((C_EMB, XB, 512), lambda i: (0, i, 0)),
            pl.BlockSpec((C_EMB, 128), lambda i: (0, 0)),
            pl.BlockSpec((16, 128), lambda i: (0, 0)),
        ],
        out_specs=pl.BlockSpec((XB, 32, 128), lambda i: (i, 0, 0)),
        out_shape=jax.ShapeDtypeStruct((512, 32, 128), jnp.float32),
    )(emb3d, a_rep, mask)


def _sc_gather_body(p_hbm, idx_hbm, g0_hbm, g1_hbm, g2_hbm,
                    idx_v, idxe0_v, idxe1_v, idxe2_v,
                    gt0_v, gt1_v, gt2_v, sem0, sem1, sem2):
    wid = lax.axis_index("s") * NC + lax.axis_index("c")
    base = wid * BPW
    pltpu.sync_copy(idx_hbm.at[pl.ds(base, BPW)], idx_v)

    def build(i, carry):
        v = idx_v[pl.ds(i * L, L)]
        v8 = v * D
        idxe0_v[pl.ds(i * L, L)] = v8
        idxe1_v[pl.ds(i * L, L)] = v8 + 1
        idxe2_v[pl.ds(i * L, L)] = v8 + 2
        return carry

    lax.fori_loop(0, BPW // L, build, 0)

    chans = ((idxe0_v, gt0_v, sem0, g0_hbm), (idxe1_v, gt1_v, sem1, g1_hbm),
             (idxe2_v, gt2_v, sem2, g2_hbm))

    def fire(idxe, gt, sem):
        return [pltpu.async_copy(
            p_hbm.at[idxe.at[pl.ds(j * CHUNK, CHUNK)]],
            gt.at[pl.ds(j * CHUNK, CHUNK)],
            sem,
        ) for j in range(NCHUNK)]

    pending = fire(*chans[0][:3])
    for k in range(3):
        if k + 1 < 3:
            nxt = fire(*chans[k + 1][:3])
        for cp in pending:
            cp.wait()
        pltpu.sync_copy(chans[k][1], chans[k][3].at[pl.ds(base, BPW)])
        if k + 1 < 3:
            pending = nxt


def _sc_gather(p_flat1d, idx_pad):
    mesh = plsc.VectorSubcoreMesh(core_axis_name="c", subcore_axis_name="s")
    kern = functools.partial(
        pl.kernel,
        mesh=mesh,
        out_type=[jax.ShapeDtypeStruct((NPAD,), jnp.float32)] * 3,
        scratch_types=[
            pltpu.VMEM((BPW,), jnp.int32),
            pltpu.VMEM((BPW,), jnp.int32),
            pltpu.VMEM((BPW,), jnp.int32),
            pltpu.VMEM((BPW,), jnp.int32),
            pltpu.VMEM((BPW,), jnp.float32),
            pltpu.VMEM((BPW,), jnp.float32),
            pltpu.VMEM((BPW,), jnp.float32),
            pltpu.SemaphoreType.DMA,
            pltpu.SemaphoreType.DMA,
            pltpu.SemaphoreType.DMA,
        ],
        compiler_params=pltpu.CompilerParams(use_tc_tiling_on_sc=False),
    )(_sc_gather_body)
    return kern(p_flat1d, idx_pad)


def _dense_body(pct_ref, b_ref, c_ref, q0_ref, q1_ref, q2_ref):
    y = lax.dot_general(
        b_ref[...], pct_ref[...],
        dimension_numbers=(((0,), (0,)), ((), ())),
        preferred_element_type=jnp.float32,
    )
    q0_ref[...] = y[0, :] + c_ref[0, 0]
    q1_ref[...] = y[1, :] + c_ref[0, 1]
    q2_ref[...] = y[2, :] + c_ref[0, 2]


def _dense(pct, b_pad, c_pad):
    grid = (pl.cdiv(N_POINTS, BN3),)
    out1d = jax.ShapeDtypeStruct((N_POINTS,), jnp.float32)
    g_spec = pl.BlockSpec((BN3,), lambda i: (i,))
    return pl.pallas_call(
        _dense_body,
        grid=grid,
        in_specs=[
            pl.BlockSpec((C_EMB, BN3), lambda i: (0, i)),
            pl.BlockSpec((C_EMB, D), lambda i: (0, 0)),
            pl.BlockSpec((1, D), lambda i: (0, 0)),
        ],
        out_specs=[g_spec, g_spec, g_spec],
        out_shape=[out1d, out1d, out1d],
    )(pct, b_pad, c_pad)


def _add_body(q0_ref, q1_ref, q2_ref, g0_ref, g1_ref, g2_ref,
              o0_ref, o1_ref, o2_ref):
    o0_ref[...] = q0_ref[...] + g0_ref[...]
    o1_ref[...] = q1_ref[...] + g1_ref[...]
    o2_ref[...] = q2_ref[...] + g2_ref[...]


BN_ADD = 16384


def _add(q0, q1, q2, g0, g1, g2):
    grid = (pl.cdiv(N_POINTS, BN_ADD),)
    out1d = jax.ShapeDtypeStruct((N_POINTS,), jnp.float32)
    g_spec = pl.BlockSpec((BN_ADD,), lambda i: (i,))
    return pl.pallas_call(
        _add_body,
        grid=grid,
        in_specs=[g_spec] * 6,
        out_specs=[g_spec, g_spec, g_spec],
        out_shape=[out1d, out1d, out1d],
    )(q0, q1, q2, g0, g1, g2)


def kernel(grid_flow_embeddings, point_cloud, grid_indices, WY, bY, WZ, bZ):
    a = (WZ @ WY[:, :C_EMB]).T
    b = (WZ @ WY[:, C_EMB:]).T
    c = WZ @ bY + bZ
    a_pad = jnp.pad(a, ((0, 0), (0, D - 3)))
    a_rep = jnp.tile(a_pad, (1, 16))
    sel = jnp.repeat(jnp.eye(16, dtype=jnp.float32), D, axis=1)
    b_pad = jnp.pad(b, ((0, 0), (0, D - 3)))
    c_pad2 = jnp.pad(c, (0, D - 3)).reshape(1, D)
    idx_pad = jnp.pad(grid_indices.astype(jnp.int32), (0, NPAD - N_POINTS))

    p = _project_table(grid_flow_embeddings, a_rep, sel)
    g0, g1, g2 = _sc_gather(p.reshape(NXY * D), idx_pad)
    q0, q1, q2 = _dense(point_cloud.T, b_pad, c_pad2)
    o0, o1, o2 = _add(q0, q1, q2, g0, g1, g2)
    return jnp.stack([o0, o1, o2], axis=1)

# --- scband reference (transcript-rebuilt; emitter-appended) ---
"""Pipeline reference for scband-unpillar-network-25881472926248 (READ-ONLY COPY).

The authoritative reference and input builder live on the scoring server;
editing this copy changes nothing except your own understanding.
"""

import jax, jax.numpy as jnp
import numpy as np

N_PILLARS_X = 512
N_PILLARS_Y = 512
N_POINTS = 100000
C_EMB = 64
C_PC = 64

def setup_inputs(seed: int = 0) -> dict:
    key = jax.random.key(seed)
    k1, k2, k3, k4, k5, k6, k7 = jax.random.split(key, 7)
    grid_flow_embeddings = jax.random.normal(k1, (C_EMB, N_PILLARS_X, N_PILLARS_Y), dtype=jnp.float32)
    point_cloud = jax.random.normal(k2, (N_POINTS, C_PC), dtype=jnp.float32)
    grid_indices = jax.random.randint(k3, (N_POINTS,), 0, N_PILLARS_X * N_PILLARS_Y, dtype=jnp.int64) if jax.config.jax_enable_x64 else jax.random.randint(k3, (N_POINTS,), 0, N_PILLARS_X * N_PILLARS_Y, dtype=jnp.int32)
    # Linear(128, 32) params (torch convention: W [out, in], b [out])
    WY = jax.random.normal(k4, (32, 128), dtype=jnp.float32) * (1.0 / np.sqrt(128.0))
    bY = jax.random.normal(k5, (32,), dtype=jnp.float32) * 0.01
    # Linear(32, 3)
    WZ = jax.random.normal(k6, (3, 32), dtype=jnp.float32) * (1.0 / np.sqrt(32.0))
    bZ = jax.random.normal(k7, (3,), dtype=jnp.float32) * 0.01
    return {"grid_flow_embeddings": grid_flow_embeddings, "point_cloud": point_cloud, "grid_indices": grid_indices, "WY": WY, "bY": bY, "WZ": WZ, "bZ": bZ}

def reference(grid_flow_embeddings, point_cloud, grid_indices, WY, bY, WZ, bZ):
    # reshape (C, nx, ny) -> (C, nx*ny) then permute -> (nx*ny, C)
    emb = grid_flow_embeddings.reshape((grid_flow_embeddings.shape[0], N_PILLARS_X * N_PILLARS_Y))
    emb = jnp.transpose(emb, (1, 0))
    # sparse one-hot matmul (n_points, P) @ (P, C) is exactly a row gather
    point_embeddings = jnp.take(emb, grid_indices, axis=0)
    full_embeddings = jnp.concatenate([point_embeddings, point_cloud], axis=1)
    full_embeddings = full_embeddings @ WY.T + bY
    full_embeddings = full_embeddings @ WZ.T + bZ
    return full_embeddings

if __name__ == "__main__":
    import jax
    _d = setup_inputs()
    print(jax.jit(kernel)(*tuple(_d.values())))

</pallas_src>

<mosaic_0001>
#map = affine_map<(d0, d1) -> (0)>
module attributes {stable_mosaic.version = 14 : i64} {
  func.func @_sc_gather_body(%arg0: i32, %arg1: i32, %arg2: memref<2097152xf32, #tpu.memory_space<hbm>>, %arg3: memref<102400xi32, #tpu.memory_space<hbm>>, %arg4: memref<102400xf32, #tpu.memory_space<hbm>>, %arg5: memref<102400xf32, #tpu.memory_space<hbm>>, %arg6: memref<102400xf32, #tpu.memory_space<hbm>>, %arg7: memref<3200xi32, #tpu.memory_space<vmem>>, %arg8: memref<3200xi32, #tpu.memory_space<vmem>>, %arg9: memref<3200xi32, #tpu.memory_space<vmem>>, %arg10: memref<3200xi32, #tpu.memory_space<vmem>>, %arg11: memref<3200xf32, #tpu.memory_space<vmem>>, %arg12: memref<3200xf32, #tpu.memory_space<vmem>>, %arg13: memref<3200xf32, #tpu.memory_space<vmem>>, %arg14: memref<!tpu.dma_semaphore, #tpu.memory_space<semaphore_mem>>, %arg15: memref<!tpu.dma_semaphore, #tpu.memory_space<semaphore_mem>>, %arg16: memref<!tpu.dma_semaphore, #tpu.memory_space<semaphore_mem>>) attributes {dimension_semantics = [#tpu.dimension_semantics<core_parallel>, #tpu.dimension_semantics<subcore_parallel>], iteration_bounds = array<i64: 2, 16>, scalar_prefetch = 0 : i64, scratch_operands = 10 : i64, tpu.core_type = #tpu.core_type<sc_vector_subcore>, window_params = [{transform_indices = #map}, {transform_indices = #map}, {transform_indices = #map}, {transform_indices = #map}, {transform_indices = #map}]} {
    %mul3A = arith.constant 2 : i32
    %mul3A_0 = arith.muli %arg1, %mul3A : i32
    %add3A = arith.addi %mul3A_0, %arg0 : i32
    %mul3A_1 = arith.constant 3200 : i32
    %mul3A_2 = arith.muli %add3A, %mul3A_1 : i32
    "tpu.region"() ({
      %run_scoped3A = tpu.sem_alloc : memref<!tpu.dma_semaphore, #tpu.memory_space<semaphore_mem>>
      %dma_start3A_906 = tpu.memref_slice %arg3[%mul3A_2] : memref<102400xi32, #tpu.memory_space<hbm>> -> memref<3200xi32, #tpu.memory_space<hbm>>
      %dma_start3A_907 = tpu.memref_slice %arg3[%mul3A_2] : memref<102400xi32, #tpu.memory_space<hbm>> -> memref<3200xi32, #tpu.memory_space<hbm>>
      tpu.enqueue_dma source(%dma_start3A_907 : memref<3200xi32, #tpu.memory_space<hbm>>) target(%arg7 : memref<3200xi32, #tpu.memory_space<vmem>>) target_semaphore(%run_scoped3A : memref<!tpu.dma_semaphore, #tpu.memory_space<semaphore_mem>>)
      %dma_wait3A_908 = tpu.memref_slice %arg3[%mul3A_2] : memref<102400xi32, #tpu.memory_space<hbm>> -> memref<3200xi32, #tpu.memory_space<hbm>>
      %dma_wait3A_909 = tpu.memref_slice %arg3[%mul3A_2] : memref<102400xi32, #tpu.memory_space<hbm>> -> memref<3200xi32, #tpu.memory_space<hbm>>
      tpu.wait_dma2 semaphore(%run_scoped3A : memref<!tpu.dma_semaphore, #tpu.memory_space<semaphore_mem>>) src(%dma_wait3A_909 : memref<3200xi32, #tpu.memory_space<hbm>>) dst(%arg7 : memref<3200xi32, #tpu.memory_space<vmem>>)
      tpu.yield
    }) : () -> ()
    %scan3A = arith.constant 0 : i32
    %scan3A_3 = arith.constant 0 : i32
    %scan3A_4 = arith.constant 200 : i32
    %scan3A_5 = arith.addi %scan3A_3, %scan3A_4 : i32
    %scan3A_6 = arith.constant 1 : i32
    scf.for %scan3A_906 = %scan3A_3 to %scan3A_5 step %scan3A_6  : i32 {
      %mul3A_907 = arith.constant 16 : i32
      %mul3A_908 = arith.muli %scan3A_906, %mul3A_907 : i32
      %get3A = arith.index_cast %mul3A_908 : i32 to index
      %get3A_909 = tpu.vector_load %arg7[%get3A] {strides = array<i32>} : memref<3200xi32, #tpu.memory_space<vmem>>, vector<16xi32>,
      %get3A_910 = vector.shape_cast %get3A_909 : vector<16xi32> to vector<16xi32>
      %mul3A_911 = arith.constant 8 : i32
      %mul3A_912 = vector.broadcast %mul3A_911 : i32 to vector<16xi32>
      %mul3A_913 = arith.muli %get3A_910, %mul3A_912 : vector<16xi32>
      %mul3A_914 = arith.constant 16 : i32
      %mul3A_915 = arith.muli %scan3A_906, %mul3A_914 : i32
      %swap3A = arith.index_cast %mul3A_915 : i32 to index
      %swap3A_916 = tpu.vector_load %arg8[%swap3A] {strides = array<i32>} : memref<3200xi32, #tpu.memory_space<vmem>>, vector<16xi32>,
      %swap3A_917 = vector.shape_cast %swap3A_916 : vector<16xi32> to vector<16xi32>
      %swap3A_918 = vector.shape_cast %mul3A_913 : vector<16xi32> to vector<16xi32>
      tpu.vector_store %arg8[%swap3A], %swap3A_918 {strides = array<i32>} : memref<3200xi32, #tpu.memory_space<vmem>>, vector<16xi32>,
      %add3A_919 = arith.constant 1 : i32
      %add3A_920 = vector.broadcast %add3A_919 : i32 to vector<16xi32>
      %add3A_921 = arith.addi %mul3A_913, %add3A_920 : vector<16xi32>
      %mul3A_922 = arith.constant 16 : i32
      %mul3A_923 = arith.muli %scan3A_906, %mul3A_922 : i32
      %swap3A_924 = arith.index_cast %mul3A_923 : i32 to index
      %swap3A_925 = tpu.vector_load %arg9[%swap3A_924] {strides = array<i32>} : memref<3200xi32, #tpu.memory_space<vmem>>, vector<16xi32>,
      %swap3A_926 = vector.shape_cast %swap3A_925 : vector<16xi32> to vector<16xi32>
      %swap3A_927 = vector.shape_cast %add3A_921 : vector<16xi32> to vector<16xi32>
      tpu.vector_store %arg9[%swap3A_924], %swap3A_927 {strides = array<i32>} : memref<3200xi32, #tpu.memory_space<vmem>>, vector<16xi32>,
      %add3A_928 = arith.constant 2 : i32
      %add3A_929 = vector.broadcast %add3A_928 : i32 to vector<16xi32>
      %add3A_930 = arith.addi %mul3A_913, %add3A_929 : vector<16xi32>
      %mul3A_931 = arith.constant 16 : i32
      %mul3A_932 = arith.muli %scan3A_906, %mul3A_931 : i32
      %swap3A_933 = arith.index_cast %mul3A_932 : i32 to index
      %swap3A_934 = tpu.vector_load %arg10[%swap3A_933] {strides = array<i32>} : memref<3200xi32, #tpu.memory_space<vmem>>, vector<16xi32>,
      %swap3A_935 = vector.shape_cast %swap3A_934 : vector<16xi32> to vector<16xi32>
      %swap3A_936 = vector.shape_cast %add3A_930 : vector<16xi32> to vector<16xi32>
      tpu.vector_store %arg10[%swap3A_933], %swap3A_936 {strides = array<i32>} : memref<3200xi32, #tpu.memory_space<vmem>>, vector<16xi32>,
    }
    %scan3A_7 = arith.constant 200 : i32
    %dma_start3A = arith.constant 0 : i32
    %dma_start3A_8 = tpu.memref_slice %arg11[%dma_start3A] : memref<3200xf32, #tpu.memory_space<vmem>> -> memref<128xf32, #tpu.memory_space<vmem>>
    %dma_start3A_9 = arith.constant 0 : i32
    %dma_start3A_10 = tpu.memref_slice %arg8[%dma_start3A_9] : memref<3200xi32, #tpu.memory_space<vmem>> -> memref<128xi32, #tpu.memory_space<vmem>>
    %dma_start3A_11 = arith.constant 0 : i32
    %dma_start3A_12 = tpu.memref_slice %arg2[%dma_start3A_11] : memref<2097152xf32, #tpu.memory_space<hbm>> -> memref<2097152xf32, #tpu.memory_space<hbm>>
    tpu.enqueue_indirect_dma source(%dma_start3A_12 : memref<2097152xf32, #tpu.memory_space<hbm>>) target(%dma_start3A_8 : memref<128xf32, #tpu.memory_space<vmem>>) offsets(%dma_start3A_10 : memref<128xi32, #tpu.memory_space<vmem>>) semaphore(%arg14 : memref<!tpu.dma_semaphore, #tpu.memory_space<semaphore_mem>>)
    %dma_start3A_13 = arith.constant 128 : i32
    %dma_start3A_14 = tpu.memref_slice %arg11[%dma_start3A_13] : memref<3200xf32, #tpu.memory_space<vmem>> -> memref<128xf32, #tpu.memory_space<vmem>>
    %dma_start3A_15 = arith.constant 128 : i32
    %dma_start3A_16 = tpu.memref_slice %arg8[%dma_start3A_15] : memref<3200xi32, #tpu.memory_space<vmem>> -> memref<128xi32, #tpu.memory_space<vmem>>
    %dma_start3A_17 = arith.constant 0 : i32
    %dma_start3A_18 = tpu.memref_slice %arg2[%dma_start3A_17] : memref<2097152xf32, #tpu.memory_space<hbm>> -> memref<2097152xf32, #tpu.memory_space<hbm>>
    tpu.enqueue_indirect_dma source(%dma_start3A_18 : memref<2097152xf32, #tpu.memory_space<hbm>>) target(%dma_start3A_14 : memref<128xf32, #tpu.memory_space<vmem>>) offsets(%dma_start3A_16 : memref<128xi32, #tpu.memory_space<vmem>>) semaphore(%arg14 : memref<!tpu.dma_semaphore, #tpu.memory_space<semaphore_mem>>)
    %dma_start3A_19 = arith.constant 256 : i32
    %dma_start3A_20 = tpu.memref_slice %arg11[%dma_start3A_19] : memref<3200xf32, #tpu.memory_space<vmem>> -> memref<128xf32, #tpu.memory_space<vmem>>
    %dma_start3A_21 = arith.constant 256 : i32
    %dma_start3A_22 = tpu.memref_slice %arg8[%dma_start3A_21] : memref<3200xi32, #tpu.memory_space<vmem>> -> memref<128xi32, #tpu.memory_space<vmem>>
    %dma_start3A_23 = arith.constant 0 : i32
    %dma_start3A_24 = tpu.memref_slice %arg2[%dma_start3A_23] : memref<2097152xf32, #tpu.memory_space<hbm>> -> memref<2097152xf32, #tpu.memory_space<hbm>>
    tpu.enqueue_indirect_dma source(%dma_start3A_24 : memref<2097152xf32, #tpu.memory_space<hbm>>) target(%dma_start3A_20 : memref<128xf32, #tpu.memory_space<vmem>>) offsets(%dma_start3A_22 : memref<128xi32, #tpu.memory_space<vmem>>) semaphore(%arg14 : memref<!tpu.dma_semaphore, #tpu.memory_space<semaphore_mem>>)
    %dma_start3A_25 = arith.constant 384 : i32
    %dma_start3A_26 = tpu.memref_slice %arg11[%dma_start3A_25] : memref<3200xf32, #tpu.memory_space<vmem>> -> memref<128xf32, #tpu.memory_space<vmem>>
    %dma_start3A_27 = arith.constant 384 : i32
    %dma_start3A_28 = tpu.memref_slice %arg8[%dma_start3A_27] : memref<3200xi32, #tpu.memory_space<vmem>> -> memref<128xi32, #tpu.memory_space<vmem>>
    %dma_start3A_29 = arith.constant 0 : i32
    %dma_start3A_30 = tpu.memref_slice %arg2[%dma_start3A_29] : memref<2097152xf32, #tpu.memory_space<hbm>> -> memref<2097152xf32, #tpu.memory_space<hbm>>
    tpu.enqueue_indirect_dma source(%dma_start3A_30 : memref<2097152xf32, #tpu.memory_space<hbm>>) target(%dma_start3A_26 : memref<128xf32, #tpu.memory_space<vmem>>) offsets(%dma_start3A_28 : memref<128xi32, #tpu.memory_space<vmem>>) semaphore(%arg14 : memref<!tpu.dma_semaphore, #tpu.memory_space<semaphore_mem>>)
    %dma_start3A_31 = arith.constant 512 : i32
    %dma_start3A_32 = tpu.memref_slice %arg11[%dma_start3A_31] : memref<3200xf32, #tpu.memory_space<vmem>> -> memref<128xf32, #tpu.memory_space<vmem>>
    %dma_start3A_33 = arith.constant 512 : i32
    %dma_start3A_34 = tpu.memref_slice %arg8[%dma_start3A_33] : memref<3200xi32, #tpu.memory_space<vmem>> -> memref<128xi32, #tpu.memory_space<vmem>>
    %dma_start3A_35 = arith.constant 0 : i32
    %dma_start3A_36 = tpu.memref_slice %arg2[%dma_start3A_35] : memref<2097152xf32, #tpu.memory_space<hbm>> -> memref<2097152xf32, #tpu.memory_space<hbm>>
    tpu.enqueue_indirect_dma source(%dma_start3A_36 : memref<2097152xf32, #tpu.memory_space<hbm>>) target(%dma_start3A_32 : memref<128xf32, #tpu.memory_space<vmem>>) offsets(%dma_start3A_34 : memref<128xi32, #tpu.memory_space<vmem>>) semaphore(%arg14 : memref<!tpu.dma_semaphore, #tpu.memory_space<semaphore_mem>>)
    %dma_start3A_37 = arith.constant 640 : i32
    %dma_start3A_38 = tpu.memref_slice %arg11[%dma_start3A_37] : memref<3200xf32, #tpu.memory_space<vmem>> -> memref<128xf32, #tpu.memory_space<vmem>>
    %dma_start3A_39 = arith.constant 640 : i32
    %dma_start3A_40 = tpu.memref_slice %arg8[%dma_start3A_39] : memref<3200xi32, #tpu.memory_space<vmem>> -> memref<128xi32, #tpu.memory_space<vmem>>
    %dma_start3A_41 = arith.constant 0 : i32
    %dma_start3A_42 = tpu.memref_slice %arg2[%dma_start3A_41] : memref<2097152xf32, #tpu.memory_space<hbm>> -> memref<2097152xf32, #tpu.memory_space<hbm>>
    tpu.enqueue_indirect_dma source(%dma_start3A_42 : memref<2097152xf32, #tpu.memory_space<hbm>>) target(%dma_start3A_38 : memref<128xf32, #tpu.memory_space<vmem>>) offsets(%dma_start3A_40 : memref<128xi32, #tpu.memory_space<vmem>>) semaphore(%arg14 : memref<!tpu.dma_semaphore, #tpu.memory_space<semaphore_mem>>)
    %dma_start3A_43 = arith.constant 768 : i32
    %dma_start3A_44 = tpu.memref_slice %arg11[%dma_start3A_43] : memref<3200xf32, #tpu.memory_space<vmem>> -> memref<128xf32, #tpu.memory_space<vmem>>
    %dma_start3A_45 = arith.constant 768 : i32
    %dma_start3A_46 = tpu.memref_slice %arg8[%dma_start3A_45] : memref<3200xi32, #tpu.memory_space<vmem>> -> memref<128xi32, #tpu.memory_space<vmem>>
    %dma_start3A_47 = arith.constant 0 : i32
    %dma_start3A_48 = tpu.memref_slice %arg2[%dma_start3A_47] : memref<2097152xf32, #tpu.memory_space<hbm>> -> memref<2097152xf32, #tpu.memory_space<hbm>>
    tpu.enqueue_indirect_dma source(%dma_start3A_48 : memref<2097152xf32, #tpu.memory_space<hbm>>) target(%dma_start3A_44 : memref<128xf32, #tpu.memory_space<vmem>>) offsets(%dma_start3A_46 : memref<128xi32, #tpu.memory_space<vmem>>) semaphore(%arg14 : memref<!tpu.dma_semaphore, #tpu.memory_space<semaphore_mem>>)
    %dma_start3A_49 = arith.constant 896 : i32
    %dma_start3A_50 = tpu.memref_slice %arg11[%dma_start3A_49] : memref<3200xf32, #tpu.memory_space<vmem>> -> memref<128xf32, #tpu.memory_space<vmem>>
    %dma_start3A_51 = arith.constant 896 : i32
    %dma_start3A_52 = tpu.memref_slice %arg8[%dma_start3A_51] : memref<3200xi32, #tpu.memory_space<vmem>> -> memref<128xi32, #tpu.memory_space<vmem>>
    %dma_start3A_53 = arith.constant 0 : i32
    %dma_start3A_54 = tpu.memref_slice %arg2[%dma_start3A_53] : memref<2097152xf32, #tpu.memory_space<hbm>> -> memref<2097152xf32, #tpu.memory_space<hbm>>
    tpu.enqueue_indirect_dma source(%dma_start3A_54 : memref<2097152xf32, #tpu.memory_space<hbm>>) target(%dma_start3A_50 : memref<128xf32, #tpu.memory_space<vmem>>) offsets(%dma_start3A_52 : memref<128xi32, #tpu.memory_space<vmem>>) semaphore(%arg14 : memref<!tpu.dma_semaphore, #tpu.memory_space<semaphore_mem>>)
    %dma_start3A_55 = arith.constant 1024 : i32
    %dma_start3A_56 = tpu.memref_slice %arg11[%dma_start3A_55] : memref<3200xf32, #tpu.memory_space<vmem>> -> memref<128xf32, #tpu.memory_space<vmem>>
    %dma_start3A_57 = arith.constant 1024 : i32
    %dma_start3A_58 = tpu.memref_slice %arg8[%dma_start3A_57] : memref<3200xi32, #tpu.memory_space<vmem>> -> memref<128xi32, #tpu.memory_space<vmem>>
    %dma_start3A_59 = arith.constant 0 : i32
    %dma_start3A_60 = tpu.memref_slice %arg2[%dma_start3A_59] : memref<2097152xf32, #tpu.memory_space<hbm>> -> memref<2097152xf32, #tpu.memory_space<hbm>>
    tpu.enqueue_indirect_dma source(%dma_start3A_60 : memref<2097152xf32, #tpu.memory_space<hbm>>) target(%dma_start3A_56 : memref<128xf32, #tpu.memory_space<vmem>>) offsets(%dma_start3A_58 : memref<128xi32, #tpu.memory_space<vmem>>) semaphore(%arg14 : memref<!tpu.dma_semaphore, #tpu.memory_space<semaphore_mem>>)
    %dma_start3A_61 = arith.constant 1152 : i32
    %dma_start3A_62 = tpu.memref_slice %arg11[%dma_start3A_61] : memref<3200xf32, #tpu.memory_space<vmem>> -> memref<128xf32, #tpu.memory_space<vmem>>
    %dma_start3A_63 = arith.constant 1152 : i32
    %dma_start3A_64 = tpu.memref_slice %arg8[%dma_start3A_63] : memref<3200xi32, #tpu.memory_space<vmem>> -> memref<128xi32, #tpu.memory_space<vmem>>
    %dma_start3A_65 = arith.constant 0 : i32
    %dma_start3A_66 = tpu.memref_slice %arg2[%dma_start3A_65] : memref<2097152xf32, #tpu.memory_space<hbm>> -> memref<2097152xf32, #tpu.memory_space<hbm>>
    tpu.enqueue_indirect_dma source(%dma_start3A_66 : memref<2097152xf32, #tpu.memory_space<hbm>>) target(%dma_start3A_62 : memref<128xf32, #tpu.memory_space<vmem>>) offsets(%dma_start3A_64 : memref<128xi32, #tpu.memory_space<vmem>>) semaphore(%arg14 : memref<!tpu.dma_semaphore, #tpu.memory_space<semaphore_mem>>)
    %dma_start3A_67 = arith.constant 1280 : i32
    %dma_start3A_68 = tpu.memref_slice %arg11[%dma_start3A_67] : memref<3200xf32, #tpu.memory_space<vmem>> -> memref<128xf32, #tpu.memory_space<vmem>>
    %dma_start3A_69 = arith.constant 1280 : i32
    %dma_start3A_70 = tpu.memref_slice %arg8[%dma_start3A_69] : memref<3200xi32, #tpu.memory_space<vmem>> -> memref<128xi32, #tpu.memory_space<vmem>>
    %dma_start3A_71 = arith.constant 0 : i32
    %dma_start3A_72 = tpu.memref_slice %arg2[%dma_start3A_71] : memref<2097152xf32, #tpu.memory_space<hbm>> -> memref<2097152xf32, #tpu.memory_space<hbm>>
    tpu.enqueue_indirect_dma source(%dma_start3A_72 : memref<2097152xf32, #tpu.memory_space<hbm>>) target(%dma_start3A_68 : memref<128xf32, #tpu.memory_space<vmem>>) offsets(%dma_start3A_70 : memref<128xi32, #tpu.memory_space<vmem>>) semaphore(%arg14 : memref<!tpu.dma_semaphore, #tpu.memory_space<semaphore_mem>>)
    %dma_start3A_73 = arith.constant 1408 : i32
    %dma_start3A_74 = tpu.memref_slice %arg11[%dma_start3A_73] : memref<3200xf32, #tpu.memory_space<vmem>> -> memref<128xf32, #tpu.memory_space<vmem>>
    %dma_start3A_75 = arith.constant 1408 : i32
    %dma_start3A_76 = tpu.memref_slice %arg8[%dma_start3A_75] : memref<3200xi32, #tpu.memory_space<vmem>> -> memref<128xi32, #tpu.memory_space<vmem>>
    %dma_start3A_77 = arith.constant 0 : i32
    %dma_start3A_78 = tpu.memref_slice %arg2[%dma_start3A_77] : memref<2097152xf32, #tpu.memory_space<hbm>> -> memref<2097152xf32, #tpu.memory_space<hbm>>
    tpu.enqueue_indirect_dma source(%dma_start3A_78 : memref<2097152xf32, #tpu.memory_space<hbm>>) target(%dma_start3A_74 : memref<128xf32, #tpu.memory_space<vmem>>) offsets(%dma_start3A_76 : memref<128xi32, #tpu.memory_space<vmem>>) semaphore(%arg14 : memref<!tpu.dma_semaphore, #tpu.memory_space<semaphore_mem>>)
    %dma_start3A_79 = arith.constant 1536 : i32
    %dma_start3A_80 = tpu.memref_slice %arg11[%dma_start3A_79] : memref<3200xf32, #tpu.memory_space<vmem>> -> memref<128xf32, #tpu.memory_space<vmem>>
    %dma_start3A_81 = arith.constant 1536 : i32
    %dma_start3A_82 = tpu.memref_slice %arg8[%dma_start3A_81] : memref<3200xi32, #tpu.memory_space<vmem>> -> memref<128xi32, #tpu.memory_space<vmem>>
    %dma_start3A_83 = arith.constant 0 : i32
    %dma_start3A_84 = tpu.memref_slice %arg2[%dma_start3A_83] : memref<2097152xf32, #tpu.memory_space<hbm>> -> memref<2097152xf32, #tpu.memory_space<hbm>>
    tpu.enqueue_indirect_dma source(%dma_start3A_84 : memref<2097152xf32, #tpu.memory_space<hbm>>) target(%dma_start3A_80 : memref<128xf32, #tpu.memory_space<vmem>>) offsets(%dma_start3A_82 : memref<128xi32, #tpu.memory_space<vmem>>) semaphore(%arg14 : memref<!tpu.dma_semaphore, #tpu.memory_space<semaphore_mem>>)
    %dma_start3A_85 = arith.constant 1664 : i32
    %dma_start3A_86 = tpu.memref_slice %arg11[%dma_start3A_85] : memref<3200xf32, #tpu.memory_space<vmem>> -> memref<128xf32, #tpu.memory_space<vmem>>
    %dma_start3A_87 = arith.constant 1664 : i32
    %dma_start3A_88 = tpu.memref_slice %arg8[%dma_start3A_87] : memref<3200xi32, #tpu.memory_space<vmem>> -> memref<128xi32, #tpu.memory_space<vmem>>
    %dma_start3A_89 = arith.constant 0 : i32
    %dma_start3A_90 = tpu.memref_slice %arg2[%dma_start3A_89] : memref<2097152xf32, #tpu.memory_space<hbm>> -> memref<2097152xf32, #tpu.memory_space<hbm>>
    tpu.enqueue_indirect_dma source(%dma_start3A_90 : memref<2097152xf32, #tpu.memory_space<hbm>>) target(%dma_start3A_86 : memref<128xf32, #tpu.memory_space<vmem>>) offsets(%dma_start3A_88 : memref<128xi32, #tpu.memory_space<vmem>>) semaphore(%arg14 : memref<!tpu.dma_semaphore, #tpu.memory_space<semaphore_mem>>)
    %dma_start3A_91 = arith.constant 1792 : i32
    %dma_start3A_92 = tpu.memref_slice %arg11[%dma_start3A_91] : memref<3200xf32, #tpu.memory_space<vmem>> -> memref<128xf32, #tpu.memory_space<vmem>>
    %dma_start3A_93 = arith.constant 1792 : i32
    %dma_start3A_94 = tpu.memref_slice %arg8[%dma_start3A_93] : memref<3200xi32, #tpu.memory_space<vmem>> -> memref<128xi32, #tpu.memory_space<vmem>>
    %dma_start3A_95 = arith.constant 0 : i32
    %dma_start3A_96 = tpu.memref_slice %arg2[%dma_start3A_95] : memref<2097152xf32, #tpu.memory_space<hbm>> -> memref<2097152xf32, #tpu.memory_space<hbm>>
    tpu.enqueue_indirect_dma source(%dma_start3A_96 : memref<2097152xf32, #tpu.memory_space<hbm>>) target(%dma_start3A_92 : memref<128xf32, #tpu.memory_space<vmem>>) offsets(%dma_start3A_94 : memref<128xi32, #tpu.memory_space<vmem>>) semaphore(%arg14 : memref<!tpu.dma_semaphore, #tpu.memory_space<semaphore_mem>>)
    %dma_start3A_97 = arith.constant 1920 : i32
    %dma_start3A_98 = tpu.memref_slice %arg11[%dma_start3A_97] : memref<3200xf32, #tpu.memory_space<vmem>> -> memref<128xf32, #tpu.memory_space<vmem>>
    %dma_start3A_99 = arith.constant 1920 : i32
    %dma_start3A_100 = tpu.memref_slice %arg8[%dma_start3A_99] : memref<3200xi32, #tpu.memory_space<vmem>> -> memref<128xi32, #tpu.memory_space<vmem>>
    %dma_start3A_101 = arith.constant 0 : i32
    %dma_start3A_102 = tpu.memref_slice %arg2[%dma_start3A_101] : memref<2097152xf32, #tpu.memory_space<hbm>> -> memref<2097152xf32, #tpu.memory_space<hbm>>
    tpu.enqueue_indirect_dma source(%dma_start3A_102 : memref<2097152xf32, #tpu.memory_space<hbm>>) target(%dma_start3A_98 : memref<128xf32, #tpu.memory_space<vmem>>) offsets(%dma_start3A_100 : memref<128xi32, #tpu.memory_space<vmem>>) semaphore(%arg14 : memref<!tpu.dma_semaphore, #tpu.memory_space<semaphore_mem>>)
    %dma_start3A_103 = arith.constant 2048 : i32
    %dma_start3A_104 = tpu.memref_slice %arg11[%dma_start3A_103] : memref<3200xf32, #tpu.memory_space<vmem>> -> memref<128xf32, #tpu.memory_space<vmem>>
    %dma_start3A_105 = arith.constant 2048 : i32
    %dma_start3A_106 = tpu.memref_slice %arg8[%dma_start3A_105] : memref<3200xi32, #tpu.memory_space<vmem>> -> memref<128xi32, #tpu.memory_space<vmem>>
    %dma_start3A_107 = arith.constant 0 : i32
    %dma_start3A_108 = tpu.memref_slice %arg2[%dma_start3A_107] : memref<2097152xf32, #tpu.memory_space<hbm>> -> memref<2097152xf32, #tpu.memory_space<hbm>>
    tpu.enqueue_indirect_dma source(%dma_start3A_108 : memref<2097152xf32, #tpu.memory_space<hbm>>) target(%dma_start3A_104 : memref<128xf32, #tpu.memory_space<vmem>>) offsets(%dma_start3A_106 : memref<128xi32, #tpu.memory_space<vmem>>) semaphore(%arg14 : memref<!tpu.dma_semaphore, #tpu.memory_space<semaphore_mem>>)
    %dma_start3A_109 = arith.constant 2176 : i32
    %dma_start3A_110 = tpu.memref_slice %arg11[%dma_start3A_109] : memref<3200xf32, #tpu.memory_space<vmem>> -> memref<128xf32, #tpu.memory_space<vmem>>
    %dma_start3A_111 = arith.constant 2176 : i32
    %dma_start3A_112 = tpu.memref_slice %arg8[%dma_start3A_111] : memref<3200xi32, #tpu.memory_space<vmem>> -> memref<128xi32, #tpu.memory_space<vmem>>
    %dma_start3A_113 = arith.constant 0 : i32
    %dma_start3A_114 = tpu.memref_slice %arg2[%dma_start3A_113] : memref<2097152xf32, #tpu.memory_space<hbm>> -> memref<2097152xf32, #tpu.memory_space<hbm>>
    tpu.enqueue_indirect_dma source(%dma_start3A_114 : memref<2097152xf32, #tpu.memory_space<hbm>>) target(%dma_start3A_110 : memref<128xf32, #tpu.memory_space<vmem>>) offsets(%dma_start3A_112 : memref<128xi32, #tpu.memory_space<vmem>>) semaphore(%arg14 : memref<!tpu.dma_semaphore, #tpu.memory_space<semaphore_mem>>)
    %dma_start3A_115 = arith.constant 2304 : i32
    %dma_start3A_116 = tpu.memref_slice %arg11[%dma_start3A_115] : memref<3200xf32, #tpu.memory_space<vmem>> -> memref<128xf32, #tpu.memory_space<vmem>>
    %dma_start3A_117 = arith.constant 2304 : i32
    %dma_start3A_118 = tpu.memref_slice %arg8[%dma_start3A_117] : memref<3200xi32, #tpu.memory_space<vmem>> -> memref<128xi32, #tpu.memory_space<vmem>>
    %dma_start3A_119 = arith.constant 0 : i32
    %dma_start3A_120 = tpu.memref_slice %arg2[%dma_start3A_119] : memref<2097152xf32, #tpu.memory_space<hbm>> -> memref<2097152xf32, #tpu.memory_space<hbm>>
    tpu.enqueue_indirect_dma source(%dma_start3A_120 : memref<2097152xf32, #tpu.memory_space<hbm>>) target(%dma_start3A_116 : memref<128xf32, #tpu.memory_space<vmem>>) offsets(%dma_start3A_118 : memref<128xi32, #tpu.memory_space<vmem>>) semaphore(%arg14 : memref<!tpu.dma_semaphore, #tpu.memory_space<semaphore_mem>>)
    %dma_start3A_121 = arith.constant 2432 : i32
    %dma_start3A_122 = tpu.memref_slice %arg11[%dma_start3A_121] : memref<3200xf32, #tpu.memory_space<vmem>> -> memref<128xf32, #tpu.memory_space<vmem>>
    %dma_start3A_123 = arith.constant 2432 : i32
    %dma_start3A_124 = tpu.memref_slice %arg8[%dma_start3A_123] : memref<3200xi32, #tpu.memory_space<vmem>> -> memref<128xi32, #tpu.memory_space<vmem>>
    %dma_start3A_125 = arith.constant 0 : i32
    %dma_start3A_126 = tpu.memref_slice %arg2[%dma_start3A_125] : memref<2097152xf32, #tpu.memory_space<hbm>> -> memref<2097152xf32, #tpu.memory_space<hbm>>
    tpu.enqueue_indirect_dma source(%dma_start3A_126 : memref<2097152xf32, #tpu.memory_space<hbm>>) target(%dma_start3A_122 : memref<128xf32, #tpu.memory_space<vmem>>) offsets(%dma_start3A_124 : memref<128xi32, #tpu.memory_space<vmem>>) semaphore(%arg14 : memref<!tpu.dma_semaphore, #tpu.memory_space<semaphore_mem>>)
    %dma_start3A_127 = arith.constant 2560 : i32
    %dma_start3A_128 = tpu.memref_slice %arg11[%dma_start3A_127] : memref<3200xf32, #tpu.memory_space<vmem>> -> memref<128xf32, #tpu.memory_space<vmem>>
    %dma_start3A_129 = arith.constant 2560 : i32
    %dma_start3A_130 = tpu.memref_slice %arg8[%dma_start3A_129] : memref<3200xi32, #tpu.memory_space<vmem>> -> memref<128xi32, #tpu.memory_space<vmem>>
    %dma_start3A_131 = arith.constant 0 : i32
    %dma_start3A_132 = tpu.memref_slice %arg2[%dma_start3A_131] : memref<2097152xf32, #tpu.memory_space<hbm>> -> memref<2097152xf32, #tpu.memory_space<hbm>>
    tpu.enqueue_indirect_dma source(%dma_start3A_132 : memref<2097152xf32, #tpu.memory_space<hbm>>) target(%dma_start3A_128 : memref<128xf32, #tpu.memory_space<vmem>>) offsets(%dma_start3A_130 : memref<128xi32, #tpu.memory_space<vmem>>) semaphore(%arg14 : memref<!tpu.dma_semaphore, #tpu.memory_space<semaphore_mem>>)
    %dma_start3A_133 = arith.constant 2688 : i32
    %dma_start3A_134 = tpu.memref_slice %arg11[%dma_start3A_133] : memref<3200xf32, #tpu.memory_space<vmem>> -> memref<128xf32, #tpu.memory_space<vmem>>
    %dma_start3A_135 = arith.constant 2688 : i32
    %dma_start3A_136 = tpu.memref_slice %arg8[%dma_start3A_135] : memref<3200xi32, #tpu.memory_space<vmem>> -> memref<128xi32, #tpu.memory_space<vmem>>
    %dma_start3A_137 = arith.constant 0 : i32
    %dma_start3A_138 = tpu.memref_slice %arg2[%dma_start3A_137] : memref<2097152xf32, #tpu.memory_space<hbm>> -> memref<2097152xf32, #tpu.memory_space<hbm>>
    tpu.enqueue_indirect_dma source(%dma_start3A_138 : memref<2097152xf32, #tpu.memory_space<hbm>>) target(%dma_start3A_134 : memref<128xf32, #tpu.memory_space<vmem>>) offsets(%dma_start3A_136 : memref<128xi32, #tpu.memory_space<vmem>>) semaphore(%arg14 : memref<!tpu.dma_semaphore, #tpu.memory_space<semaphore_mem>>)
    %dma_start3A_139 = arith.constant 2816 : i32
    %dma_start3A_140 = tpu.memref_slice %arg11[%dma_start3A_139] : memref<3200xf32, #tpu.memory_space<vmem>> -> memref<128xf32, #tpu.memory_space<vmem>>
    %dma_start3A_141 = arith.constant 2816 : i32
    %dma_start3A_142 = tpu.memref_slice %arg8[%dma_start3A_141] : memref<3200xi32, #tpu.memory_space<vmem>> -> memref<128xi32, #tpu.memory_space<vmem>>
    %dma_start3A_143 = arith.constant 0 : i32
    %dma_start3A_144 = tpu.memref_slice %arg2[%dma_start3A_143] : memref<2097152xf32, #tpu.memory_space<hbm>> -> memref<2097152xf32, #tpu.memory_space<hbm>>
    tpu.enqueue_indirect_dma source(%dma_start3A_144 : memref<2097152xf32, #tpu.memory_space<hbm>>) target(%dma_start3A_140 : memref<128xf32, #tpu.memory_space<vmem>>) offsets(%dma_start3A_142 : memref<128xi32, #tpu.memory_space<vmem>>) semaphore(%arg14 : memref<!tpu.dma_semaphore, #tpu.memory_space<semaphore_mem>>)
    %dma_start3A_145 = arith.constant 2944 : i32
    %dma_start3A_146 = tpu.memref_slice %arg11[%dma_start3A_145] : memref<3200xf32, #tpu.memory_space<vmem>> -> memref<128xf32, #tpu.memory_space<vmem>>
    %dma_start3A_147 = arith.constant 2944 : i32
    %dma_start3A_148 = tpu.memref_slice %arg8[%dma_start3A_147] : memref<3200xi32, #tpu.memory_space<vmem>> -> memref<128xi32, #tpu.memory_space<vmem>>
    %dma_start3A_149 = arith.constant 0 : i32
    %dma_start3A_150 = tpu.memref_slice %arg2[%dma_start3A_149] : memref<2097152xf32, #tpu.memory_space<hbm>> -> memref<2097152xf32, #tpu.memory_space<hbm>>
    tpu.enqueue_indirect_dma source(%dma_start3A_150 : memref<2097152xf32, #tpu.memory_space<hbm>>) target(%dma_start3A_146 : memref<128xf32, #tpu.memory_space<vmem>>) offsets(%dma_start3A_148 : memref<128xi32, #tpu.memory_space<vmem>>) semaphore(%arg14 : memref<!tpu.dma_semaphore, #tpu.memory_space<semaphore_mem>>)
    %dma_start3A_151 = arith.constant 3072 : i32
    %dma_start3A_152 = tpu.memref_slice %arg11[%dma_start3A_151] : memref<3200xf32, #tpu.memory_space<vmem>> -> memref<128xf32, #tpu.memory_space<vmem>>
    %dma_start3A_153 = arith.constant 3072 : i32
    %dma_start3A_154 = tpu.memref_slice %arg8[%dma_start3A_153] : memref<3200xi32, #tpu.memory_space<vmem>> -> memref<128xi32, #tpu.memory_space<vmem>>
    %dma_start3A_155 = arith.constant 0 : i32
    %dma_start3A_156 = tpu.memref_slice %arg2[%dma_start3A_155] : memref<2097152xf32, #tpu.memory_space<hbm>> -> memref<2097152xf32, #tpu.memory_space<hbm>>
    tpu.enqueue_indirect_dma source(%dma_start3A_156 : memref<2097152xf32, #tpu.memory_space<hbm>>) target(%dma_start3A_152 : memref<128xf32, #tpu.memory_space<vmem>>) offsets(%dma_start3A_154 : memref<128xi32, #tpu.memory_space<vmem>>) semaphore(%arg14 : memref<!tpu.dma_semaphore, #tpu.memory_space<semaphore_mem>>)
    %dma_start3A_157 = arith.constant 0 : i32
    %dma_start3A_158 = tpu.memref_slice %arg12[%dma_start3A_157] : memref<3200xf32, #tpu.memory_space<vmem>> -> memref<128xf32, #tpu.memory_space<vmem>>
    %dma_start3A_159 = arith.constant 0 : i32
    %dma_start3A_160 = tpu.memref_slice %arg9[%dma_start3A_159] : memref<3200xi32, #tpu.memory_space<vmem>> -> memref<128xi32, #tpu.memory_space<vmem>>
    %dma_start3A_161 = arith.constant 0 : i32
    %dma_start3A_162 = tpu.memref_slice %arg2[%dma_start3A_161] : memref<2097152xf32, #tpu.memory_space<hbm>> -> memref<2097152xf32, #tpu.memory_space<hbm>>
    tpu.enqueue_indirect_dma source(%dma_start3A_162 : memref<2097152xf32, #tpu.memory_space<hbm>>) target(%dma_start3A_158 : memref<128xf32, #tpu.memory_space<vmem>>) offsets(%dma_start3A_160 : memref<128xi32, #tpu.memory_space<vmem>>) semaphore(%arg15 : memref<!tpu.dma_semaphore, #tpu.memory_space<semaphore_mem>>)
    %dma_start3A_163 = arith.constant 128 : i32
    %dma_start3A_164 = tpu.memref_slice %arg12[%dma_start3A_163] : memref<3200xf32, #tpu.memory_space<vmem>> -> memref<128xf32, #tpu.memory_space<vmem>>
    %dma_start3A_165 = arith.constant 128 : i32
    %dma_start3A_166 = tpu.memref_slice %arg9[%dma_start3A_165] : memref<3200xi32, #tpu.memory_space<vmem>> -> memref<128xi32, #tpu.memory_space<vmem>>
    %dma_start3A_167 = arith.constant 0 : i32
    %dma_start3A_168 = tpu.memref_slice %arg2[%dma_start3A_167] : memref<2097152xf32, #tpu.memory_space<hbm>> -> memref<2097152xf32, #tpu.memory_space<hbm>>
    tpu.enqueue_indirect_dma source(%dma_start3A_168 : memref<2097152xf32, #tpu.memory_space<hbm>>) target(%dma_start3A_164 : memref<128xf32, #tpu.memory_space<vmem>>) offsets(%dma_start3A_166 : memref<128xi32, #tpu.memory_space<vmem>>) semaphore(%arg15 : memref<!tpu.dma_semaphore, #tpu.memory_space<semaphore_mem>>)
    %dma_start3A_169 = arith.constant 256 : i32
    %dma_start3A_170 = tpu.memref_slice %arg12[%dma_start3A_169] : memref<3200xf32, #tpu.memory_space<vmem>> -> memref<128xf32, #tpu.memory_space<vmem>>
    %dma_start3A_171 = arith.constant 256 : i32
    %dma_start3A_172 = tpu.memref_slice %arg9[%dma_start3A_171] : memref<3200xi32, #tpu.memory_space<vmem>> -> memref<128xi32, #tpu.memory_space<vmem>>
    %dma_start3A_173 = arith.constant 0 : i32
    %dma_start3A_174 = tpu.memref_slice %arg2[%dma_start3A_173] : memref<2097152xf32, #tpu.memory_space<hbm>> -> memref<2097152xf32, #tpu.memory_space<hbm>>
    tpu.enqueue_indirect_dma source(%dma_start3A_174 : memref<2097152xf32, #tpu.memory_space<hbm>>) target(%dma_start3A_170 : memref<128xf32, #tpu.memory_space<vmem>>) offsets(%dma_start3A_172 : memref<128xi32, #tpu.memory_space<vmem>>) semaphore(%arg15 : memref<!tpu.dma_semaphore, #tpu.memory_space<semaphore_mem>>)
    %dma_start3A_175 = arith.constant 384 : i32
    %dma_start3A_176 = tpu.memref_slice %arg12[%dma_start3A_175] : memref<3200xf32, #tpu.memory_space<vmem>> -> memref<128xf32, #tpu.memory_space<vmem>>
    %dma_start3A_177 = arith.constant 384 : i32
    %dma_start3A_178 = tpu.memref_slice %arg9[%dma_start3A_177] : memref<3200xi32, #tpu.memory_space<vmem>> -> memref<128xi32, #tpu.memory_space<vmem>>
    %dma_start3A_179 = arith.constant 0 : i32
    %dma_start3A_180 = tpu.memref_slice %arg2[%dma_start3A_179] : memref<2097152xf32, #tpu.memory_space<hbm>> -> memref<2097152xf32, #tpu.memory_space<hbm>>
    tpu.enqueue_indirect_dma source(%dma_start3A_180 : memref<2097152xf32, #tpu.memory_space<hbm>>) target(%dma_start3A_176 : memref<128xf32, #tpu.memory_space<vmem>>) offsets(%dma_start3A_178 : memref<128xi32, #tpu.memory_space<vmem>>) semaphore(%arg15 : memref<!tpu.dma_semaphore, #tpu.memory_space<semaphore_mem>>)
    %dma_start3A_181 = arith.constant 512 : i32
    %dma_start3A_182 = tpu.memref_slice %arg12[%dma_start3A_181] : memref<3200xf32, #tpu.memory_space<vmem>> -> memref<128xf32, #tpu.memory_space<vmem>>
    %dma_start3A_183 = arith.constant 512 : i32
    %dma_start3A_184 = tpu.memref_slice %arg9[%dma_start3A_183] : memref<3200xi32, #tpu.memory_space<vmem>> -> memref<128xi32, #tpu.memory_space<vmem>>
    %dma_start3A_185 = arith.constant 0 : i32
    %dma_start3A_186 = tpu.memref_slice %arg2[%dma_start3A_185] : memref<2097152xf32, #tpu.memory_space<hbm>> -> memref<2097152xf32, #tpu.memory_space<hbm>>
    tpu.enqueue_indirect_dma source(%dma_start3A_186 : memref<2097152xf32, #tpu.memory_space<hbm>>) target(%dma_start3A_182 : memref<128xf32, #tpu.memory_space<vmem>>) offsets(%dma_start3A_184 : memref<128xi32, #tpu.memory_space<vmem>>) semaphore(%arg15 : memref<!tpu.dma_semaphore, #tpu.memory_space<semaphore_mem>>)
    %dma_start3A_187 = arith.constant 640 : i32
    %dma_start3A_188 = tpu.memref_slice %arg12[%dma_start3A_187] : memref<3200xf32, #tpu.memory_space<vmem>> -> memref<128xf32, #tpu.memory_space<vmem>>
    %dma_start3A_189 = arith.constant 640 : i32
    %dma_start3A_190 = tpu.memref_slice %arg9[%dma_start3A_189] : memref<3200xi32, #tpu.memory_space<vmem>> -> memref<128xi32, #tpu.memory_space<vmem>>
    %dma_start3A_191 = arith.constant 0 : i32
    %dma_start3A_192 = tpu.memref_slice %arg2[%dma_start3A_191] : memref<2097152xf32, #tpu.memory_space<hbm>> -> memref<2097152xf32, #tpu.memory_space<hbm>>
    tpu.enqueue_indirect_dma source(%dma_start3A_192 : memref<2097152xf32, #tpu.memory_space<hbm>>) target(%dma_start3A_188 : memref<128xf32, #tpu.memory_space<vmem>>) offsets(%dma_start3A_190 : memref<128xi32, #tpu.memory_space<vmem>>) semaphore(%arg15 : memref<!tpu.dma_semaphore, #tpu.memory_space<semaphore_mem>>)
    %dma_start3A_193 = arith.constant 768 : i32
    %dma_start3A_194 = tpu.memref_slice %arg12[%dma_start3A_193] : memref<3200xf32, #tpu.memory_space<vmem>> -> memref<128xf32, #tpu.memory_space<vmem>>
    %dma_start3A_195 = arith.constant 768 : i32
    %dma_start3A_196 = tpu.memref_slice %arg9[%dma_start3A_195] : memref<3200xi32, #tpu.memory_space<vmem>> -> memref<128xi32, #tpu.memory_space<vmem>>
    %dma_start3A_197 = arith.constant 0 : i32
    %dma_start3A_198 = tpu.memref_slice %arg2[%dma_start3A_197] : memref<2097152xf32, #tpu.memory_space<hbm>> -> memref<2097152xf32, #tpu.memory_space<hbm>>
    tpu.enqueue_indirect_dma source(%dma_start3A_198 : memref<2097152xf32, #tpu.memory_space<hbm>>) target(%dma_start3A_194 : memref<128xf32, #tpu.memory_space<vmem>>) offsets(%dma_start3A_196 : memref<128xi32, #tpu.memory_space<vmem>>) semaphore(%arg15 : memref<!tpu.dma_semaphore, #tpu.memory_space<semaphore_mem>>)
    %dma_start3A_199 = arith.constant 896 : i32
    %dma_start3A_200 = tpu.memref_slice %arg12[%dma_start3A_199] : memref<3200xf32, #tpu.memory_space<vmem>> -> memref<128xf32, #tpu.memory_space<vmem>>
    %dma_start3A_201 = arith.constant 896 : i32
    %dma_start3A_202 = tpu.memref_slice %arg9[%dma_start3A_201] : memref<3200xi32, #tpu.memory_space<vmem>> -> memref<128xi32, #tpu.memory_space<vmem>>
    %dma_start3A_203 = arith.constant 0 : i32
    %dma_start3A_204 = tpu.memref_slice %arg2[%dma_start3A_203] : memref<2097152xf32, #tpu.memory_space<hbm>> -> memref<2097152xf32, #tpu.memory_space<hbm>>
    tpu.enqueue_indirect_dma source(%dma_start3A_204 : memref<2097152xf32, #tpu.memory_space<hbm>>) target(%dma_start3A_200 : memref<128xf32, #tpu.memory_space<vmem>>) offsets(%dma_start3A_202 : memref<128xi32, #tpu.memory_space<vmem>>) semaphore(%arg15 : memref<!tpu.dma_semaphore, #tpu.memory_space<semaphore_mem>>)
    %dma_start3A_205 = arith.constant 1024 : i32
    %dma_start3A_206 = tpu.memref_slice %arg12[%dma_start3A_205] : memref<3200xf32, #tpu.memory_space<vmem>> -> memref<128xf32, #tpu.memory_space<vmem>>
    %dma_start3A_207 = arith.constant 1024 : i32
    %dma_start3A_208 = tpu.memref_slice %arg9[%dma_start3A_207] : memref<3200xi32, #tpu.memory_space<vmem>> -> memref<128xi32, #tpu.memory_space<vmem>>
    %dma_start3A_209 = arith.constant 0 : i32
    %dma_start3A_210 = tpu.memref_slice %arg2[%dma_start3A_209] : memref<2097152xf32, #tpu.memory_space<hbm>> -> memref<2097152xf32, #tpu.memory_space<hbm>>
    tpu.enqueue_indirect_dma source(%dma_start3A_210 : memref<2097152xf32, #tpu.memory_space<hbm>>) target(%dma_start3A_206 : memref<128xf32, #tpu.memory_space<vmem>>) offsets(%dma_start3A_208 : memref<128xi32, #tpu.memory_space<vmem>>) semaphore(%arg15 : memref<!tpu.dma_semaphore, #tpu.memory_space<semaphore_mem>>)
    %dma_start3A_211 = arith.constant 1152 : i32
    %dma_start3A_212 = tpu.memref_slice %arg12[%dma_start3A_211] : memref<3200xf32, #tpu.memory_space<vmem>> -> memref<128xf32, #tpu.memory_space<vmem>>
    %dma_start3A_213 = arith.constant 1152 : i32
    %dma_start3A_214 = tpu.memref_slice %arg9[%dma_start3A_213] : memref<3200xi32, #tpu.memory_space<vmem>> -> memref<128xi32, #tpu.memory_space<vmem>>
    %dma_start3A_215 = arith.constant 0 : i32
    %dma_start3A_216 = tpu.memref_slice %arg2[%dma_start3A_215] : memref<2097152xf32, #tpu.memory_space<hbm>> -> memref<2097152xf32, #tpu.memory_space<hbm>>
    tpu.enqueue_indirect_dma source(%dma_start3A_216 : memref<2097152xf32, #tpu.memory_space<hbm>>) target(%dma_start3A_212 : memref<128xf32, #tpu.memory_space<vmem>>) offsets(%dma_start3A_214 : memref<128xi32, #tpu.memory_space<vmem>>) semaphore(%arg15 : memref<!tpu.dma_semaphore, #tpu.memory_space<semaphore_mem>>)
    %dma_start3A_217 = arith.constant 1280 : i32
    %dma_start3A_218 = tpu.memref_slice %arg12[%dma_start3A_217] : memref<3200xf32, #tpu.memory_space<vmem>> -> memref<128xf32, #tpu.memory_space<vmem>>
    %dma_start3A_219 = arith.constant 1280 : i32
    %dma_start3A_220 = tpu.memref_slice %arg9[%dma_start3A_219] : memref<3200xi32, #tpu.memory_space<vmem>> -> memref<128xi32, #tpu.memory_space<vmem>>
    %dma_start3A_221 = arith.constant 0 : i32
    %dma_start3A_222 = tpu.memref_slice %arg2[%dma_start3A_221] : memref<2097152xf32, #tpu.memory_space<hbm>> -> memref<2097152xf32, #tpu.memory_space<hbm>>
    tpu.enqueue_indirect_dma source(%dma_start3A_222 : memref<2097152xf32, #tpu.memory_space<hbm>>) target(%dma_start3A_218 : memref<128xf32, #tpu.memory_space<vmem>>) offsets(%dma_start3A_220 : memref<128xi32, #tpu.memory_space<vmem>>) semaphore(%arg15 : memref<!tpu.dma_semaphore, #tpu.memory_space<semaphore_mem>>)
    %dma_start3A_223 = arith.constant 1408 : i32
    %dma_start3A_224 = tpu.memref_slice %arg12[%dma_start3A_223] : memref<3200xf32, #tpu.memory_space<vmem>> -> memref<128xf32, #tpu.memory_space<vmem>>
    %dma_start3A_225 = arith.constant 1408 : i32
    %dma_start3A_226 = tpu.memref_slice %arg9[%dma_start3A_225] : memref<3200xi32, #tpu.memory_space<vmem>> -> memref<128xi32, #tpu.memory_space<vmem>>
    %dma_start3A_227 = arith.constant 0 : i32
    %dma_start3A_228 = tpu.memref_slice %arg2[%dma_start3A_227] : memref<2097152xf32, #tpu.memory_space<hbm>> -> memref<2097152xf32, #tpu.memory_space<hbm>>
    tpu.enqueue_indirect_dma source(%dma_start3A_228 : memref<2097152xf32, #tpu.memory_space<hbm>>) target(%dma_start3A_224 : memref<128xf32, #tpu.memory_space<vmem>>) offsets(%dma_start3A_226 : memref<128xi32, #tpu.memory_space<vmem>>) semaphore(%arg15 : memref<!tpu.dma_semaphore, #tpu.memory_space<semaphore_mem>>)
    %dma_start3A_229 = arith.constant 1536 : i32
    %dma_start3A_230 = tpu.memref_slice %arg12[%dma_start3A_229] : memref<3200xf32, #tpu.memory_space<vmem>> -> memref<128xf32, #tpu.memory_space<vmem>>
    %dma_start3A_231 = arith.constant 1536 : i32
    %dma_start3A_232 = tpu.memref_slice %arg9[%dma_start3A_231] : memref<3200xi32, #tpu.memory_space<vmem>> -> memref<128xi32, #tpu.memory_space<vmem>>
    %dma_start3A_233 = arith.constant 0 : i32
    %dma_start3A_234 = tpu.memref_slice %arg2[%dma_start3A_233] : memref<2097152xf32, #tpu.memory_space<hbm>> -> memref<2097152xf32, #tpu.memory_space<hbm>>
    tpu.enqueue_indirect_dma source(%dma_start3A_234 : memref<2097152xf32, #tpu.memory_space<hbm>>) target(%dma_start3A_230 : memref<128xf32, #tpu.memory_space<vmem>>) offsets(%dma_start3A_232 : memref<128xi32, #tpu.memory_space<vmem>>) semaphore(%arg15 : memref<!tpu.dma_semaphore, #tpu.memory_space<semaphore_mem>>)
    %dma_start3A_235 = arith.constant 1664 : i32
    %dma_start3A_236 = tpu.memref_slice %arg12[%dma_start3A_235] : memref<3200xf32, #tpu.memory_space<vmem>> -> memref<128xf32, #tpu.memory_space<vmem>>
    %dma_start3A_237 = arith.constant 1664 : i32
    %dma_start3A_238 = tpu.memref_slice %arg9[%dma_start3A_237] : memref<3200xi32, #tpu.memory_space<vmem>> -> memref<128xi32, #tpu.memory_space<vmem>>
    %dma_start3A_239 = arith.constant 0 : i32
    %dma_start3A_240 = tpu.memref_slice %arg2[%dma_start3A_239] : memref<2097152xf32, #tpu.memory_space<hbm>> -> memref<2097152xf32, #tpu.memory_space<hbm>>
    tpu.enqueue_indirect_dma source(%dma_start3A_240 : memref<2097152xf32, #tpu.memory_space<hbm>>) target(%dma_start3A_236 : memref<128xf32, #tpu.memory_space<vmem>>) offsets(%dma_start3A_238 : memref<128xi32, #tpu.memory_space<vmem>>) semaphore(%arg15 : memref<!tpu.dma_semaphore, #tpu.memory_space<semaphore_mem>>)
    %dma_start3A_241 = arith.constant 1792 : i32
    %dma_start3A_242 = tpu.memref_slice %arg12[%dma_start3A_241] : memref<3200xf32, #tpu.memory_space<vmem>> -> memref<128xf32, #tpu.memory_space<vmem>>
    %dma_start3A_243 = arith.constant 1792 : i32
    %dma_start3A_244 = tpu.memref_slice %arg9[%dma_start3A_243] : memref<3200xi32, #tpu.memory_space<vmem>> -> memref<128xi32, #tpu.memory_space<vmem>>
    %dma_start3A_245 = arith.constant 0 : i32
    %dma_start3A_246 = tpu.memref_slice %arg2[%dma_start3A_245] : memref<2097152xf32, #tpu.memory_space<hbm>> -> memref<2097152xf32, #tpu.memory_space<hbm>>
    tpu.enqueue_indirect_dma source(%dma_start3A_246 : memref<2097152xf32, #tpu.memory_space<hbm>>) target(%dma_start3A_242 : memref<128xf32, #tpu.memory_space<vmem>>) offsets(%dma_start3A_244 : memref<128xi32, #tpu.memory_space<vmem>>) semaphore(%arg15 : memref<!tpu.dma_semaphore, #tpu.memory_space<semaphore_mem>>)
    %dma_start3A_247 = arith.constant 1920 : i32
    %dma_start3A_248 = tpu.memref_slice %arg12[%dma_start3A_247] : memref<3200xf32, #tpu.memory_space<vmem>> -> memref<128xf32, #tpu.memory_space<vmem>>
    %dma_start3A_249 = arith.constant 1920 : i32
    %dma_start3A_250 = tpu.memref_slice %arg9[%dma_start3A_249] : memref<3200xi32, #tpu.memory_space<vmem>> -> memref<128xi32, #tpu.memory_space<vmem>>
    %dma_start3A_251 = arith.constant 0 : i32
    %dma_start3A_252 = tpu.memref_slice %arg2[%dma_start3A_251] : memref<2097152xf32, #tpu.memory_space<hbm>> -> memref<2097152xf32, #tpu.memory_space<hbm>>
    tpu.enqueue_indirect_dma source(%dma_start3A_252 : memref<2097152xf32, #tpu.memory_space<hbm>>) target(%dma_start3A_248 : memref<128xf32, #tpu.memory_space<vmem>>) offsets(%dma_start3A_250 : memref<128xi32, #tpu.memory_space<vmem>>) semaphore(%arg15 : memref<!tpu.dma_semaphore, #tpu.memory_space<semaphore_mem>>)
    %dma_start3A_253 = arith.constant 2048 : i32
    %dma_start3A_254 = tpu.memref_slice %arg12[%dma_start3A_253] : memref<3200xf32, #tpu.memory_space<vmem>> -> memref<128xf32, #tpu.memory_space<vmem>>
    %dma_start3A_255 = arith.constant 2048 : i32
    %dma_start3A_256 = tpu.memref_slice %arg9[%dma_start3A_255] : memref<3200xi32, #tpu.memory_space<vmem>> -> memref<128xi32, #tpu.memory_space<vmem>>
    %dma_start3A_257 = arith.constant 0 : i32
    %dma_start3A_258 = tpu.memref_slice %arg2[%dma_start3A_257] : memref<2097152xf32, #tpu.memory_space<hbm>> -> memref<2097152xf32, #tpu.memory_space<hbm>>
    tpu.enqueue_indirect_dma source(%dma_start3A_258 : memref<2097152xf32, #tpu.memory_space<hbm>>) target(%dma_start3A_254 : memref<128xf32, #tpu.memory_space<vmem>>) offsets(%dma_start3A_256 : memref<128xi32, #tpu.memory_space<vmem>>) semaphore(%arg15 : memref<!tpu.dma_semaphore, #tpu.memory_space<semaphore_mem>>)
    %dma_start3A_259 = arith.constant 2176 : i32
    %dma_start3A_260 = tpu.memref_slice %arg12[%dma_start3A_259] : memref<3200xf32, #tpu.memory_space<vmem>> -> memref<128xf32, #tpu.memory_space<vmem>>
    %dma_start3A_261 = arith.constant 2176 : i32
    %dma_start3A_262 = tpu.memref_slice %arg9[%dma_start3A_261] : memref<3200xi32, #tpu.memory_space<vmem>> -> memref<128xi32, #tpu.memory_space<vmem>>
    %dma_start3A_263 = arith.constant 0 : i32
    %dma_start3A_264 = tpu.memref_slice %arg2[%dma_start3A_263] : memref<2097152xf32, #tpu.memory_space<hbm>> -> memref<2097152xf32, #tpu.memory_space<hbm>>
    tpu.enqueue_indirect_dma source(%dma_start3A_264 : memref<2097152xf32, #tpu.memory_space<hbm>>) target(%dma_start3A_260 : memref<128xf32, #tpu.memory_space<vmem>>) offsets(%dma_start3A_262 : memref<128xi32, #tpu.memory_space<vmem>>) semaphore(%arg15 : memref<!tpu.dma_semaphore, #tpu.memory_space<semaphore_mem>>)
    %dma_start3A_265 = arith.constant 2304 : i32
    %dma_start3A_266 = tpu.memref_slice %arg12[%dma_start3A_265] : memref<3200xf32, #tpu.memory_space<vmem>> -> memref<128xf32, #tpu.memory_space<vmem>>
    %dma_start3A_267 = arith.constant 2304 : i32
    %dma_start3A_268 = tpu.memref_slice %arg9[%dma_start3A_267] : memref<3200xi32, #tpu.memory_space<vmem>> -> memref<128xi32, #tpu.memory_space<vmem>>
    %dma_start3A_269 = arith.constant 0 : i32
    %dma_start3A_270 = tpu.memref_slice %arg2[%dma_start3A_269] : memref<2097152xf32, #tpu.memory_space<hbm>> -> memref<2097152xf32, #tpu.memory_space<hbm>>
    tpu.enqueue_indirect_dma source(%dma_start3A_270 : memref<2097152xf32, #tpu.memory_space<hbm>>) target(%dma_start3A_266 : memref<128xf32, #tpu.memory_space<vmem>>) offsets(%dma_start3A_268 : memref<128xi32, #tpu.memory_space<vmem>>) semaphore(%arg15 : memref<!tpu.dma_semaphore, #tpu.memory_space<semaphore_mem>>)
    %dma_start3A_271 = arith.constant 2432 : i32
    %dma_start3A_272 = tpu.memref_slice %arg12[%dma_start3A_271] : memref<3200xf32, #tpu.memory_space<vmem>> -> memref<128xf32, #tpu.memory_space<vmem>>
    %dma_start3A_273 = arith.constant 2432 : i32
    %dma_start3A_274 = tpu.memref_slice %arg9[%dma_start3A_273] : memref<3200xi32, #tpu.memory_space<vmem>> -> memref<128xi32, #tpu.memory_space<vmem>>
    %dma_start3A_275 = arith.constant 0 : i32
    %dma_start3A_276 = tpu.memref_slice %arg2[%dma_start3A_275] : memref<2097152xf32, #tpu.memory_space<hbm>> -> memref<2097152xf32, #tpu.memory_space<hbm>>
    tpu.enqueue_indirect_dma source(%dma_start3A_276 : memref<2097152xf32, #tpu.memory_space<hbm>>) target(%dma_start3A_272 : memref<128xf32, #tpu.memory_space<vmem>>) offsets(%dma_start3A_274 : memref<128xi32, #tpu.memory_space<vmem>>) semaphore(%arg15 : memref<!tpu.dma_semaphore, #tpu.memory_space<semaphore_mem>>)
    %dma_start3A_277 = arith.constant 2560 : i32
    %dma_start3A_278 = tpu.memref_slice %arg12[%dma_start3A_277] : memref<3200xf32, #tpu.memory_space<vmem>> -> memref<128xf32, #tpu.memory_space<vmem>>
    %dma_start3A_279 = arith.constant 2560 : i32
    %dma_start3A_280 = tpu.memref_slice %arg9[%dma_start3A_279] : memref<3200xi32, #tpu.memory_space<vmem>> -> memref<128xi32, #tpu.memory_space<vmem>>
    %dma_start3A_281 = arith.constant 0 : i32
    %dma_start3A_282 = tpu.memref_slice %arg2[%dma_start3A_281] : memref<2097152xf32, #tpu.memory_space<hbm>> -> memref<2097152xf32, #tpu.memory_space<hbm>>
    tpu.enqueue_indirect_dma source(%dma_start3A_282 : memref<2097152xf32, #tpu.memory_space<hbm>>) target(%dma_start3A_278 : memref<128xf32, #tpu.memory_space<vmem>>) offsets(%dma_start3A_280 : memref<128xi32, #tpu.memory_space<vmem>>) semaphore(%arg15 : memref<!tpu.dma_semaphore, #tpu.memory_space<semaphore_mem>>)
    %dma_start3A_283 = arith.constant 2688 : i32
    %dma_start3A_284 = tpu.memref_slice %arg12[%dma_start3A_283] : memref<3200xf32, #tpu.memory_space<vmem>> -> memref<128xf32, #tpu.memory_space<vmem>>
    %dma_start3A_285 = arith.constant 2688 : i32
    %dma_start3A_286 = tpu.memref_slice %arg9[%dma_start3A_285] : memref<3200xi32, #tpu.memory_space<vmem>> -> memref<128xi32, #tpu.memory_space<vmem>>
    %dma_start3A_287 = arith.constant 0 : i32
    %dma_start3A_288 = tpu.memref_slice %arg2[%dma_start3A_287] : memref<2097152xf32, #tpu.memory_space<hbm>> -> memref<2097152xf32, #tpu.memory_space<hbm>>
    tpu.enqueue_indirect_dma source(%dma_start3A_288 : memref<2097152xf32, #tpu.memory_space<hbm>>) target(%dma_start3A_284 : memref<128xf32, #tpu.memory_space<vmem>>) offsets(%dma_start3A_286 : memref<128xi32, #tpu.memory_space<vmem>>) semaphore(%arg15 : memref<!tpu.dma_semaphore, #tpu.memory_space<semaphore_mem>>)
    %dma_start3A_289 = arith.constant 2816 : i32
    %dma_start3A_290 = tpu.memref_slice %arg12[%dma_start3A_289] : memref<3200xf32, #tpu.memory_space<vmem>> -> memref<128xf32, #tpu.memory_space<vmem>>
    %dma_start3A_291 = arith.constant 2816 : i32
    %dma_start3A_292 = tpu.memref_slice %arg9[%dma_start3A_291] : memref<3200xi32, #tpu.memory_space<vmem>> -> memref<128xi32, #tpu.memory_space<vmem>>
    %dma_start3A_293 = arith.constant 0 : i32
    %dma_start3A_294 = tpu.memref_slice %arg2[%dma_start3A_293] : memref<2097152xf32, #tpu.memory_space<hbm>> -> memref<2097152xf32, #tpu.memory_space<hbm>>
    tpu.enqueue_indirect_dma source(%dma_start3A_294 : memref<2097152xf32, #tpu.memory_space<hbm>>) target(%dma_start3A_290 : memref<128xf32, #tpu.memory_space<vmem>>) offsets(%dma_start3A_292 : memref<128xi32, #tpu.memory_space<vmem>>) semaphore(%arg15 : memref<!tpu.dma_semaphore, #tpu.memory_space<semaphore_mem>>)
    %dma_start3A_295 = arith.constant 2944 : i32
    %dma_start3A_296 = tpu.memref_slice %arg12[%dma_start3A_295] : memref<3200xf32, #tpu.memory_space<vmem>> -> memref<128xf32, #tpu.memory_space<vmem>>
    %dma_start3A_297 = arith.constant 2944 : i32
    %dma_start3A_298 = tpu.memref_slice %arg9[%dma_start3A_297] : memref<3200xi32, #tpu.memory_space<vmem>> -> memref<128xi32, #tpu.memory_space<vmem>>
    %dma_start3A_299 = arith.constant 0 : i32
    %dma_start3A_300 = tpu.memref_slice %arg2[%dma_start3A_299] : memref<2097152xf32, #tpu.memory_space<hbm>> -> memref<2097152xf32, #tpu.memory_space<hbm>>
    tpu.enqueue_indirect_dma source(%dma_start3A_300 : memref<2097152xf32, #tpu.memory_space<hbm>>) target(%dma_start3A_296 : memref<128xf32, #tpu.memory_space<vmem>>) offsets(%dma_start3A_298 : memref<128xi32, #tpu.memory_space<vmem>>) semaphore(%arg15 : memref<!tpu.dma_semaphore, #tpu.memory_space<semaphore_mem>>)
    %dma_start3A_301 = arith.constant 3072 : i32
    %dma_start3A_302 = tpu.memref_slice %arg12[%dma_start3A_301] : memref<3200xf32, #tpu.memory_space<vmem>> -> memref<128xf32, #tpu.memory_space<vmem>>
    %dma_start3A_303 = arith.constant 3072 : i32
    %dma_start3A_304 = tpu.memref_slice %arg9[%dma_start3A_303] : memref<3200xi32, #tpu.memory_space<vmem>> -> memref<128xi32, #tpu.memory_space<vmem>>
    %dma_start3A_305 = arith.constant 0 : i32
    %dma_start3A_306 = tpu.memref_slice %arg2[%dma_start3A_305] : memref<2097152xf32, #tpu.memory_space<hbm>> -> memref<2097152xf32, #tpu.memory_space<hbm>>
    tpu.enqueue_indirect_dma source(%dma_start3A_306 : memref<2097152xf32, #tpu.memory_space<hbm>>) target(%dma_start3A_302 : memref<128xf32, #tpu.memory_space<vmem>>) offsets(%dma_start3A_304 : memref<128xi32, #tpu.memory_space<vmem>>) semaphore(%arg15 : memref<!tpu.dma_semaphore, #tpu.memory_space<semaphore_mem>>)
    %dma_wait3A = arith.constant 0 : i32
    %dma_wait3A_307 = tpu.memref_slice %arg11[%dma_wait3A] : memref<3200xf32, #tpu.memory_space<vmem>> -> memref<128xf32, #tpu.memory_space<vmem>>
    %dma_wait3A_308 = arith.constant 0 : i32
    %dma_wait3A_309 = tpu.memref_slice %arg8[%dma_wait3A_308] : memref<3200xi32, #tpu.memory_space<vmem>> -> memref<128xi32, #tpu.memory_space<vmem>>
    %dma_wait3A_310 = arith.constant 0 : i32
    %dma_wait3A_311 = tpu.memref_slice %arg2[%dma_wait3A_310] : memref<2097152xf32, #tpu.memory_space<hbm>> -> memref<2097152xf32, #tpu.memory_space<hbm>>
    tpu.wait_indirect_dma semaphore(%arg14 : memref<!tpu.dma_semaphore, #tpu.memory_space<semaphore_mem>>) src(%dma_wait3A_311 : memref<2097152xf32, #tpu.memory_space<hbm>>) dst(%dma_wait3A_307 : memref<128xf32, #tpu.memory_space<vmem>>)
    %dma_wait3A_312 = arith.constant 128 : i32
    %dma_wait3A_313 = tpu.memref_slice %arg11[%dma_wait3A_312] : memref<3200xf32, #tpu.memory_space<vmem>> -> memref<128xf32, #tpu.memory_space<vmem>>
    %dma_wait3A_314 = arith.constant 128 : i32
    %dma_wait3A_315 = tpu.memref_slice %arg8[%dma_wait3A_314] : memref<3200xi32, #tpu.memory_space<vmem>> -> memref<128xi32, #tpu.memory_space<vmem>>
    %dma_wait3A_316 = arith.constant 0 : i32
    %dma_wait3A_317 = tpu.memref_slice %arg2[%dma_wait3A_316] : memref<2097152xf32, #tpu.memory_space<hbm>> -> memref<2097152xf32, #tpu.memory_space<hbm>>
    tpu.wait_indirect_dma semaphore(%arg14 : memref<!tpu.dma_semaphore, #tpu.memory_space<semaphore_mem>>) src(%dma_wait3A_317 : memref<2097152xf32, #tpu.memory_space<hbm>>) dst(%dma_wait3A_313 : memref<128xf32, #tpu.memory_space<vmem>>)
    %dma_wait3A_318 = arith.constant 256 : i32
    %dma_wait3A_319 = tpu.memref_slice %arg11[%dma_wait3A_318] : memref<3200xf32, #tpu.memory_space<vmem>> -> memref<128xf32, #tpu.memory_space<vmem>>
    %dma_wait3A_320 = arith.constant 256 : i32
    %dma_wait3A_321 = tpu.memref_slice %arg8[%dma_wait3A_320] : memref<3200xi32, #tpu.memory_space<vmem>> -> memref<128xi32, #tpu.memory_space<vmem>>
    %dma_wait3A_322 = arith.constant 0 : i32
    %dma_wait3A_323 = tpu.memref_slice %arg2[%dma_wait3A_322] : memref<2097152xf32, #tpu.memory_space<hbm>> -> memref<2097152xf32, #tpu.memory_space<hbm>>
    tpu.wait_indirect_dma semaphore(%arg14 : memref<!tpu.dma_semaphore, #tpu.memory_space<semaphore_mem>>) src(%dma_wait3A_323 : memref<2097152xf32, #tpu.memory_space<hbm>>) dst(%dma_wait3A_319 : memref<128xf32, #tpu.memory_space<vmem>>)
    %dma_wait3A_324 = arith.constant 384 : i32
    %dma_wait3A_325 = tpu.memref_slice %arg11[%dma_wait3A_324] : memref<3200xf32, #tpu.memory_space<vmem>> -> memref<128xf32, #tpu.memory_space<vmem>>
    %dma_wait3A_326 = arith.constant 384 : i32
    %dma_wait3A_327 = tpu.memref_slice %arg8[%dma_wait3A_326] : memref<3200xi32, #tpu.memory_space<vmem>> -> memref<128xi32, #tpu.memory_space<vmem>>
    %dma_wait3A_328 = arith.constant 0 : i32
    %dma_wait3A_329 = tpu.memref_slice %arg2[%dma_wait3A_328] : memref<2097152xf32, #tpu.memory_space<hbm>> -> memref<2097152xf32, #tpu.memory_space<hbm>>
    tpu.wait_indirect_dma semaphore(%arg14 : memref<!tpu.dma_semaphore, #tpu.memory_space<semaphore_mem>>) src(%dma_wait3A_329 : memref<2097152xf32, #tpu.memory_space<hbm>>) dst(%dma_wait3A_325 : memref<128xf32, #tpu.memory_space<vmem>>)
    %dma_wait3A_330 = arith.constant 512 : i32
    %dma_wait3A_331 = tpu.memref_slice %arg11[%dma_wait3A_330] : memref<3200xf32, #tpu.memory_space<vmem>> -> memref<128xf32, #tpu.memory_space<vmem>>
    %dma_wait3A_332 = arith.constant 512 : i32
    %dma_wait3A_333 = tpu.memref_slice %arg8[%dma_wait3A_332] : memref<3200xi32, #tpu.memory_space<vmem>> -> memref<128xi32, #tpu.memory_space<vmem>>
    %dma_wait3A_334 = arith.constant 0 : i32
    %dma_wait3A_335 = tpu.memref_slice %arg2[%dma_wait3A_334] : memref<2097152xf32, #tpu.memory_space<hbm>> -> memref<2097152xf32, #tpu.memory_space<hbm>>
    tpu.wait_indirect_dma semaphore(%arg14 : memref<!tpu.dma_semaphore, #tpu.memory_space<semaphore_mem>>) src(%dma_wait3A_335 : memref<2097152xf32, #tpu.memory_space<hbm>>) dst(%dma_wait3A_331 : memref<128xf32, #tpu.memory_space<vmem>>)
    %dma_wait3A_336 = arith.constant 640 : i32
    %dma_wait3A_337 = tpu.memref_slice %arg11[%dma_wait3A_336] : memref<3200xf32, #tpu.memory_space<vmem>> -> memref<128xf32, #tpu.memory_space<vmem>>
    %dma_wait3A_338 = arith.constant 640 : i32
    %dma_wait3A_339 = tpu.memref_slice %arg8[%dma_wait3A_338] : memref<3200xi32, #tpu.memory_space<vmem>> -> memref<128xi32, #tpu.memory_space<vmem>>
    %dma_wait3A_340 = arith.constant 0 : i32
    %dma_wait3A_341 = tpu.memref_slice %arg2[%dma_wait3A_340] : memref<2097152xf32, #tpu.memory_space<hbm>> -> memref<2097152xf32, #tpu.memory_space<hbm>>
    tpu.wait_indirect_dma semaphore(%arg14 : memref<!tpu.dma_semaphore, #tpu.memory_space<semaphore_mem>>) src(%dma_wait3A_341 : memref<2097152xf32, #tpu.memory_space<hbm>>) dst(%dma_wait3A_337 : memref<128xf32, #tpu.memory_space<vmem>>)
    %dma_wait3A_342 = arith.constant 768 : i32
    %dma_wait3A_343 = tpu.memref_slice %arg11[%dma_wait3A_342] : memref<3200xf32, #tpu.memory_space<vmem>> -> memref<128xf32, #tpu.memory_space<vmem>>
    %dma_wait3A_344 = arith.constant 768 : i32
    %dma_wait3A_345 = tpu.memref_slice %arg8[%dma_wait3A_344] : memref<3200xi32, #tpu.memory_space<vmem>> -> memref<128xi32, #tpu.memory_space<vmem>>
    %dma_wait3A_346 = arith.constant 0 : i32
    %dma_wait3A_347 = tpu.memref_slice %arg2[%dma_wait3A_346] : memref<2097152xf32, #tpu.memory_space<hbm>> -> memref<2097152xf32, #tpu.memory_space<hbm>>
    tpu.wait_indirect_dma semaphore(%arg14 : memref<!tpu.dma_semaphore, #tpu.memory_space<semaphore_mem>>) src(%dma_wait3A_347 : memref<2097152xf32, #tpu.memory_space<hbm>>) dst(%dma_wait3A_343 : memref<128xf32, #tpu.memory_space<vmem>>)
    %dma_wait3A_348 = arith.constant 896 : i32
    %dma_wait3A_349 = tpu.memref_slice %arg11[%dma_wait3A_348] : memref<3200xf32, #tpu.memory_space<vmem>> -> memref<128xf32, #tpu.memory_space<vmem>>
    %dma_wait3A_350 = arith.constant 896 : i32
    %dma_wait3A_351 = tpu.memref_slice %arg8[%dma_wait3A_350] : memref<3200xi32, #tpu.memory_space<vmem>> -> memref<128xi32, #tpu.memory_space<vmem>>
    %dma_wait3A_352 = arith.constant 0 : i32
    %dma_wait3A_353 = tpu.memref_slice %arg2[%dma_wait3A_352] : memref<2097152xf32, #tpu.memory_space<hbm>> -> memref<2097152xf32, #tpu.memory_space<hbm>>
    tpu.wait_indirect_dma semaphore(%arg14 : memref<!tpu.dma_semaphore, #tpu.memory_space<semaphore_mem>>) src(%dma_wait3A_353 : memref<2097152xf32, #tpu.memory_space<hbm>>) dst(%dma_wait3A_349 : memref<128xf32, #tpu.memory_space<vmem>>)
    %dma_wait3A_354 = arith.constant 1024 : i32
    %dma_wait3A_355 = tpu.memref_slice %arg11[%dma_wait3A_354] : memref<3200xf32, #tpu.memory_space<vmem>> -> memref<128xf32, #tpu.memory_space<vmem>>
    %dma_wait3A_356 = arith.constant 1024 : i32
    %dma_wait3A_357 = tpu.memref_slice %arg8[%dma_wait3A_356] : memref<3200xi32, #tpu.memory_space<vmem>> -> memref<128xi32, #tpu.memory_space<vmem>>
    %dma_wait3A_358 = arith.constant 0 : i32
    %dma_wait3A_359 = tpu.memref_slice %arg2[%dma_wait3A_358] : memref<2097152xf32, #tpu.memory_space<hbm>> -> memref<2097152xf32, #tpu.memory_space<hbm>>
    tpu.wait_indirect_dma semaphore(%arg14 : memref<!tpu.dma_semaphore, #tpu.memory_space<semaphore_mem>>) src(%dma_wait3A_359 : memref<2097152xf32, #tpu.memory_space<hbm>>) dst(%dma_wait3A_355 : memref<128xf32, #tpu.memory_space<vmem>>)
    %dma_wait3A_360 = arith.constant 1152 : i32
    %dma_wait3A_361 = tpu.memref_slice %arg11[%dma_wait3A_360] : memref<3200xf32, #tpu.memory_space<vmem>> -> memref<128xf32, #tpu.memory_space<vmem>>
    %dma_wait3A_362 = arith.constant 1152 : i32
    %dma_wait3A_363 = tpu.memref_slice %arg8[%dma_wait3A_362] : memref<3200xi32, #tpu.memory_space<vmem>> -> memref<128xi32, #tpu.memory_space<vmem>>
    %dma_wait3A_364 = arith.constant 0 : i32
    %dma_wait3A_365 = tpu.memref_slice %arg2[%dma_wait3A_364] : memref<2097152xf32, #tpu.memory_space<hbm>> -> memref<2097152xf32, #tpu.memory_space<hbm>>
    tpu.wait_indirect_dma semaphore(%arg14 : memref<!tpu.dma_semaphore, #tpu.memory_space<semaphore_mem>>) src(%dma_wait3A_365 : memref<2097152xf32, #tpu.memory_space<hbm>>) dst(%dma_wait3A_361 : memref<128xf32, #tpu.memory_space<vmem>>)
    %dma_wait3A_366 = arith.constant 1280 : i32
    %dma_wait3A_367 = tpu.memref_slice %arg11[%dma_wait3A_366] : memref<3200xf32, #tpu.memory_space<vmem>> -> memref<128xf32, #tpu.memory_space<vmem>>
    %dma_wait3A_368 = arith.constant 1280 : i32
    %dma_wait3A_369 = tpu.memref_slice %arg8[%dma_wait3A_368] : memref<3200xi32, #tpu.memory_space<vmem>> -> memref<128xi32, #tpu.memory_space<vmem>>
    %dma_wait3A_370 = arith.constant 0 : i32
    %dma_wait3A_371 = tpu.memref_slice %arg2[%dma_wait3A_370] : memref<2097152xf32, #tpu.memory_space<hbm>> -> memref<2097152xf32, #tpu.memory_space<hbm>>
    tpu.wait_indirect_dma semaphore(%arg14 : memref<!tpu.dma_semaphore, #tpu.memory_space<semaphore_mem>>) src(%dma_wait3A_371 : memref<2097152xf32, #tpu.memory_space<hbm>>) dst(%dma_wait3A_367 : memref<128xf32, #tpu.memory_space<vmem>>)
    %dma_wait3A_372 = arith.constant 1408 : i32
    %dma_wait3A_373 = tpu.memref_slice %arg11[%dma_wait3A_372] : memref<3200xf32, #tpu.memory_space<vmem>> -> memref<128xf32, #tpu.memory_space<vmem>>
    %dma_wait3A_374 = arith.constant 1408 : i32
    %dma_wait3A_375 = tpu.memref_slice %arg8[%dma_wait3A_374] : memref<3200xi32, #tpu.memory_space<vmem>> -> memref<128xi32, #tpu.memory_space<vmem>>
    %dma_wait3A_376 = arith.constant 0 : i32
    %dma_wait3A_377 = tpu.memref_slice %arg2[%dma_wait3A_376] : memref<2097152xf32, #tpu.memory_space<hbm>> -> memref<2097152xf32, #tpu.memory_space<hbm>>
    tpu.wait_indirect_dma semaphore(%arg14 : memref<!tpu.dma_semaphore, #tpu.memory_space<semaphore_mem>>) src(%dma_wait3A_377 : memref<2097152xf32, #tpu.memory_space<hbm>>) dst(%dma_wait3A_373 : memref<128xf32, #tpu.memory_space<vmem>>)
    %dma_wait3A_378 = arith.constant 1536 : i32
    %dma_wait3A_379 = tpu.memref_slice %arg11[%dma_wait3A_378] : memref<3200xf32, #tpu.memory_space<vmem>> -> memref<128xf32, #tpu.memory_space<vmem>>
    %dma_wait3A_380 = arith.constant 1536 : i32
    %dma_wait3A_381 = tpu.memref_slice %arg8[%dma_wait3A_380] : memref<3200xi32, #tpu.memory_space<vmem>> -> memref<128xi32, #tpu.memory_space<vmem>>
    %dma_wait3A_382 = arith.constant 0 : i32
    %dma_wait3A_383 = tpu.memref_slice %arg2[%dma_wait3A_382] : memref<2097152xf32, #tpu.memory_space<hbm>> -> memref<2097152xf32, #tpu.memory_space<hbm>>
    tpu.wait_indirect_dma semaphore(%arg14 : memref<!tpu.dma_semaphore, #tpu.memory_space<semaphore_mem>>) src(%dma_wait3A_383 : memref<2097152xf32, #tpu.memory_space<hbm>>) dst(%dma_wait3A_379 : memref<128xf32, #tpu.memory_space<vmem>>)
    %dma_wait3A_384 = arith.constant 1664 : i32
    %dma_wait3A_385 = tpu.memref_slice %arg11[%dma_wait3A_384] : memref<3200xf32, #tpu.memory_space<vmem>> -> memref<128xf32, #tpu.memory_space<vmem>>
    %dma_wait3A_386 = arith.constant 1664 : i32
    %dma_wait3A_387 = tpu.memref_slice %arg8[%dma_wait3A_386] : memref<3200xi32, #tpu.memory_space<vmem>> -> memref<128xi32, #tpu.memory_space<vmem>>
    %dma_wait3A_388 = arith.constant 0 : i32
    %dma_wait3A_389 = tpu.memref_slice %arg2[%dma_wait3A_388] : memref<2097152xf32, #tpu.memory_space<hbm>> -> memref<2097152xf32, #tpu.memory_space<hbm>>
    tpu.wait_indirect_dma semaphore(%arg14 : memref<!tpu.dma_semaphore, #tpu.memory_space<semaphore_mem>>) src(%dma_wait3A_389 : memref<2097152xf32, #tpu.memory_space<hbm>>) dst(%dma_wait3A_385 : memref<128xf32, #tpu.memory_space<vmem>>)
    %dma_wait3A_390 = arith.constant 1792 : i32
    %dma_wait3A_391 = tpu.memref_slice %arg11[%dma_wait3A_390] : memref<3200xf32, #tpu.memory_space<vmem>> -> memref<128xf32, #tpu.memory_space<vmem>>
    %dma_wait3A_392 = arith.constant 1792 : i32
    %dma_wait3A_393 = tpu.memref_slice %arg8[%dma_wait3A_392] : memref<3200xi32, #tpu.memory_space<vmem>> -> memref<128xi32, #tpu.memory_space<vmem>>
    %dma_wait3A_394 = arith.constant 0 : i32
    %dma_wait3A_395 = tpu.memref_slice %arg2[%dma_wait3A_394] : memref<2097152xf32, #tpu.memory_space<hbm>> -> memref<2097152xf32, #tpu.memory_space<hbm>>
    tpu.wait_indirect_dma semaphore(%arg14 : memref<!tpu.dma_semaphore, #tpu.memory_space<semaphore_mem>>) src(%dma_wait3A_395 : memref<2097152xf32, #tpu.memory_space<hbm>>) dst(%dma_wait3A_391 : memref<128xf32, #tpu.memory_space<vmem>>)
    %dma_wait3A_396 = arith.constant 1920 : i32
    %dma_wait3A_397 = tpu.memref_slice %arg11[%dma_wait3A_396] : memref<3200xf32, #tpu.memory_space<vmem>> -> memref<128xf32, #tpu.memory_space<vmem>>
    %dma_wait3A_398 = arith.constant 1920 : i32
    %dma_wait3A_399 = tpu.memref_slice %arg8[%dma_wait3A_398] : memref<3200xi32, #tpu.memory_space<vmem>> -> memref<128xi32, #tpu.memory_space<vmem>>
    %dma_wait3A_400 = arith.constant 0 : i32
    %dma_wait3A_401 = tpu.memref_slice %arg2[%dma_wait3A_400] : memref<2097152xf32, #tpu.memory_space<hbm>> -> memref<2097152xf32, #tpu.memory_space<hbm>>
    tpu.wait_indirect_dma semaphore(%arg14 : memref<!tpu.dma_semaphore, #tpu.memory_space<semaphore_mem>>) src(%dma_wait3A_401 : memref<2097152xf32, #tpu.memory_space<hbm>>) dst(%dma_wait3A_397 : memref<128xf32, #tpu.memory_space<vmem>>)
    %dma_wait3A_402 = arith.constant 2048 : i32
    %dma_wait3A_403 = tpu.memref_slice %arg11[%dma_wait3A_402] : memref<3200xf32, #tpu.memory_space<vmem>> -> memref<128xf32, #tpu.memory_space<vmem>>
    %dma_wait3A_404 = arith.constant 2048 : i32
    %dma_wait3A_405 = tpu.memref_slice %arg8[%dma_wait3A_404] : memref<3200xi32, #tpu.memory_space<vmem>> -> memref<128xi32, #tpu.memory_space<vmem>>
    %dma_wait3A_406 = arith.constant 0 : i32
    %dma_wait3A_407 = tpu.memref_slice %arg2[%dma_wait3A_406] : memref<2097152xf32, #tpu.memory_space<hbm>> -> memref<2097152xf32, #tpu.memory_space<hbm>>
    tpu.wait_indirect_dma semaphore(%arg14 : memref<!tpu.dma_semaphore, #tpu.memory_space<semaphore_mem>>) src(%dma_wait3A_407 : memref<2097152xf32, #tpu.memory_space<hbm>>) dst(%dma_wait3A_403 : memref<128xf32, #tpu.memory_space<vmem>>)
    %dma_wait3A_408 = arith.constant 2176 : i32
    %dma_wait3A_409 = tpu.memref_slice %arg11[%dma_wait3A_408] : memref<3200xf32, #tpu.memory_space<vmem>> -> memref<128xf32, #tpu.memory_space<vmem>>
    %dma_wait3A_410 = arith.constant 2176 : i32
    %dma_wait3A_411 = tpu.memref_slice %arg8[%dma_wait3A_410] : memref<3200xi32, #tpu.memory_space<vmem>> -> memref<128xi32, #tpu.memory_space<vmem>>
    %dma_wait3A_412 = arith.constant 0 : i32
    %dma_wait3A_413 = tpu.memref_slice %arg2[%dma_wait3A_412] : memref<2097152xf32, #tpu.memory_space<hbm>> -> memref<2097152xf32, #tpu.memory_space<hbm>>
    tpu.wait_indirect_dma semaphore(%arg14 : memref<!tpu.dma_semaphore, #tpu.memory_space<semaphore_mem>>) src(%dma_wait3A_413 : memref<2097152xf32, #tpu.memory_space<hbm>>) dst(%dma_wait3A_409 : memref<128xf32, #tpu.memory_space<vmem>>)
    %dma_wait3A_414 = arith.constant 2304 : i32
    %dma_wait3A_415 = tpu.memref_slice %arg11[%dma_wait3A_414] : memref<3200xf32, #tpu.memory_space<vmem>> -> memref<128xf32, #tpu.memory_space<vmem>>
    %dma_wait3A_416 = arith.constant 2304 : i32
    %dma_wait3A_417 = tpu.memref_slice %arg8[%dma_wait3A_416] : memref<3200xi32, #tpu.memory_space<vmem>> -> memref<128xi32, #tpu.memory_space<vmem>>
    %dma_wait3A_418 = arith.constant 0 : i32
    %dma_wait3A_419 = tpu.memref_slice %arg2[%dma_wait3A_418] : memref<2097152xf32, #tpu.memory_space<hbm>> -> memref<2097152xf32, #tpu.memory_space<hbm>>
    tpu.wait_indirect_dma semaphore(%arg14 : memref<!tpu.dma_semaphore, #tpu.memory_space<semaphore_mem>>) src(%dma_wait3A_419 : memref<2097152xf32, #tpu.memory_space<hbm>>) dst(%dma_wait3A_415 : memref<128xf32, #tpu.memory_space<vmem>>)
    %dma_wait3A_420 = arith.constant 2432 : i32
    %dma_wait3A_421 = tpu.memref_slice %arg11[%dma_wait3A_420] : memref<3200xf32, #tpu.memory_space<vmem>> -> memref<128xf32, #tpu.memory_space<vmem>>
    %dma_wait3A_422 = arith.constant 2432 : i32
    %dma_wait3A_423 = tpu.memref_slice %arg8[%dma_wait3A_422] : memref<3200xi32, #tpu.memory_space<vmem>> -> memref<128xi32, #tpu.memory_space<vmem>>
    %dma_wait3A_424 = arith.constant 0 : i32
    %dma_wait3A_425 = tpu.memref_slice %arg2[%dma_wait3A_424] : memref<2097152xf32, #tpu.memory_space<hbm>> -> memref<2097152xf32, #tpu.memory_space<hbm>>
    tpu.wait_indirect_dma semaphore(%arg14 : memref<!tpu.dma_semaphore, #tpu.memory_space<semaphore_mem>>) src(%dma_wait3A_425 : memref<2097152xf32, #tpu.memory_space<hbm>>) dst(%dma_wait3A_421 : memref<128xf32, #tpu.memory_space<vmem>>)
    %dma_wait3A_426 = arith.constant 2560 : i32
    %dma_wait3A_427 = tpu.memref_slice %arg11[%dma_wait3A_426] : memref<3200xf32, #tpu.memory_space<vmem>> -> memref<128xf32, #tpu.memory_space<vmem>>
    %dma_wait3A_428 = arith.constant 2560 : i32
    %dma_wait3A_429 = tpu.memref_slice %arg8[%dma_wait3A_428] : memref<3200xi32, #tpu.memory_space<vmem>> -> memref<128xi32, #tpu.memory_space<vmem>>
    %dma_wait3A_430 = arith.constant 0 : i32
    %dma_wait3A_431 = tpu.memref_slice %arg2[%dma_wait3A_430] : memref<2097152xf32, #tpu.memory_space<hbm>> -> memref<2097152xf32, #tpu.memory_space<hbm>>
    tpu.wait_indirect_dma semaphore(%arg14 : memref<!tpu.dma_semaphore, #tpu.memory_space<semaphore_mem>>) src(%dma_wait3A_431 : memref<2097152xf32, #tpu.memory_space<hbm>>) dst(%dma_wait3A_427 : memref<128xf32, #tpu.memory_space<vmem>>)
    %dma_wait3A_432 = arith.constant 2688 : i32
    %dma_wait3A_433 = tpu.memref_slice %arg11[%dma_wait3A_432] : memref<3200xf32, #tpu.memory_space<vmem>> -> memref<128xf32, #tpu.memory_space<vmem>>
    %dma_wait3A_434 = arith.constant 2688 : i32
    %dma_wait3A_435 = tpu.memref_slice %arg8[%dma_wait3A_434] : memref<3200xi32, #tpu.memory_space<vmem>> -> memref<128xi32, #tpu.memory_space<vmem>>
    %dma_wait3A_436 = arith.constant 0 : i32
    %dma_wait3A_437 = tpu.memref_slice %arg2[%dma_wait3A_436] : memref<2097152xf32, #tpu.memory_space<hbm>> -> memref<2097152xf32, #tpu.memory_space<hbm>>
    tpu.wait_indirect_dma semaphore(%arg14 : memref<!tpu.dma_semaphore, #tpu.memory_space<semaphore_mem>>) src(%dma_wait3A_437 : memref<2097152xf32, #tpu.memory_space<hbm>>) dst(%dma_wait3A_433 : memref<128xf32, #tpu.memory_space<vmem>>)
    %dma_wait3A_438 = arith.constant 2816 : i32
    %dma_wait3A_439 = tpu.memref_slice %arg11[%dma_wait3A_438] : memref<3200xf32, #tpu.memory_space<vmem>> -> memref<128xf32, #tpu.memory_space<vmem>>
    %dma_wait3A_440 = arith.constant 2816 : i32
    %dma_wait3A_441 = tpu.memref_slice %arg8[%dma_wait3A_440] : memref<3200xi32, #tpu.memory_space<vmem>> -> memref<128xi32, #tpu.memory_space<vmem>>
    %dma_wait3A_442 = arith.constant 0 : i32
    %dma_wait3A_443 = tpu.memref_slice %arg2[%dma_wait3A_442] : memref<2097152xf32, #tpu.memory_space<hbm>> -> memref<2097152xf32, #tpu.memory_space<hbm>>
    tpu.wait_indirect_dma semaphore(%arg14 : memref<!tpu.dma_semaphore, #tpu.memory_space<semaphore_mem>>) src(%dma_wait3A_443 : memref<2097152xf32, #tpu.memory_space<hbm>>) dst(%dma_wait3A_439 : memref<128xf32, #tpu.memory_space<vmem>>)
    %dma_wait3A_444 = arith.constant 2944 : i32
    %dma_wait3A_445 = tpu.memref_slice %arg11[%dma_wait3A_444] : memref<3200xf32, #tpu.memory_space<vmem>> -> memref<128xf32, #tpu.memory_space<vmem>>
    %dma_wait3A_446 = arith.constant 2944 : i32
    %dma_wait3A_447 = tpu.memref_slice %arg8[%dma_wait3A_446] : memref<3200xi32, #tpu.memory_space<vmem>> -> memref<128xi32, #tpu.memory_space<vmem>>
    %dma_wait3A_448 = arith.constant 0 : i32
    %dma_wait3A_449 = tpu.memref_slice %arg2[%dma_wait3A_448] : memref<2097152xf32, #tpu.memory_space<hbm>> -> memref<2097152xf32, #tpu.memory_space<hbm>>
    tpu.wait_indirect_dma semaphore(%arg14 : memref<!tpu.dma_semaphore, #tpu.memory_space<semaphore_mem>>) src(%dma_wait3A_449 : memref<2097152xf32, #tpu.memory_space<hbm>>) dst(%dma_wait3A_445 : memref<128xf32, #tpu.memory_space<vmem>>)
    %dma_wait3A_450 = arith.constant 3072 : i32
    %dma_wait3A_451 = tpu.memref_slice %arg11[%dma_wait3A_450] : memref<3200xf32, #tpu.memory_space<vmem>> -> memref<128xf32, #tpu.memory_space<vmem>>
    %dma_wait3A_452 = arith.constant 3072 : i32
    %dma_wait3A_453 = tpu.memref_slice %arg8[%dma_wait3A_452] : memref<3200xi32, #tpu.memory_space<vmem>> -> memref<128xi32, #tpu.memory_space<vmem>>
    %dma_wait3A_454 = arith.constant 0 : i32
    %dma_wait3A_455 = tpu.memref_slice %arg2[%dma_wait3A_454] : memref<2097152xf32, #tpu.memory_space<hbm>> -> memref<2097152xf32, #tpu.memory_space<hbm>>
    tpu.wait_indirect_dma semaphore(%arg14 : memref<!tpu.dma_semaphore, #tpu.memory_space<semaphore_mem>>) src(%dma_wait3A_455 : memref<2097152xf32, #tpu.memory_space<hbm>>) dst(%dma_wait3A_451 : memref<128xf32, #tpu.memory_space<vmem>>)
    "tpu.region"() ({
      %run_scoped3A = tpu.sem_alloc : memref<!tpu.dma_semaphore, #tpu.memory_space<semaphore_mem>>
      %dma_start3A_906 = tpu.memref_slice %arg4[%mul3A_2] : memref<102400xf32, #tpu.memory_space<hbm>> -> memref<3200xf32, #tpu.memory_space<hbm>>
      %dma_start3A_907 = tpu.memref_slice %arg4[%mul3A_2] : memref<102400xf32, #tpu.memory_space<hbm>> -> memref<3200xf32, #tpu.memory_space<hbm>>
      tpu.enqueue_dma source(%arg11 : memref<3200xf32, #tpu.memory_space<vmem>>) target(%dma_start3A_907 : memref<3200xf32, #tpu.memory_space<hbm>>) target_semaphore(%run_scoped3A : memref<!tpu.dma_semaphore, #tpu.memory_space<semaphore_mem>>)
      %dma_wait3A_908 = tpu.memref_slice %arg4[%mul3A_2] : memref<102400xf32, #tpu.memory_space<hbm>> -> memref<3200xf32, #tpu.memory_space<hbm>>
      %dma_wait3A_909 = tpu.memref_slice %arg4[%mul3A_2] : memref<102400xf32, #tpu.memory_space<hbm>> -> memref<3200xf32, #tpu.memory_space<hbm>>
      tpu.wait_dma2 semaphore(%run_scoped3A : memref<!tpu.dma_semaphore, #tpu.memory_space<semaphore_mem>>) src(%arg11 : memref<3200xf32, #tpu.memory_space<vmem>>) dst(%dma_wait3A_909 : memref<3200xf32, #tpu.memory_space<hbm>>)
      tpu.yield
    }) : () -> ()
    %dma_start3A_456 = arith.constant 0 : i32
    %dma_start3A_457 = tpu.memref_slice %arg13[%dma_start3A_456] : memref<3200xf32, #tpu.memory_space<vmem>> -> memref<128xf32, #tpu.memory_space<vmem>>
    %dma_start3A_458 = arith.constant 0 : i32
    %dma_start3A_459 = tpu.memref_slice %arg10[%dma_start3A_458] : memref<3200xi32, #tpu.memory_space<vmem>> -> memref<128xi32, #tpu.memory_space<vmem>>
    %dma_start3A_460 = arith.constant 0 : i32
    %dma_start3A_461 = tpu.memref_slice %arg2[%dma_start3A_460] : memref<2097152xf32, #tpu.memory_space<hbm>> -> memref<2097152xf32, #tpu.memory_space<hbm>>
    tpu.enqueue_indirect_dma source(%dma_start3A_461 : memref<2097152xf32, #tpu.memory_space<hbm>>) target(%dma_start3A_457 : memref<128xf32, #tpu.memory_space<vmem>>) offsets(%dma_start3A_459 : memref<128xi32, #tpu.memory_space<vmem>>) semaphore(%arg16 : memref<!tpu.dma_semaphore, #tpu.memory_space<semaphore_mem>>)
    %dma_start3A_462 = arith.constant 128 : i32
    %dma_start3A_463 = tpu.memref_slice %arg13[%dma_start3A_462] : memref<3200xf32, #tpu.memory_space<vmem>> -> memref<128xf32, #tpu.memory_space<vmem>>
    %dma_start3A_464 = arith.constant 128 : i32
    %dma_start3A_465 = tpu.memref_slice %arg10[%dma_start3A_464] : memref<3200xi32, #tpu.memory_space<vmem>> -> memref<128xi32, #tpu.memory_space<vmem>>
    %dma_start3A_466 = arith.constant 0 : i32
    %dma_start3A_467 = tpu.memref_slice %arg2[%dma_start3A_466] : memref<2097152xf32, #tpu.memory_space<hbm>> -> memref<2097152xf32, #tpu.memory_space<hbm>>
    tpu.enqueue_indirect_dma source(%dma_start3A_467 : memref<2097152xf32, #tpu.memory_space<hbm>>) target(%dma_start3A_463 : memref<128xf32, #tpu.memory_space<vmem>>) offsets(%dma_start3A_465 : memref<128xi32, #tpu.memory_space<vmem>>) semaphore(%arg16 : memref<!tpu.dma_semaphore, #tpu.memory_space<semaphore_mem>>)
    %dma_start3A_468 = arith.constant 256 : i32
    %dma_start3A_469 = tpu.memref_slice %arg13[%dma_start3A_468] : memref<3200xf32, #tpu.memory_space<vmem>> -> memref<128xf32, #tpu.memory_space<vmem>>
    %dma_start3A_470 = arith.constant 256 : i32
    %dma_start3A_471 = tpu.memref_slice %arg10[%dma_start3A_470] : memref<3200xi32, #tpu.memory_space<vmem>> -> memref<128xi32, #tpu.memory_space<vmem>>
    %dma_start3A_472 = arith.constant 0 : i32
    %dma_start3A_473 = tpu.memref_slice %arg2[%dma_start3A_472] : memref<2097152xf32, #tpu.memory_space<hbm>> -> memref<2097152xf32, #tpu.memory_space<hbm>>
    tpu.enqueue_indirect_dma source(%dma_start3A_473 : memref<2097152xf32, #tpu.memory_space<hbm>>) target(%dma_start3A_469 : memref<128xf32, #tpu.memory_space<vmem>>) offsets(%dma_start3A_471 : memref<128xi32, #tpu.memory_space<vmem>>) semaphore(%arg16 : memref<!tpu.dma_semaphore, #tpu.memory_space<semaphore_mem>>)
    %dma_start3A_474 = arith.constant 384 : i32
    %dma_start3A_475 = tpu.memref_slice %arg13[%dma_start3A_474] : memref<3200xf32, #tpu.memory_space<vmem>> -> memref<128xf32, #tpu.memory_space<vmem>>
    %dma_start3A_476 = arith.constant 384 : i32
    %dma_start3A_477 = tpu.memref_slice %arg10[%dma_start3A_476] : memref<3200xi32, #tpu.memory_space<vmem>> -> memref<128xi32, #tpu.memory_space<vmem>>
    %dma_start3A_478 = arith.constant 0 : i32
    %dma_start3A_479 = tpu.memref_slice %arg2[%dma_start3A_478] : memref<2097152xf32, #tpu.memory_space<hbm>> -> memref<2097152xf32, #tpu.memory_space<hbm>>
    tpu.enqueue_indirect_dma source(%dma_start3A_479 : memref<2097152xf32, #tpu.memory_space<hbm>>) target(%dma_start3A_475 : memref<128xf32, #tpu.memory_space<vmem>>) offsets(%dma_start3A_477 : memref<128xi32, #tpu.memory_space<vmem>>) semaphore(%arg16 : memref<!tpu.dma_semaphore, #tpu.memory_space<semaphore_mem>>)
    %dma_start3A_480 = arith.constant 512 : i32
    %dma_start3A_481 = tpu.memref_slice %arg13[%dma_start3A_480] : memref<3200xf32, #tpu.memory_space<vmem>> -> memref<128xf32, #tpu.memory_space<vmem>>
    %dma_start3A_482 = arith.constant 512 : i32
    %dma_start3A_483 = tpu.memref_slice %arg10[%dma_start3A_482] : memref<3200xi32, #tpu.memory_space<vmem>> -> memref<128xi32, #tpu.memory_space<vmem>>
    %dma_start3A_484 = arith.constant 0 : i32
    %dma_start3A_485 = tpu.memref_slice %arg2[%dma_start3A_484] : memref<2097152xf32, #tpu.memory_space<hbm>> -> memref<2097152xf32, #tpu.memory_space<hbm>>
    tpu.enqueue_indirect_dma source(%dma_start3A_485 : memref<2097152xf32, #tpu.memory_space<hbm>>) target(%dma_start3A_481 : memref<128xf32, #tpu.memory_space<vmem>>) offsets(%dma_start3A_483 : memref<128xi32, #tpu.memory_space<vmem>>) semaphore(%arg16 : memref<!tpu.dma_semaphore, #tpu.memory_space<semaphore_mem>>)
    %dma_start3A_486 = arith.constant 640 : i32
    %dma_start3A_487 = tpu.memref_slice %arg13[%dma_start3A_486] : memref<3200xf32, #tpu.memory_space<vmem>> -> memref<128xf32, #tpu.memory_space<vmem>>
    %dma_start3A_488 = arith.constant 640 : i32
    %dma_start3A_489 = tpu.memref_slice %arg10[%dma_start3A_488] : memref<3200xi32, #tpu.memory_space<vmem>> -> memref<128xi32, #tpu.memory_space<vmem>>
    %dma_start3A_490 = arith.constant 0 : i32
    %dma_start3A_491 = tpu.memref_slice %arg2[%dma_start3A_490] : memref<2097152xf32, #tpu.memory_space<hbm>> -> memref<2097152xf32, #tpu.memory_space<hbm>>
    tpu.enqueue_indirect_dma source(%dma_start3A_491 : memref<2097152xf32, #tpu.memory_space<hbm>>) target(%dma_start3A_487 : memref<128xf32, #tpu.memory_space<vmem>>) offsets(%dma_start3A_489 : memref<128xi32, #tpu.memory_space<vmem>>) semaphore(%arg16 : memref<!tpu.dma_semaphore, #tpu.memory_space<semaphore_mem>>)
    %dma_start3A_492 = arith.constant 768 : i32
    %dma_start3A_493 = tpu.memref_slice %arg13[%dma_start3A_492] : memref<3200xf32, #tpu.memory_space<vmem>> -> memref<128xf32, #tpu.memory_space<vmem>>
    %dma_start3A_494 = arith.constant 768 : i32
    %dma_start3A_495 = tpu.memref_slice %arg10[%dma_start3A_494] : memref<3200xi32, #tpu.memory_space<vmem>> -> memref<128xi32, #tpu.memory_space<vmem>>
    %dma_start3A_496 = arith.constant 0 : i32
    %dma_start3A_497 = tpu.memref_slice %arg2[%dma_start3A_496] : memref<2097152xf32, #tpu.memory_space<hbm>> -> memref<2097152xf32, #tpu.memory_space<hbm>>
    tpu.enqueue_indirect_dma source(%dma_start3A_497 : memref<2097152xf32, #tpu.memory_space<hbm>>) target(%dma_start3A_493 : memref<128xf32, #tpu.memory_space<vmem>>) offsets(%dma_start3A_495 : memref<128xi32, #tpu.memory_space<vmem>>) semaphore(%arg16 : memref<!tpu.dma_semaphore, #tpu.memory_space<semaphore_mem>>)
    %dma_start3A_498 = arith.constant 896 : i32
    %dma_start3A_499 = tpu.memref_slice %arg13[%dma_start3A_498] : memref<3200xf32, #tpu.memory_space<vmem>> -> memref<128xf32, #tpu.memory_space<vmem>>
    %dma_start3A_500 = arith.constant 896 : i32
    %dma_start3A_501 = tpu.memref_slice %arg10[%dma_start3A_500] : memref<3200xi32, #tpu.memory_space<vmem>> -> memref<128xi32, #tpu.memory_space<vmem>>
    %dma_start3A_502 = arith.constant 0 : i32
    %dma_start3A_503 = tpu.memref_slice %arg2[%dma_start3A_502] : memref<2097152xf32, #tpu.memory_space<hbm>> -> memref<2097152xf32, #tpu.memory_space<hbm>>
    tpu.enqueue_indirect_dma source(%dma_start3A_503 : memref<2097152xf32, #tpu.memory_space<hbm>>) target(%dma_start3A_499 : memref<128xf32, #tpu.memory_space<vmem>>) offsets(%dma_start3A_501 : memref<128xi32, #tpu.memory_space<vmem>>) semaphore(%arg16 : memref<!tpu.dma_semaphore, #tpu.memory_space<semaphore_mem>>)
    %dma_start3A_504 = arith.constant 1024 : i32
    %dma_start3A_505 = tpu.memref_slice %arg13[%dma_start3A_504] : memref<3200xf32, #tpu.memory_space<vmem>> -> memref<128xf32, #tpu.memory_space<vmem>>
    %dma_start3A_506 = arith.constant 1024 : i32
    %dma_start3A_507 = tpu.memref_slice %arg10[%dma_start3A_506] : memref<3200xi32, #tpu.memory_space<vmem>> -> memref<128xi32, #tpu.memory_space<vmem>>
    %dma_start3A_508 = arith.constant 0 : i32
    %dma_start3A_509 = tpu.memref_slice %arg2[%dma_start3A_508] : memref<2097152xf32, #tpu.memory_space<hbm>> -> memref<2097152xf32, #tpu.memory_space<hbm>>
    tpu.enqueue_indirect_dma source(%dma_start3A_509 : memref<2097152xf32, #tpu.memory_space<hbm>>) target(%dma_start3A_505 : memref<128xf32, #tpu.memory_space<vmem>>) offsets(%dma_start3A_507 : memref<128xi32, #tpu.memory_space<vmem>>) semaphore(%arg16 : memref<!tpu.dma_semaphore, #tpu.memory_space<semaphore_mem>>)
    %dma_start3A_510 = arith.constant 1152 : i32
    %dma_start3A_511 = tpu.memref_slice %arg13[%dma_start3A_510] : memref<3200xf32, #tpu.memory_space<vmem>> -> memref<128xf32, #tpu.memory_space<vmem>>
    %dma_start3A_512 = arith.constant 1152 : i32
    %dma_start3A_513 = tpu.memref_slice %arg10[%dma_start3A_512] : memref<3200xi32, #tpu.memory_space<vmem>> -> memref<128xi32, #tpu.memory_space<vmem>>
    %dma_start3A_514 = arith.constant 0 : i32
    %dma_start3A_515 = tpu.memref_slice %arg2[%dma_start3A_514] : memref<2097152xf32, #tpu.memory_space<hbm>> -> memref<2097152xf32, #tpu.memory_space<hbm>>
    tpu.enqueue_indirect_dma source(%dma_start3A_515 : memref<2097152xf32, #tpu.memory_space<hbm>>) target(%dma_start3A_511 : memref<128xf32, #tpu.memory_space<vmem>>) offsets(%dma_start3A_513 : memref<128xi32, #tpu.memory_space<vmem>>) semaphore(%arg16 : memref<!tpu.dma_semaphore, #tpu.memory_space<semaphore_mem>>)
    %dma_start3A_516 = arith.constant 1280 : i32
    %dma_start3A_517 = tpu.memref_slice %arg13[%dma_start3A_516] : memref<3200xf32, #tpu.memory_space<vmem>> -> memref<128xf32, #tpu.memory_space<vmem>>
    %dma_start3A_518 = arith.constant 1280 : i32
    %dma_start3A_519 = tpu.memref_slice %arg10[%dma_start3A_518] : memref<3200xi32, #tpu.memory_space<vmem>> -> memref<128xi32, #tpu.memory_space<vmem>>
    %dma_start3A_520 = arith.constant 0 : i32
    %dma_start3A_521 = tpu.memref_slice %arg2[%dma_start3A_520] : memref<2097152xf32, #tpu.memory_space<hbm>> -> memref<2097152xf32, #tpu.memory_space<hbm>>
    tpu.enqueue_indirect_dma source(%dma_start3A_521 : memref<2097152xf32, #tpu.memory_space<hbm>>) target(%dma_start3A_517 : memref<128xf32, #tpu.memory_space<vmem>>) offsets(%dma_start3A_519 : memref<128xi32, #tpu.memory_space<vmem>>) semaphore(%arg16 : memref<!tpu.dma_semaphore, #tpu.memory_space<semaphore_mem>>)
    %dma_start3A_522 = arith.constant 1408 : i32
    %dma_start3A_523 = tpu.memref_slice %arg13[%dma_start3A_522] : memref<3200xf32, #tpu.memory_space<vmem>> -> memref<128xf32, #tpu.memory_space<vmem>>
    %dma_start3A_524 = arith.constant 1408 : i32
    %dma_start3A_525 = tpu.memref_slice %arg10[%dma_start3A_524] : memref<3200xi32, #tpu.memory_space<vmem>> -> memref<128xi32, #tpu.memory_space<vmem>>
    %dma_start3A_526 = arith.constant 0 : i32
    %dma_start3A_527 = tpu.memref_slice %arg2[%dma_start3A_526] : memref<2097152xf32, #tpu.memory_space<hbm>> -> memref<2097152xf32, #tpu.memory_space<hbm>>
    tpu.enqueue_indirect_dma source(%dma_start3A_527 : memref<2097152xf32, #tpu.memory_space<hbm>>) target(%dma_start3A_523 : memref<128xf32, #tpu.memory_space<vmem>>) offsets(%dma_start3A_525 : memref<128xi32, #tpu.memory_space<vmem>>) semaphore(%arg16 : memref<!tpu.dma_semaphore, #tpu.memory_space<semaphore_mem>>)
    %dma_start3A_528 = arith.constant 1536 : i32
    %dma_start3A_529 = tpu.memref_slice %arg13[%dma_start3A_528] : memref<3200xf32, #tpu.memory_space<vmem>> -> memref<128xf32, #tpu.memory_space<vmem>>
    %dma_start3A_530 = arith.constant 1536 : i32
    %dma_start3A_531 = tpu.memref_slice %arg10[%dma_start3A_530] : memref<3200xi32, #tpu.memory_space<vmem>> -> memref<128xi32, #tpu.memory_space<vmem>>
    %dma_start3A_532 = arith.constant 0 : i32
    %dma_start3A_533 = tpu.memref_slice %arg2[%dma_start3A_532] : memref<2097152xf32, #tpu.memory_space<hbm>> -> memref<2097152xf32, #tpu.memory_space<hbm>>
    tpu.enqueue_indirect_dma source(%dma_start3A_533 : memref<2097152xf32, #tpu.memory_space<hbm>>) target(%dma_start3A_529 : memref<128xf32, #tpu.memory_space<vmem>>) offsets(%dma_start3A_531 : memref<128xi32, #tpu.memory_space<vmem>>) semaphore(%arg16 : memref<!tpu.dma_semaphore, #tpu.memory_space<semaphore_mem>>)
    %dma_start3A_534 = arith.constant 1664 : i32
    %dma_start3A_535 = tpu.memref_slice %arg13[%dma_start3A_534] : memref<3200xf32, #tpu.memory_space<vmem>> -> memref<128xf32, #tpu.memory_space<vmem>>
    %dma_start3A_536 = arith.constant 1664 : i32
    %dma_start3A_537 = tpu.memref_slice %arg10[%dma_start3A_536] : memref<3200xi32, #tpu.memory_space<vmem>> -> memref<128xi32, #tpu.memory_space<vmem>>
    %dma_start3A_538 = arith.constant 0 : i32
    %dma_start3A_539 = tpu.memref_slice %arg2[%dma_start3A_538] : memref<2097152xf32, #tpu.memory_space<hbm>> -> memref<2097152xf32, #tpu.memory_space<hbm>>
    tpu.enqueue_indirect_dma source(%dma_start3A_539 : memref<2097152xf32, #tpu.memory_space<hbm>>) target(%dma_start3A_535 : memref<128xf32, #tpu.memory_space<vmem>>) offsets(%dma_start3A_537 : memref<128xi32, #tpu.memory_space<vmem>>) semaphore(%arg16 : memref<!tpu.dma_semaphore, #tpu.memory_space<semaphore_mem>>)
    %dma_start3A_540 = arith.constant 1792 : i32
    %dma_start3A_541 = tpu.memref_slice %arg13[%dma_start3A_540] : memref<3200xf32, #tpu.memory_space<vmem>> -> memref<128xf32, #tpu.memory_space<vmem>>
    %dma_start3A_542 = arith.constant 1792 : i32
    %dma_start3A_543 = tpu.memref_slice %arg10[%dma_start3A_542] : memref<3200xi32, #tpu.memory_space<vmem>> -> memref<128xi32, #tpu.memory_space<vmem>>
    %dma_start3A_544 = arith.constant 0 : i32
    %dma_start3A_545 = tpu.memref_slice %arg2[%dma_start3A_544] : memref<2097152xf32, #tpu.memory_space<hbm>> -> memref<2097152xf32, #tpu.memory_space<hbm>>
    tpu.enqueue_indirect_dma source(%dma_start3A_545 : memref<2097152xf32, #tpu.memory_space<hbm>>) target(%dma_start3A_541 : memref<128xf32, #tpu.memory_space<vmem>>) offsets(%dma_start3A_543 : memref<128xi32, #tpu.memory_space<vmem>>) semaphore(%arg16 : memref<!tpu.dma_semaphore, #tpu.memory_space<semaphore_mem>>)
    %dma_start3A_546 = arith.constant 1920 : i32
    %dma_start3A_547 = tpu.memref_slice %arg13[%dma_start3A_546] : memref<3200xf32, #tpu.memory_space<vmem>> -> memref<128xf32, #tpu.memory_space<vmem>>
    %dma_start3A_548 = arith.constant 1920 : i32
    %dma_start3A_549 = tpu.memref_slice %arg10[%dma_start3A_548] : memref<3200xi32, #tpu.memory_space<vmem>> -> memref<128xi32, #tpu.memory_space<vmem>>
    %dma_start3A_550 = arith.constant 0 : i32
    %dma_start3A_551 = tpu.memref_slice %arg2[%dma_start3A_550] : memref<2097152xf32, #tpu.memory_space<hbm>> -> memref<2097152xf32, #tpu.memory_space<hbm>>
    tpu.enqueue_indirect_dma source(%dma_start3A_551 : memref<2097152xf32, #tpu.memory_space<hbm>>) target(%dma_start3A_547 : memref<128xf32, #tpu.memory_space<vmem>>) offsets(%dma_start3A_549 : memref<128xi32, #tpu.memory_space<vmem>>) semaphore(%arg16 : memref<!tpu.dma_semaphore, #tpu.memory_space<semaphore_mem>>)
    %dma_start3A_552 = arith.constant 2048 : i32
    %dma_start3A_553 = tpu.memref_slice %arg13[%dma_start3A_552] : memref<3200xf32, #tpu.memory_space<vmem>> -> memref<128xf32, #tpu.memory_space<vmem>>
    %dma_start3A_554 = arith.constant 2048 : i32
    %dma_start3A_555 = tpu.memref_slice %arg10[%dma_start3A_554] : memref<3200xi32, #tpu.memory_space<vmem>> -> memref<128xi32, #tpu.memory_space<vmem>>
    %dma_start3A_556 = arith.constant 0 : i32
    %dma_start3A_557 = tpu.memref_slice %arg2[%dma_start3A_556] : memref<2097152xf32, #tpu.memory_space<hbm>> -> memref<2097152xf32, #tpu.memory_space<hbm>>
    tpu.enqueue_indirect_dma source(%dma_start3A_557 : memref<2097152xf32, #tpu.memory_space<hbm>>) target(%dma_start3A_553 : memref<128xf32, #tpu.memory_space<vmem>>) offsets(%dma_start3A_555 : memref<128xi32, #tpu.memory_space<vmem>>) semaphore(%arg16 : memref<!tpu.dma_semaphore, #tpu.memory_space<semaphore_mem>>)
    %dma_start3A_558 = arith.constant 2176 : i32
    %dma_start3A_559 = tpu.memref_slice %arg13[%dma_start3A_558] : memref<3200xf32, #tpu.memory_space<vmem>> -> memref<128xf32, #tpu.memory_space<vmem>>
    %dma_start3A_560 = arith.constant 2176 : i32
    %dma_start3A_561 = tpu.memref_slice %arg10[%dma_start3A_560] : memref<3200xi32, #tpu.memory_space<vmem>> -> memref<128xi32, #tpu.memory_space<vmem>>
    %dma_start3A_562 = arith.constant 0 : i32
    %dma_start3A_563 = tpu.memref_slice %arg2[%dma_start3A_562] : memref<2097152xf32, #tpu.memory_space<hbm>> -> memref<2097152xf32, #tpu.memory_space<hbm>>
    tpu.enqueue_indirect_dma source(%dma_start3A_563 : memref<2097152xf32, #tpu.memory_space<hbm>>) target(%dma_start3A_559 : memref<128xf32, #tpu.memory_space<vmem>>) offsets(%dma_start3A_561 : memref<128xi32, #tpu.memory_space<vmem>>) semaphore(%arg16 : memref<!tpu.dma_semaphore, #tpu.memory_space<semaphore_mem>>)
    %dma_start3A_564 = arith.constant 2304 : i32
    %dma_start3A_565 = tpu.memref_slice %arg13[%dma_start3A_564] : memref<3200xf32, #tpu.memory_space<vmem>> -> memref<128xf32, #tpu.memory_space<vmem>>
    %dma_start3A_566 = arith.constant 2304 : i32
    %dma_start3A_567 = tpu.memref_slice %arg10[%dma_start3A_566] : memref<3200xi32, #tpu.memory_space<vmem>> -> memref<128xi32, #tpu.memory_space<vmem>>
    %dma_start3A_568 = arith.constant 0 : i32
    %dma_start3A_569 = tpu.memref_slice %arg2[%dma_start3A_568] : memref<2097152xf32, #tpu.memory_space<hbm>> -> memref<2097152xf32, #tpu.memory_space<hbm>>
    tpu.enqueue_indirect_dma source(%dma_start3A_569 : memref<2097152xf32, #tpu.memory_space<hbm>>) target(%dma_start3A_565 : memref<128xf32, #tpu.memory_space<vmem>>) offsets(%dma_start3A_567 : memref<128xi32, #tpu.memory_space<vmem>>) semaphore(%arg16 : memref<!tpu.dma_semaphore, #tpu.memory_space<semaphore_mem>>)
    %dma_start3A_570 = arith.constant 2432 : i32
    %dma_start3A_571 = tpu.memref_slice %arg13[%dma_start3A_570] : memref<3200xf32, #tpu.memory_space<vmem>> -> memref<128xf32, #tpu.memory_space<vmem>>
    %dma_start3A_572 = arith.constant 2432 : i32
    %dma_start3A_573 = tpu.memref_slice %arg10[%dma_start3A_572] : memref<3200xi32, #tpu.memory_space<vmem>> -> memref<128xi32, #tpu.memory_space<vmem>>
    %dma_start3A_574 = arith.constant 0 : i32
    %dma_start3A_575 = tpu.memref_slice %arg2[%dma_start3A_574] : memref<2097152xf32, #tpu.memory_space<hbm>> -> memref<2097152xf32, #tpu.memory_space<hbm>>
    tpu.enqueue_indirect_dma source(%dma_start3A_575 : memref<2097152xf32, #tpu.memory_space<hbm>>) target(%dma_start3A_571 : memref<128xf32, #tpu.memory_space<vmem>>) offsets(%dma_start3A_573 : memref<128xi32, #tpu.memory_space<vmem>>) semaphore(%arg16 : memref<!tpu.dma_semaphore, #tpu.memory_space<semaphore_mem>>)
    %dma_start3A_576 = arith.constant 2560 : i32
    %dma_start3A_577 = tpu.memref_slice %arg13[%dma_start3A_576] : memref<3200xf32, #tpu.memory_space<vmem>> -> memref<128xf32, #tpu.memory_space<vmem>>
    %dma_start3A_578 = arith.constant 2560 : i32
    %dma_start3A_579 = tpu.memref_slice %arg10[%dma_start3A_578] : memref<3200xi32, #tpu.memory_space<vmem>> -> memref<128xi32, #tpu.memory_space<vmem>>
    %dma_start3A_580 = arith.constant 0 : i32
    %dma_start3A_581 = tpu.memref_slice %arg2[%dma_start3A_580] : memref<2097152xf32, #tpu.memory_space<hbm>> -> memref<2097152xf32, #tpu.memory_space<hbm>>
    tpu.enqueue_indirect_dma source(%dma_start3A_581 : memref<2097152xf32, #tpu.memory_space<hbm>>) target(%dma_start3A_577 : memref<128xf32, #tpu.memory_space<vmem>>) offsets(%dma_start3A_579 : memref<128xi32, #tpu.memory_space<vmem>>) semaphore(%arg16 : memref<!tpu.dma_semaphore, #tpu.memory_space<semaphore_mem>>)
    %dma_start3A_582 = arith.constant 2688 : i32
    %dma_start3A_583 = tpu.memref_slice %arg13[%dma_start3A_582] : memref<3200xf32, #tpu.memory_space<vmem>> -> memref<128xf32, #tpu.memory_space<vmem>>
    %dma_start3A_584 = arith.constant 2688 : i32
    %dma_start3A_585 = tpu.memref_slice %arg10[%dma_start3A_584] : memref<3200xi32, #tpu.memory_space<vmem>> -> memref<128xi32, #tpu.memory_space<vmem>>
    %dma_start3A_586 = arith.constant 0 : i32
    %dma_start3A_587 = tpu.memref_slice %arg2[%dma_start3A_586] : memref<2097152xf32, #tpu.memory_space<hbm>> -> memref<2097152xf32, #tpu.memory_space<hbm>>
    tpu.enqueue_indirect_dma source(%dma_start3A_587 : memref<2097152xf32, #tpu.memory_space<hbm>>) target(%dma_start3A_583 : memref<128xf32, #tpu.memory_space<vmem>>) offsets(%dma_start3A_585 : memref<128xi32, #tpu.memory_space<vmem>>) semaphore(%arg16 : memref<!tpu.dma_semaphore, #tpu.memory_space<semaphore_mem>>)
    %dma_start3A_588 = arith.constant 2816 : i32
    %dma_start3A_589 = tpu.memref_slice %arg13[%dma_start3A_588] : memref<3200xf32, #tpu.memory_space<vmem>> -> memref<128xf32, #tpu.memory_space<vmem>>
    %dma_start3A_590 = arith.constant 2816 : i32
    %dma_start3A_591 = tpu.memref_slice %arg10[%dma_start3A_590] : memref<3200xi32, #tpu.memory_space<vmem>> -> memref<128xi32, #tpu.memory_space<vmem>>
    %dma_start3A_592 = arith.constant 0 : i32
    %dma_start3A_593 = tpu.memref_slice %arg2[%dma_start3A_592] : memref<2097152xf32, #tpu.memory_space<hbm>> -> memref<2097152xf32, #tpu.memory_space<hbm>>
    tpu.enqueue_indirect_dma source(%dma_start3A_593 : memref<2097152xf32, #tpu.memory_space<hbm>>) target(%dma_start3A_589 : memref<128xf32, #tpu.memory_space<vmem>>) offsets(%dma_start3A_591 : memref<128xi32, #tpu.memory_space<vmem>>) semaphore(%arg16 : memref<!tpu.dma_semaphore, #tpu.memory_space<semaphore_mem>>)
    %dma_start3A_594 = arith.constant 2944 : i32
    %dma_start3A_595 = tpu.memref_slice %arg13[%dma_start3A_594] : memref<3200xf32, #tpu.memory_space<vmem>> -> memref<128xf32, #tpu.memory_space<vmem>>
    %dma_start3A_596 = arith.constant 2944 : i32
    %dma_start3A_597 = tpu.memref_slice %arg10[%dma_start3A_596] : memref<3200xi32, #tpu.memory_space<vmem>> -> memref<128xi32, #tpu.memory_space<vmem>>
    %dma_start3A_598 = arith.constant 0 : i32
    %dma_start3A_599 = tpu.memref_slice %arg2[%dma_start3A_598] : memref<2097152xf32, #tpu.memory_space<hbm>> -> memref<2097152xf32, #tpu.memory_space<hbm>>
    tpu.enqueue_indirect_dma source(%dma_start3A_599 : memref<2097152xf32, #tpu.memory_space<hbm>>) target(%dma_start3A_595 : memref<128xf32, #tpu.memory_space<vmem>>) offsets(%dma_start3A_597 : memref<128xi32, #tpu.memory_space<vmem>>) semaphore(%arg16 : memref<!tpu.dma_semaphore, #tpu.memory_space<semaphore_mem>>)
    %dma_start3A_600 = arith.constant 3072 : i32
    %dma_start3A_601 = tpu.memref_slice %arg13[%dma_start3A_600] : memref<3200xf32, #tpu.memory_space<vmem>> -> memref<128xf32, #tpu.memory_space<vmem>>
    %dma_start3A_602 = arith.constant 3072 : i32
    %dma_start3A_603 = tpu.memref_slice %arg10[%dma_start3A_602] : memref<3200xi32, #tpu.memory_space<vmem>> -> memref<128xi32, #tpu.memory_space<vmem>>
    %dma_start3A_604 = arith.constant 0 : i32
    %dma_start3A_605 = tpu.memref_slice %arg2[%dma_start3A_604] : memref<2097152xf32, #tpu.memory_space<hbm>> -> memref<2097152xf32, #tpu.memory_space<hbm>>
    tpu.enqueue_indirect_dma source(%dma_start3A_605 : memref<2097152xf32, #tpu.memory_space<hbm>>) target(%dma_start3A_601 : memref<128xf32, #tpu.memory_space<vmem>>) offsets(%dma_start3A_603 : memref<128xi32, #tpu.memory_space<vmem>>) semaphore(%arg16 : memref<!tpu.dma_semaphore, #tpu.memory_space<semaphore_mem>>)
    %dma_wait3A_606 = arith.constant 0 : i32
    %dma_wait3A_607 = tpu.memref_slice %arg12[%dma_wait3A_606] : memref<3200xf32, #tpu.memory_space<vmem>> -> memref<128xf32, #tpu.memory_space<vmem>>
    %dma_wait3A_608 = arith.constant 0 : i32
    %dma_wait3A_609 = tpu.memref_slice %arg9[%dma_wait3A_608] : memref<3200xi32, #tpu.memory_space<vmem>> -> memref<128xi32, #tpu.memory_space<vmem>>
    %dma_wait3A_610 = arith.constant 0 : i32
    %dma_wait3A_611 = tpu.memref_slice %arg2[%dma_wait3A_610] : memref<2097152xf32, #tpu.memory_space<hbm>> -> memref<2097152xf32, #tpu.memory_space<hbm>>
    tpu.wait_indirect_dma semaphore(%arg15 : memref<!tpu.dma_semaphore, #tpu.memory_space<semaphore_mem>>) src(%dma_wait3A_611 : memref<2097152xf32, #tpu.memory_space<hbm>>) dst(%dma_wait3A_607 : memref<128xf32, #tpu.memory_space<vmem>>)
    %dma_wait3A_612 = arith.constant 128 : i32
    %dma_wait3A_613 = tpu.memref_slice %arg12[%dma_wait3A_612] : memref<3200xf32, #tpu.memory_space<vmem>> -> memref<128xf32, #tpu.memory_space<vmem>>
    %dma_wait3A_614 = arith.constant 128 : i32
    %dma_wait3A_615 = tpu.memref_slice %arg9[%dma_wait3A_614] : memref<3200xi32, #tpu.memory_space<vmem>> -> memref<128xi32, #tpu.memory_space<vmem>>
    %dma_wait3A_616 = arith.constant 0 : i32
    %dma_wait3A_617 = tpu.memref_slice %arg2[%dma_wait3A_616] : memref<2097152xf32, #tpu.memory_space<hbm>> -> memref<2097152xf32, #tpu.memory_space<hbm>>
    tpu.wait_indirect_dma semaphore(%arg15 : memref<!tpu.dma_semaphore, #tpu.memory_space<semaphore_mem>>) src(%dma_wait3A_617 : memref<2097152xf32, #tpu.memory_space<hbm>>) dst(%dma_wait3A_613 : memref<128xf32, #tpu.memory_space<vmem>>)
    %dma_wait3A_618 = arith.constant 256 : i32
    %dma_wait3A_619 = tpu.memref_slice %arg12[%dma_wait3A_618] : memref<3200xf32, #tpu.memory_space<vmem>> -> memref<128xf32, #tpu.memory_space<vmem>>
    %dma_wait3A_620 = arith.constant 256 : i32
    %dma_wait3A_621 = tpu.memref_slice %arg9[%dma_wait3A_620] : memref<3200xi32, #tpu.memory_space<vmem>> -> memref<128xi32, #tpu.memory_space<vmem>>
    %dma_wait3A_622 = arith.constant 0 : i32
    %dma_wait3A_623 = tpu.memref_slice %arg2[%dma_wait3A_622] : memref<2097152xf32, #tpu.memory_space<hbm>> -> memref<2097152xf32, #tpu.memory_space<hbm>>
    tpu.wait_indirect_dma semaphore(%arg15 : memref<!tpu.dma_semaphore, #tpu.memory_space<semaphore_mem>>) src(%dma_wait3A_623 : memref<2097152xf32, #tpu.memory_space<hbm>>) dst(%dma_wait3A_619 : memref<128xf32, #tpu.memory_space<vmem>>)
    %dma_wait3A_624 = arith.constant 384 : i32
    %dma_wait3A_625 = tpu.memref_slice %arg12[%dma_wait3A_624] : memref<3200xf32, #tpu.memory_space<vmem>> -> memref<128xf32, #tpu.memory_space<vmem>>
    %dma_wait3A_626 = arith.constant 384 : i32
    %dma_wait3A_627 = tpu.memref_slice %arg9[%dma_wait3A_626] : memref<3200xi32, #tpu.memory_space<vmem>> -> memref<128xi32, #tpu.memory_space<vmem>>
    %dma_wait3A_628 = arith.constant 0 : i32
    %dma_wait3A_629 = tpu.memref_slice %arg2[%dma_wait3A_628] : memref<2097152xf32, #tpu.memory_space<hbm>> -> memref<2097152xf32, #tpu.memory_space<hbm>>
    tpu.wait_indirect_dma semaphore(%arg15 : memref<!tpu.dma_semaphore, #tpu.memory_space<semaphore_mem>>) src(%dma_wait3A_629 : memref<2097152xf32, #tpu.memory_space<hbm>>) dst(%dma_wait3A_625 : memref<128xf32, #tpu.memory_space<vmem>>)
    %dma_wait3A_630 = arith.constant 512 : i32
    %dma_wait3A_631 = tpu.memref_slice %arg12[%dma_wait3A_630] : memref<3200xf32, #tpu.memory_space<vmem>> -> memref<128xf32, #tpu.memory_space<vmem>>
    %dma_wait3A_632 = arith.constant 512 : i32
    %dma_wait3A_633 = tpu.memref_slice %arg9[%dma_wait3A_632] : memref<3200xi32, #tpu.memory_space<vmem>> -> memref<128xi32, #tpu.memory_space<vmem>>
    %dma_wait3A_634 = arith.constant 0 : i32
    %dma_wait3A_635 = tpu.memref_slice %arg2[%dma_wait3A_634] : memref<2097152xf32, #tpu.memory_space<hbm>> -> memref<2097152xf32, #tpu.memory_space<hbm>>
    tpu.wait_indirect_dma semaphore(%arg15 : memref<!tpu.dma_semaphore, #tpu.memory_space<semaphore_mem>>) src(%dma_wait3A_635 : memref<2097152xf32, #tpu.memory_space<hbm>>) dst(%dma_wait3A_631 : memref<128xf32, #tpu.memory_space<vmem>>)
    %dma_wait3A_636 = arith.constant 640 : i32
    %dma_wait3A_637 = tpu.memref_slice %arg12[%dma_wait3A_636] : memref<3200xf32, #tpu.memory_space<vmem>> -> memref<128xf32, #tpu.memory_space<vmem>>
    %dma_wait3A_638 = arith.constant 640 : i32
    %dma_wait3A_639 = tpu.memref_slice %arg9[%dma_wait3A_638] : memref<3200xi32, #tpu.memory_space<vmem>> -> memref<128xi32, #tpu.memory_space<vmem>>
    %dma_wait3A_640 = arith.constant 0 : i32
    %dma_wait3A_641 = tpu.memref_slice %arg2[%dma_wait3A_640] : memref<2097152xf32, #tpu.memory_space<hbm>> -> memref<2097152xf32, #tpu.memory_space<hbm>>
    tpu.wait_indirect_dma semaphore(%arg15 : memref<!tpu.dma_semaphore, #tpu.memory_space<semaphore_mem>>) src(%dma_wait3A_641 : memref<2097152xf32, #tpu.memory_space<hbm>>) dst(%dma_wait3A_637 : memref<128xf32, #tpu.memory_space<vmem>>)
    %dma_wait3A_642 = arith.constant 768 : i32
    %dma_wait3A_643 = tpu.memref_slice %arg12[%dma_wait3A_642] : memref<3200xf32, #tpu.memory_space<vmem>> -> memref<128xf32, #tpu.memory_space<vmem>>
    %dma_wait3A_644 = arith.constant 768 : i32
    %dma_wait3A_645 = tpu.memref_slice %arg9[%dma_wait3A_644] : memref<3200xi32, #tpu.memory_space<vmem>> -> memref<128xi32, #tpu.memory_space<vmem>>
    %dma_wait3A_646 = arith.constant 0 : i32
    %dma_wait3A_647 = tpu.memref_slice %arg2[%dma_wait3A_646] : memref<2097152xf32, #tpu.memory_space<hbm>> -> memref<2097152xf32, #tpu.memory_space<hbm>>
    tpu.wait_indirect_dma semaphore(%arg15 : memref<!tpu.dma_semaphore, #tpu.memory_space<semaphore_mem>>) src(%dma_wait3A_647 : memref<2097152xf32, #tpu.memory_space<hbm>>) dst(%dma_wait3A_643 : memref<128xf32, #tpu.memory_space<vmem>>)
    %dma_wait3A_648 = arith.constant 896 : i32
    %dma_wait3A_649 = tpu.memref_slice %arg12[%dma_wait3A_648] : memref<3200xf32, #tpu.memory_space<vmem>> -> memref<128xf32, #tpu.memory_space<vmem>>
    %dma_wait3A_650 = arith.constant 896 : i32
    %dma_wait3A_651 = tpu.memref_slice %arg9[%dma_wait3A_650] : memref<3200xi32, #tpu.memory_space<vmem>> -> memref<128xi32, #tpu.memory_space<vmem>>
    %dma_wait3A_652 = arith.constant 0 : i32
    %dma_wait3A_653 = tpu.memref_slice %arg2[%dma_wait3A_652] : memref<2097152xf32, #tpu.memory_space<hbm>> -> memref<2097152xf32, #tpu.memory_space<hbm>>
    tpu.wait_indirect_dma semaphore(%arg15 : memref<!tpu.dma_semaphore, #tpu.memory_space<semaphore_mem>>) src(%dma_wait3A_653 : memref<2097152xf32, #tpu.memory_space<hbm>>) dst(%dma_wait3A_649 : memref<128xf32, #tpu.memory_space<vmem>>)
    %dma_wait3A_654 = arith.constant 1024 : i32
    %dma_wait3A_655 = tpu.memref_slice %arg12[%dma_wait3A_654] : memref<3200xf32, #tpu.memory_space<vmem>> -> memref<128xf32, #tpu.memory_space<vmem>>
    %dma_wait3A_656 = arith.constant 1024 : i32
    %dma_wait3A_657 = tpu.memref_slice %arg9[%dma_wait3A_656] : memref<3200xi32, #tpu.memory_space<vmem>> -> memref<128xi32, #tpu.memory_space<vmem>>
    %dma_wait3A_658 = arith.constant 0 : i32
    %dma_wait3A_659 = tpu.memref_slice %arg2[%dma_wait3A_658] : memref<2097152xf32, #tpu.memory_space<hbm>> -> memref<2097152xf32, #tpu.memory_space<hbm>>
    tpu.wait_indirect_dma semaphore(%arg15 : memref<!tpu.dma_semaphore, #tpu.memory_space<semaphore_mem>>) src(%dma_wait3A_659 : memref<2097152xf32, #tpu.memory_space<hbm>>) dst(%dma_wait3A_655 : memref<128xf32, #tpu.memory_space<vmem>>)
    %dma_wait3A_660 = arith.constant 1152 : i32
    %dma_wait3A_661 = tpu.memref_slice %arg12[%dma_wait3A_660] : memref<3200xf32, #tpu.memory_space<vmem>> -> memref<128xf32, #tpu.memory_space<vmem>>
    %dma_wait3A_662 = arith.constant 1152 : i32
    %dma_wait3A_663 = tpu.memref_slice %arg9[%dma_wait3A_662] : memref<3200xi32, #tpu.memory_space<vmem>> -> memref<128xi32, #tpu.memory_space<vmem>>
    %dma_wait3A_664 = arith.constant 0 : i32
    %dma_wait3A_665 = tpu.memref_slice %arg2[%dma_wait3A_664] : memref<2097152xf32, #tpu.memory_space<hbm>> -> memref<2097152xf32, #tpu.memory_space<hbm>>
    tpu.wait_indirect_dma semaphore(%arg15 : memref<!tpu.dma_semaphore, #tpu.memory_space<semaphore_mem>>) src(%dma_wait3A_665 : memref<2097152xf32, #tpu.memory_space<hbm>>) dst(%dma_wait3A_661 : memref<128xf32, #tpu.memory_space<vmem>>)
    %dma_wait3A_666 = arith.constant 1280 : i32
    %dma_wait3A_667 = tpu.memref_slice %arg12[%dma_wait3A_666] : memref<3200xf32, #tpu.memory_space<vmem>> -> memref<128xf32, #tpu.memory_space<vmem>>
    %dma_wait3A_668 = arith.constant 1280 : i32
    %dma_wait3A_669 = tpu.memref_slice %arg9[%dma_wait3A_668] : memref<3200xi32, #tpu.memory_space<vmem>> -> memref<128xi32, #tpu.memory_space<vmem>>
    %dma_wait3A_670 = arith.constant 0 : i32
    %dma_wait3A_671 = tpu.memref_slice %arg2[%dma_wait3A_670] : memref<2097152xf32, #tpu.memory_space<hbm>> -> memref<2097152xf32, #tpu.memory_space<hbm>>
    tpu.wait_indirect_dma semaphore(%arg15 : memref<!tpu.dma_semaphore, #tpu.memory_space<semaphore_mem>>) src(%dma_wait3A_671 : memref<2097152xf32, #tpu.memory_space<hbm>>) dst(%dma_wait3A_667 : memref<128xf32, #tpu.memory_space<vmem>>)
    %dma_wait3A_672 = arith.constant 1408 : i32
    %dma_wait3A_673 = tpu.memref_slice %arg12[%dma_wait3A_672] : memref<3200xf32, #tpu.memory_space<vmem>> -> memref<128xf32, #tpu.memory_space<vmem>>
    %dma_wait3A_674 = arith.constant 1408 : i32
    %dma_wait3A_675 = tpu.memref_slice %arg9[%dma_wait3A_674] : memref<3200xi32, #tpu.memory_space<vmem>> -> memref<128xi32, #tpu.memory_space<vmem>>
    %dma_wait3A_676 = arith.constant 0 : i32
    %dma_wait3A_677 = tpu.memref_slice %arg2[%dma_wait3A_676] : memref<2097152xf32, #tpu.memory_space<hbm>> -> memref<2097152xf32, #tpu.memory_space<hbm>>
    tpu.wait_indirect_dma semaphore(%arg15 : memref<!tpu.dma_semaphore, #tpu.memory_space<semaphore_mem>>) src(%dma_wait3A_677 : memref<2097152xf32, #tpu.memory_space<hbm>>) dst(%dma_wait3A_673 : memref<128xf32, #tpu.memory_space<vmem>>)
    %dma_wait3A_678 = arith.constant 1536 : i32
    %dma_wait3A_679 = tpu.memref_slice %arg12[%dma_wait3A_678] : memref<3200xf32, #tpu.memory_space<vmem>> -> memref<128xf32, #tpu.memory_space<vmem>>
    %dma_wait3A_680 = arith.constant 1536 : i32
    %dma_wait3A_681 = tpu.memref_slice %arg9[%dma_wait3A_680] : memref<3200xi32, #tpu.memory_space<vmem>> -> memref<128xi32, #tpu.memory_space<vmem>>
    %dma_wait3A_682 = arith.constant 0 : i32
    %dma_wait3A_683 = tpu.memref_slice %arg2[%dma_wait3A_682] : memref<2097152xf32, #tpu.memory_space<hbm>> -> memref<2097152xf32, #tpu.memory_space<hbm>>
    tpu.wait_indirect_dma semaphore(%arg15 : memref<!tpu.dma_semaphore, #tpu.memory_space<semaphore_mem>>) src(%dma_wait3A_683 : memref<2097152xf32, #tpu.memory_space<hbm>>) dst(%dma_wait3A_679 : memref<128xf32, #tpu.memory_space<vmem>>)
    %dma_wait3A_684 = arith.constant 1664 : i32
    %dma_wait3A_685 = tpu.memref_slice %arg12[%dma_wait3A_684] : memref<3200xf32, #tpu.memory_space<vmem>> -> memref<128xf32, #tpu.memory_space<vmem>>
    %dma_wait3A_686 = arith.constant 1664 : i32
    %dma_wait3A_687 = tpu.memref_slice %arg9[%dma_wait3A_686] : memref<3200xi32, #tpu.memory_space<vmem>> -> memref<128xi32, #tpu.memory_space<vmem>>
    %dma_wait3A_688 = arith.constant 0 : i32
    %dma_wait3A_689 = tpu.memref_slice %arg2[%dma_wait3A_688] : memref<2097152xf32, #tpu.memory_space<hbm>> -> memref<2097152xf32, #tpu.memory_space<hbm>>
    tpu.wait_indirect_dma semaphore(%arg15 : memref<!tpu.dma_semaphore, #tpu.memory_space<semaphore_mem>>) src(%dma_wait3A_689 : memref<2097152xf32, #tpu.memory_space<hbm>>) dst(%dma_wait3A_685 : memref<128xf32, #tpu.memory_space<vmem>>)
    %dma_wait3A_690 = arith.constant 1792 : i32
    %dma_wait3A_691 = tpu.memref_slice %arg12[%dma_wait3A_690] : memref<3200xf32, #tpu.memory_space<vmem>> -> memref<128xf32, #tpu.memory_space<vmem>>
    %dma_wait3A_692 = arith.constant 1792 : i32
    %dma_wait3A_693 = tpu.memref_slice %arg9[%dma_wait3A_692] : memref<3200xi32, #tpu.memory_space<vmem>> -> memref<128xi32, #tpu.memory_space<vmem>>
    %dma_wait3A_694 = arith.constant 0 : i32
    %dma_wait3A_695 = tpu.memref_slice %arg2[%dma_wait3A_694] : memref<2097152xf32, #tpu.memory_space<hbm>> -> memref<2097152xf32, #tpu.memory_space<hbm>>
    tpu.wait_indirect_dma semaphore(%arg15 : memref<!tpu.dma_semaphore, #tpu.memory_space<semaphore_mem>>) src(%dma_wait3A_695 : memref<2097152xf32, #tpu.memory_space<hbm>>) dst(%dma_wait3A_691 : memref<128xf32, #tpu.memory_space<vmem>>)
    %dma_wait3A_696 = arith.constant 1920 : i32
    %dma_wait3A_697 = tpu.memref_slice %arg12[%dma_wait3A_696] : memref<3200xf32, #tpu.memory_space<vmem>> -> memref<128xf32, #tpu.memory_space<vmem>>
    %dma_wait3A_698 = arith.constant 1920 : i32
    %dma_wait3A_699 = tpu.memref_slice %arg9[%dma_wait3A_698] : memref<3200xi32, #tpu.memory_space<vmem>> -> memref<128xi32, #tpu.memory_space<vmem>>
    %dma_wait3A_700 = arith.constant 0 : i32
    %dma_wait3A_701 = tpu.memref_slice %arg2[%dma_wait3A_700] : memref<2097152xf32, #tpu.memory_space<hbm>> -> memref<2097152xf32, #tpu.memory_space<hbm>>
    tpu.wait_indirect_dma semaphore(%arg15 : memref<!tpu.dma_semaphore, #tpu.memory_space<semaphore_mem>>) src(%dma_wait3A_701 : memref<2097152xf32, #tpu.memory_space<hbm>>) dst(%dma_wait3A_697 : memref<128xf32, #tpu.memory_space<vmem>>)
    %dma_wait3A_702 = arith.constant 2048 : i32
    %dma_wait3A_703 = tpu.memref_slice %arg12[%dma_wait3A_702] : memref<3200xf32, #tpu.memory_space<vmem>> -> memref<128xf32, #tpu.memory_space<vmem>>
    %dma_wait3A_704 = arith.constant 2048 : i32
    %dma_wait3A_705 = tpu.memref_slice %arg9[%dma_wait3A_704] : memref<3200xi32, #tpu.memory_space<vmem>> -> memref<128xi32, #tpu.memory_space<vmem>>
    %dma_wait3A_706 = arith.constant 0 : i32
    %dma_wait3A_707 = tpu.memref_slice %arg2[%dma_wait3A_706] : memref<2097152xf32, #tpu.memory_space<hbm>> -> memref<2097152xf32, #tpu.memory_space<hbm>>
    tpu.wait_indirect_dma semaphore(%arg15 : memref<!tpu.dma_semaphore, #tpu.memory_space<semaphore_mem>>) src(%dma_wait3A_707 : memref<2097152xf32, #tpu.memory_space<hbm>>) dst(%dma_wait3A_703 : memref<128xf32, #tpu.memory_space<vmem>>)
    %dma_wait3A_708 = arith.constant 2176 : i32
    %dma_wait3A_709 = tpu.memref_slice %arg12[%dma_wait3A_708] : memref<3200xf32, #tpu.memory_space<vmem>> -> memref<128xf32, #tpu.memory_space<vmem>>
    %dma_wait3A_710 = arith.constant 2176 : i32
    %dma_wait3A_711 = tpu.memref_slice %arg9[%dma_wait3A_710] : memref<3200xi32, #tpu.memory_space<vmem>> -> memref<128xi32, #tpu.memory_space<vmem>>
    %dma_wait3A_712 = arith.constant 0 : i32
    %dma_wait3A_713 = tpu.memref_slice %arg2[%dma_wait3A_712] : memref<2097152xf32, #tpu.memory_space<hbm>> -> memref<2097152xf32, #tpu.memory_space<hbm>>
    tpu.wait_indirect_dma semaphore(%arg15 : memref<!tpu.dma_semaphore, #tpu.memory_space<semaphore_mem>>) src(%dma_wait3A_713 : memref<2097152xf32, #tpu.memory_space<hbm>>) dst(%dma_wait3A_709 : memref<128xf32, #tpu.memory_space<vmem>>)
    %dma_wait3A_714 = arith.constant 2304 : i32
    %dma_wait3A_715 = tpu.memref_slice %arg12[%dma_wait3A_714] : memref<3200xf32, #tpu.memory_space<vmem>> -> memref<128xf32, #tpu.memory_space<vmem>>
    %dma_wait3A_716 = arith.constant 2304 : i32
    %dma_wait3A_717 = tpu.memref_slice %arg9[%dma_wait3A_716] : memref<3200xi32, #tpu.memory_space<vmem>> -> memref<128xi32, #tpu.memory_space<vmem>>
    %dma_wait3A_718 = arith.constant 0 : i32
    %dma_wait3A_719 = tpu.memref_slice %arg2[%dma_wait3A_718] : memref<2097152xf32, #tpu.memory_space<hbm>> -> memref<2097152xf32, #tpu.memory_space<hbm>>
    tpu.wait_indirect_dma semaphore(%arg15 : memref<!tpu.dma_semaphore, #tpu.memory_space<semaphore_mem>>) src(%dma_wait3A_719 : memref<2097152xf32, #tpu.memory_space<hbm>>) dst(%dma_wait3A_715 : memref<128xf32, #tpu.memory_space<vmem>>)
    %dma_wait3A_720 = arith.constant 2432 : i32
    %dma_wait3A_721 = tpu.memref_slice %arg12[%dma_wait3A_720] : memref<3200xf32, #tpu.memory_space<vmem>> -> memref<128xf32, #tpu.memory_space<vmem>>
    %dma_wait3A_722 = arith.constant 2432 : i32
    %dma_wait3A_723 = tpu.memref_slice %arg9[%dma_wait3A_722] : memref<3200xi32, #tpu.memory_space<vmem>> -> memref<128xi32, #tpu.memory_space<vmem>>
    %dma_wait3A_724 = arith.constant 0 : i32
    %dma_wait3A_725 = tpu.memref_slice %arg2[%dma_wait3A_724] : memref<2097152xf32, #tpu.memory_space<hbm>> -> memref<2097152xf32, #tpu.memory_space<hbm>>
    tpu.wait_indirect_dma semaphore(%arg15 : memref<!tpu.dma_semaphore, #tpu.memory_space<semaphore_mem>>) src(%dma_wait3A_725 : memref<2097152xf32, #tpu.memory_space<hbm>>) dst(%dma_wait3A_721 : memref<128xf32, #tpu.memory_space<vmem>>)
    %dma_wait3A_726 = arith.constant 2560 : i32
    %dma_wait3A_727 = tpu.memref_slice %arg12[%dma_wait3A_726] : memref<3200xf32, #tpu.memory_space<vmem>> -> memref<128xf32, #tpu.memory_space<vmem>>
    %dma_wait3A_728 = arith.constant 2560 : i32
    %dma_wait3A_729 = tpu.memref_slice %arg9[%dma_wait3A_728] : memref<3200xi32, #tpu.memory_space<vmem>> -> memref<128xi32, #tpu.memory_space<vmem>>
    %dma_wait3A_730 = arith.constant 0 : i32
    %dma_wait3A_731 = tpu.memref_slice %arg2[%dma_wait3A_730] : memref<2097152xf32, #tpu.memory_space<hbm>> -> memref<2097152xf32, #tpu.memory_space<hbm>>
    tpu.wait_indirect_dma semaphore(%arg15 : memref<!tpu.dma_semaphore, #tpu.memory_space<semaphore_mem>>) src(%dma_wait3A_731 : memref<2097152xf32, #tpu.memory_space<hbm>>) dst(%dma_wait3A_727 : memref<128xf32, #tpu.memory_space<vmem>>)
    %dma_wait3A_732 = arith.constant 2688 : i32
    %dma_wait3A_733 = tpu.memref_slice %arg12[%dma_wait3A_732] : memref<3200xf32, #tpu.memory_space<vmem>> -> memref<128xf32, #tpu.memory_space<vmem>>
    %dma_wait3A_734 = arith.constant 2688 : i32
    %dma_wait3A_735 = tpu.memref_slice %arg9[%dma_wait3A_734] : memref<3200xi32, #tpu.memory_space<vmem>> -> memref<128xi32, #tpu.memory_space<vmem>>
    %dma_wait3A_736 = arith.constant 0 : i32
    %dma_wait3A_737 = tpu.memref_slice %arg2[%dma_wait3A_736] : memref<2097152xf32, #tpu.memory_space<hbm>> -> memref<2097152xf32, #tpu.memory_space<hbm>>
    tpu.wait_indirect_dma semaphore(%arg15 : memref<!tpu.dma_semaphore, #tpu.memory_space<semaphore_mem>>) src(%dma_wait3A_737 : memref<2097152xf32, #tpu.memory_space<hbm>>) dst(%dma_wait3A_733 : memref<128xf32, #tpu.memory_space<vmem>>)
    %dma_wait3A_738 = arith.constant 2816 : i32
    %dma_wait3A_739 = tpu.memref_slice %arg12[%dma_wait3A_738] : memref<3200xf32, #tpu.memory_space<vmem>> -> memref<128xf32, #tpu.memory_space<vmem>>
    %dma_wait3A_740 = arith.constant 2816 : i32
    %dma_wait3A_741 = tpu.memref_slice %arg9[%dma_wait3A_740] : memref<3200xi32, #tpu.memory_space<vmem>> -> memref<128xi32, #tpu.memory_space<vmem>>
    %dma_wait3A_742 = arith.constant 0 : i32
    %dma_wait3A_743 = tpu.memref_slice %arg2[%dma_wait3A_742] : memref<2097152xf32, #tpu.memory_space<hbm>> -> memref<2097152xf32, #tpu.memory_space<hbm>>
    tpu.wait_indirect_dma semaphore(%arg15 : memref<!tpu.dma_semaphore, #tpu.memory_space<semaphore_mem>>) src(%dma_wait3A_743 : memref<2097152xf32, #tpu.memory_space<hbm>>) dst(%dma_wait3A_739 : memref<128xf32, #tpu.memory_space<vmem>>)
    %dma_wait3A_744 = arith.constant 2944 : i32
    %dma_wait3A_745 = tpu.memref_slice %arg12[%dma_wait3A_744] : memref<3200xf32, #tpu.memory_space<vmem>> -> memref<128xf32, #tpu.memory_space<vmem>>
    %dma_wait3A_746 = arith.constant 2944 : i32
    %dma_wait3A_747 = tpu.memref_slice %arg9[%dma_wait3A_746] : memref<3200xi32, #tpu.memory_space<vmem>> -> memref<128xi32, #tpu.memory_space<vmem>>
    %dma_wait3A_748 = arith.constant 0 : i32
    %dma_wait3A_749 = tpu.memref_slice %arg2[%dma_wait3A_748] : memref<2097152xf32, #tpu.memory_space<hbm>> -> memref<2097152xf32, #tpu.memory_space<hbm>>
    tpu.wait_indirect_dma semaphore(%arg15 : memref<!tpu.dma_semaphore, #tpu.memory_space<semaphore_mem>>) src(%dma_wait3A_749 : memref<2097152xf32, #tpu.memory_space<hbm>>) dst(%dma_wait3A_745 : memref<128xf32, #tpu.memory_space<vmem>>)
    %dma_wait3A_750 = arith.constant 3072 : i32
    %dma_wait3A_751 = tpu.memref_slice %arg12[%dma_wait3A_750] : memref<3200xf32, #tpu.memory_space<vmem>> -> memref<128xf32, #tpu.memory_space<vmem>>
    %dma_wait3A_752 = arith.constant 3072 : i32
    %dma_wait3A_753 = tpu.memref_slice %arg9[%dma_wait3A_752] : memref<3200xi32, #tpu.memory_space<vmem>> -> memref<128xi32, #tpu.memory_space<vmem>>
    %dma_wait3A_754 = arith.constant 0 : i32
    %dma_wait3A_755 = tpu.memref_slice %arg2[%dma_wait3A_754] : memref<2097152xf32, #tpu.memory_space<hbm>> -> memref<2097152xf32, #tpu.memory_space<hbm>>
    tpu.wait_indirect_dma semaphore(%arg15 : memref<!tpu.dma_semaphore, #tpu.memory_space<semaphore_mem>>) src(%dma_wait3A_755 : memref<2097152xf32, #tpu.memory_space<hbm>>) dst(%dma_wait3A_751 : memref<128xf32, #tpu.memory_space<vmem>>)
    "tpu.region"() ({
      %run_scoped3A = tpu.sem_alloc : memref<!tpu.dma_semaphore, #tpu.memory_space<semaphore_mem>>
      %dma_start3A_906 = tpu.memref_slice %arg5[%mul3A_2] : memref<102400xf32, #tpu.memory_space<hbm>> -> memref<3200xf32, #tpu.memory_space<hbm>>
      %dma_start3A_907 = tpu.memref_slice %arg5[%mul3A_2] : memref<102400xf32, #tpu.memory_space<hbm>> -> memref<3200xf32, #tpu.memory_space<hbm>>
      tpu.enqueue_dma source(%arg12 : memref<3200xf32, #tpu.memory_space<vmem>>) target(%dma_start3A_907 : memref<3200xf32, #tpu.memory_space<hbm>>) target_semaphore(%run_scoped3A : memref<!tpu.dma_semaphore, #tpu.memory_space<semaphore_mem>>)
      %dma_wait3A_908 = tpu.memref_slice %arg5[%mul3A_2] : memref<102400xf32, #tpu.memory_space<hbm>> -> memref<3200xf32, #tpu.memory_space<hbm>>
      %dma_wait3A_909 = tpu.memref_slice %arg5[%mul3A_2] : memref<102400xf32, #tpu.memory_space<hbm>> -> memref<3200xf32, #tpu.memory_space<hbm>>
      tpu.wait_dma2 semaphore(%run_scoped3A : memref<!tpu.dma_semaphore, #tpu.memory_space<semaphore_mem>>) src(%arg12 : memref<3200xf32, #tpu.memory_space<vmem>>) dst(%dma_wait3A_909 : memref<3200xf32, #tpu.memory_space<hbm>>)
      tpu.yield
    }) : () -> ()
    %dma_wait3A_756 = arith.constant 0 : i32
    %dma_wait3A_757 = tpu.memref_slice %arg13[%dma_wait3A_756] : memref<3200xf32, #tpu.memory_space<vmem>> -> memref<128xf32, #tpu.memory_space<vmem>>
    %dma_wait3A_758 = arith.constant 0 : i32
    %dma_wait3A_759 = tpu.memref_slice %arg10[%dma_wait3A_758] : memref<3200xi32, #tpu.memory_space<vmem>> -> memref<128xi32, #tpu.memory_space<vmem>>
    %dma_wait3A_760 = arith.constant 0 : i32
    %dma_wait3A_761 = tpu.memref_slice %arg2[%dma_wait3A_760] : memref<2097152xf32, #tpu.memory_space<hbm>> -> memref<2097152xf32, #tpu.memory_space<hbm>>
    tpu.wait_indirect_dma semaphore(%arg16 : memref<!tpu.dma_semaphore, #tpu.memory_space<semaphore_mem>>) src(%dma_wait3A_761 : memref<2097152xf32, #tpu.memory_space<hbm>>) dst(%dma_wait3A_757 : memref<128xf32, #tpu.memory_space<vmem>>)
    %dma_wait3A_762 = arith.constant 128 : i32
    %dma_wait3A_763 = tpu.memref_slice %arg13[%dma_wait3A_762] : memref<3200xf32, #tpu.memory_space<vmem>> -> memref<128xf32, #tpu.memory_space<vmem>>
    %dma_wait3A_764 = arith.constant 128 : i32
    %dma_wait3A_765 = tpu.memref_slice %arg10[%dma_wait3A_764] : memref<3200xi32, #tpu.memory_space<vmem>> -> memref<128xi32, #tpu.memory_space<vmem>>
    %dma_wait3A_766 = arith.constant 0 : i32
    %dma_wait3A_767 = tpu.memref_slice %arg2[%dma_wait3A_766] : memref<2097152xf32, #tpu.memory_space<hbm>> -> memref<2097152xf32, #tpu.memory_space<hbm>>
    tpu.wait_indirect_dma semaphore(%arg16 : memref<!tpu.dma_semaphore, #tpu.memory_space<semaphore_mem>>) src(%dma_wait3A_767 : memref<2097152xf32, #tpu.memory_space<hbm>>) dst(%dma_wait3A_763 : memref<128xf32, #tpu.memory_space<vmem>>)
    %dma_wait3A_768 = arith.constant 256 : i32
    %dma_wait3A_769 = tpu.memref_slice %arg13[%dma_wait3A_768] : memref<3200xf32, #tpu.memory_space<vmem>> -> memref<128xf32, #tpu.memory_space<vmem>>
    %dma_wait3A_770 = arith.constant 256 : i32
    %dma_wait3A_771 = tpu.memref_slice %arg10[%dma_wait3A_770] : memref<3200xi32, #tpu.memory_space<vmem>> -> memref<128xi32, #tpu.memory_space<vmem>>
    %dma_wait3A_772 = arith.constant 0 : i32
    %dma_wait3A_773 = tpu.memref_slice %arg2[%dma_wait3A_772] : memref<2097152xf32, #tpu.memory_space<hbm>> -> memref<2097152xf32, #tpu.memory_space<hbm>>
    tpu.wait_indirect_dma semaphore(%arg16 : memref<!tpu.dma_semaphore, #tpu.memory_space<semaphore_mem>>) src(%dma_wait3A_773 : memref<2097152xf32, #tpu.memory_space<hbm>>) dst(%dma_wait3A_769 : memref<128xf32, #tpu.memory_space<vmem>>)
    %dma_wait3A_774 = arith.constant 384 : i32
    %dma_wait3A_775 = tpu.memref_slice %arg13[%dma_wait3A_774] : memref<3200xf32, #tpu.memory_space<vmem>> -> memref<128xf32, #tpu.memory_space<vmem>>
    %dma_wait3A_776 = arith.constant 384 : i32
    %dma_wait3A_777 = tpu.memref_slice %arg10[%dma_wait3A_776] : memref<3200xi32, #tpu.memory_space<vmem>> -> memref<128xi32, #tpu.memory_space<vmem>>
    %dma_wait3A_778 = arith.constant 0 : i32
    %dma_wait3A_779 = tpu.memref_slice %arg2[%dma_wait3A_778] : memref<2097152xf32, #tpu.memory_space<hbm>> -> memref<2097152xf32, #tpu.memory_space<hbm>>
    tpu.wait_indirect_dma semaphore(%arg16 : memref<!tpu.dma_semaphore, #tpu.memory_space<semaphore_mem>>) src(%dma_wait3A_779 : memref<2097152xf32, #tpu.memory_space<hbm>>) dst(%dma_wait3A_775 : memref<128xf32, #tpu.memory_space<vmem>>)
    %dma_wait3A_780 = arith.constant 512 : i32
    %dma_wait3A_781 = tpu.memref_slice %arg13[%dma_wait3A_780] : memref<3200xf32, #tpu.memory_space<vmem>> -> memref<128xf32, #tpu.memory_space<vmem>>
    %dma_wait3A_782 = arith.constant 512 : i32
    %dma_wait3A_783 = tpu.memref_slice %arg10[%dma_wait3A_782] : memref<3200xi32, #tpu.memory_space<vmem>> -> memref<128xi32, #tpu.memory_space<vmem>>
    %dma_wait3A_784 = arith.constant 0 : i32
    %dma_wait3A_785 = tpu.memref_slice %arg2[%dma_wait3A_784] : memref<2097152xf32, #tpu.memory_space<hbm>> -> memref<2097152xf32, #tpu.memory_space<hbm>>
    tpu.wait_indirect_dma semaphore(%arg16 : memref<!tpu.dma_semaphore, #tpu.memory_space<semaphore_mem>>) src(%dma_wait3A_785 : memref<2097152xf32, #tpu.memory_space<hbm>>) dst(%dma_wait3A_781 : memref<128xf32, #tpu.memory_space<vmem>>)
    %dma_wait3A_786 = arith.constant 640 : i32
    %dma_wait3A_787 = tpu.memref_slice %arg13[%dma_wait3A_786] : memref<3200xf32, #tpu.memory_space<vmem>> -> memref<128xf32, #tpu.memory_space<vmem>>
    %dma_wait3A_788 = arith.constant 640 : i32
    %dma_wait3A_789 = tpu.memref_slice %arg10[%dma_wait3A_788] : memref<3200xi32, #tpu.memory_space<vmem>> -> memref<128xi32, #tpu.memory_space<vmem>>
    %dma_wait3A_790 = arith.constant 0 : i32
    %dma_wait3A_791 = tpu.memref_slice %arg2[%dma_wait3A_790] : memref<2097152xf32, #tpu.memory_space<hbm>> -> memref<2097152xf32, #tpu.memory_space<hbm>>
    tpu.wait_indirect_dma semaphore(%arg16 : memref<!tpu.dma_semaphore, #tpu.memory_space<semaphore_mem>>) src(%dma_wait3A_791 : memref<2097152xf32, #tpu.memory_space<hbm>>) dst(%dma_wait3A_787 : memref<128xf32, #tpu.memory_space<vmem>>)
    %dma_wait3A_792 = arith.constant 768 : i32
    %dma_wait3A_793 = tpu.memref_slice %arg13[%dma_wait3A_792] : memref<3200xf32, #tpu.memory_space<vmem>> -> memref<128xf32, #tpu.memory_space<vmem>>
    %dma_wait3A_794 = arith.constant 768 : i32
    %dma_wait3A_795 = tpu.memref_slice %arg10[%dma_wait3A_794] : memref<3200xi32, #tpu.memory_space<vmem>> -> memref<128xi32, #tpu.memory_space<vmem>>
    %dma_wait3A_796 = arith.constant 0 : i32
    %dma_wait3A_797 = tpu.memref_slice %arg2[%dma_wait3A_796] : memref<2097152xf32, #tpu.memory_space<hbm>> -> memref<2097152xf32, #tpu.memory_space<hbm>>
    tpu.wait_indirect_dma semaphore(%arg16 : memref<!tpu.dma_semaphore, #tpu.memory_space<semaphore_mem>>) src(%dma_wait3A_797 : memref<2097152xf32, #tpu.memory_space<hbm>>) dst(%dma_wait3A_793 : memref<128xf32, #tpu.memory_space<vmem>>)
    %dma_wait3A_798 = arith.constant 896 : i32
    %dma_wait3A_799 = tpu.memref_slice %arg13[%dma_wait3A_798] : memref<3200xf32, #tpu.memory_space<vmem>> -> memref<128xf32, #tpu.memory_space<vmem>>
    %dma_wait3A_800 = arith.constant 896 : i32
    %dma_wait3A_801 = tpu.memref_slice %arg10[%dma_wait3A_800] : memref<3200xi32, #tpu.memory_space<vmem>> -> memref<128xi32, #tpu.memory_space<vmem>>
    %dma_wait3A_802 = arith.constant 0 : i32
    %dma_wait3A_803 = tpu.memref_slice %arg2[%dma_wait3A_802] : memref<2097152xf32, #tpu.memory_space<hbm>> -> memref<2097152xf32, #tpu.memory_space<hbm>>
    tpu.wait_indirect_dma semaphore(%arg16 : memref<!tpu.dma_semaphore, #tpu.memory_space<semaphore_mem>>) src(%dma_wait3A_803 : memref<2097152xf32, #tpu.memory_space<hbm>>) dst(%dma_wait3A_799 : memref<128xf32, #tpu.memory_space<vmem>>)
    %dma_wait3A_804 = arith.constant 1024 : i32
    %dma_wait3A_805 = tpu.memref_slice %arg13[%dma_wait3A_804] : memref<3200xf32, #tpu.memory_space<vmem>> -> memref<128xf32, #tpu.memory_space<vmem>>
    %dma_wait3A_806 = arith.constant 1024 : i32
    %dma_wait3A_807 = tpu.memref_slice %arg10[%dma_wait3A_806] : memref<3200xi32, #tpu.memory_space<vmem>> -> memref<128xi32, #tpu.memory_space<vmem>>
    %dma_wait3A_808 = arith.constant 0 : i32
    %dma_wait3A_809 = tpu.memref_slice %arg2[%dma_wait3A_808] : memref<2097152xf32, #tpu.memory_space<hbm>> -> memref<2097152xf32, #tpu.memory_space<hbm>>
    tpu.wait_indirect_dma semaphore(%arg16 : memref<!tpu.dma_semaphore, #tpu.memory_space<semaphore_mem>>) src(%dma_wait3A_809 : memref<2097152xf32, #tpu.memory_space<hbm>>) dst(%dma_wait3A_805 : memref<128xf32, #tpu.memory_space<vmem>>)
    %dma_wait3A_810 = arith.constant 1152 : i32
    %dma_wait3A_811 = tpu.memref_slice %arg13[%dma_wait3A_810] : memref<3200xf32, #tpu.memory_space<vmem>> -> memref<128xf32, #tpu.memory_space<vmem>>
    %dma_wait3A_812 = arith.constant 1152 : i32
    %dma_wait3A_813 = tpu.memref_slice %arg10[%dma_wait3A_812] : memref<3200xi32, #tpu.memory_space<vmem>> -> memref<128xi32, #tpu.memory_space<vmem>>
    %dma_wait3A_814 = arith.constant 0 : i32
    %dma_wait3A_815 = tpu.memref_slice %arg2[%dma_wait3A_814] : memref<2097152xf32, #tpu.memory_space<hbm>> -> memref<2097152xf32, #tpu.memory_space<hbm>>
    tpu.wait_indirect_dma semaphore(%arg16 : memref<!tpu.dma_semaphore, #tpu.memory_space<semaphore_mem>>) src(%dma_wait3A_815 : memref<2097152xf32, #tpu.memory_space<hbm>>) dst(%dma_wait3A_811 : memref<128xf32, #tpu.memory_space<vmem>>)
    %dma_wait3A_816 = arith.constant 1280 : i32
    %dma_wait3A_817 = tpu.memref_slice %arg13[%dma_wait3A_816] : memref<3200xf32, #tpu.memory_space<vmem>> -> memref<128xf32, #tpu.memory_space<vmem>>
    %dma_wait3A_818 = arith.constant 1280 : i32
    %dma_wait3A_819 = tpu.memref_slice %arg10[%dma_wait3A_818] : memref<3200xi32, #tpu.memory_space<vmem>> -> memref<128xi32, #tpu.memory_space<vmem>>
    %dma_wait3A_820 = arith.constant 0 : i32
    %dma_wait3A_821 = tpu.memref_slice %arg2[%dma_wait3A_820] : memref<2097152xf32, #tpu.memory_space<hbm>> -> memref<2097152xf32, #tpu.memory_space<hbm>>
    tpu.wait_indirect_dma semaphore(%arg16 : memref<!tpu.dma_semaphore, #tpu.memory_space<semaphore_mem>>) src(%dma_wait3A_821 : memref<2097152xf32, #tpu.memory_space<hbm>>) dst(%dma_wait3A_817 : memref<128xf32, #tpu.memory_space<vmem>>)
    %dma_wait3A_822 = arith.constant 1408 : i32
    %dma_wait3A_823 = tpu.memref_slice %arg13[%dma_wait3A_822] : memref<3200xf32, #tpu.memory_space<vmem>> -> memref<128xf32, #tpu.memory_space<vmem>>
    %dma_wait3A_824 = arith.constant 1408 : i32
    %dma_wait3A_825 = tpu.memref_slice %arg10[%dma_wait3A_824] : memref<3200xi32, #tpu.memory_space<vmem>> -> memref<128xi32, #tpu.memory_space<vmem>>
    %dma_wait3A_826 = arith.constant 0 : i32
    %dma_wait3A_827 = tpu.memref_slice %arg2[%dma_wait3A_826] : memref<2097152xf32, #tpu.memory_space<hbm>> -> memref<2097152xf32, #tpu.memory_space<hbm>>
    tpu.wait_indirect_dma semaphore(%arg16 : memref<!tpu.dma_semaphore, #tpu.memory_space<semaphore_mem>>) src(%dma_wait3A_827 : memref<2097152xf32, #tpu.memory_space<hbm>>) dst(%dma_wait3A_823 : memref<128xf32, #tpu.memory_space<vmem>>)
    %dma_wait3A_828 = arith.constant 1536 : i32
    %dma_wait3A_829 = tpu.memref_slice %arg13[%dma_wait3A_828] : memref<3200xf32, #tpu.memory_space<vmem>> -> memref<128xf32, #tpu.memory_space<vmem>>
    %dma_wait3A_830 = arith.constant 1536 : i32
    %dma_wait3A_831 = tpu.memref_slice %arg10[%dma_wait3A_830] : memref<3200xi32, #tpu.memory_space<vmem>> -> memref<128xi32, #tpu.memory_space<vmem>>
    %dma_wait3A_832 = arith.constant 0 : i32
    %dma_wait3A_833 = tpu.memref_slice %arg2[%dma_wait3A_832] : memref<2097152xf32, #tpu.memory_space<hbm>> -> memref<2097152xf32, #tpu.memory_space<hbm>>
    tpu.wait_indirect_dma semaphore(%arg16 : memref<!tpu.dma_semaphore, #tpu.memory_space<semaphore_mem>>) src(%dma_wait3A_833 : memref<2097152xf32, #tpu.memory_space<hbm>>) dst(%dma_wait3A_829 : memref<128xf32, #tpu.memory_space<vmem>>)
    %dma_wait3A_834 = arith.constant 1664 : i32
    %dma_wait3A_835 = tpu.memref_slice %arg13[%dma_wait3A_834] : memref<3200xf32, #tpu.memory_space<vmem>> -> memref<128xf32, #tpu.memory_space<vmem>>
    %dma_wait3A_836 = arith.constant 1664 : i32
    %dma_wait3A_837 = tpu.memref_slice %arg10[%dma_wait3A_836] : memref<3200xi32, #tpu.memory_space<vmem>> -> memref<128xi32, #tpu.memory_space<vmem>>
    %dma_wait3A_838 = arith.constant 0 : i32
    %dma_wait3A_839 = tpu.memref_slice %arg2[%dma_wait3A_838] : memref<2097152xf32, #tpu.memory_space<hbm>> -> memref<2097152xf32, #tpu.memory_space<hbm>>
    tpu.wait_indirect_dma semaphore(%arg16 : memref<!tpu.dma_semaphore, #tpu.memory_space<semaphore_mem>>) src(%dma_wait3A_839 : memref<2097152xf32, #tpu.memory_space<hbm>>) dst(%dma_wait3A_835 : memref<128xf32, #tpu.memory_space<vmem>>)
    %dma_wait3A_840 = arith.constant 1792 : i32
    %dma_wait3A_841 = tpu.memref_slice %arg13[%dma_wait3A_840] : memref<3200xf32, #tpu.memory_space<vmem>> -> memref<128xf32, #tpu.memory_space<vmem>>
    %dma_wait3A_842 = arith.constant 1792 : i32
    %dma_wait3A_843 = tpu.memref_slice %arg10[%dma_wait3A_842] : memref<3200xi32, #tpu.memory_space<vmem>> -> memref<128xi32, #tpu.memory_space<vmem>>
    %dma_wait3A_844 = arith.constant 0 : i32
    %dma_wait3A_845 = tpu.memref_slice %arg2[%dma_wait3A_844] : memref<2097152xf32, #tpu.memory_space<hbm>> -> memref<2097152xf32, #tpu.memory_space<hbm>>
    tpu.wait_indirect_dma semaphore(%arg16 : memref<!tpu.dma_semaphore, #tpu.memory_space<semaphore_mem>>) src(%dma_wait3A_845 : memref<2097152xf32, #tpu.memory_space<hbm>>) dst(%dma_wait3A_841 : memref<128xf32, #tpu.memory_space<vmem>>)
    %dma_wait3A_846 = arith.constant 1920 : i32
    %dma_wait3A_847 = tpu.memref_slice %arg13[%dma_wait3A_846] : memref<3200xf32, #tpu.memory_space<vmem>> -> memref<128xf32, #tpu.memory_space<vmem>>
    %dma_wait3A_848 = arith.constant 1920 : i32
    %dma_wait3A_849 = tpu.memref_slice %arg10[%dma_wait3A_848] : memref<3200xi32, #tpu.memory_space<vmem>> -> memref<128xi32, #tpu.memory_space<vmem>>
    %dma_wait3A_850 = arith.constant 0 : i32
    %dma_wait3A_851 = tpu.memref_slice %arg2[%dma_wait3A_850] : memref<2097152xf32, #tpu.memory_space<hbm>> -> memref<2097152xf32, #tpu.memory_space<hbm>>
    tpu.wait_indirect_dma semaphore(%arg16 : memref<!tpu.dma_semaphore, #tpu.memory_space<semaphore_mem>>) src(%dma_wait3A_851 : memref<2097152xf32, #tpu.memory_space<hbm>>) dst(%dma_wait3A_847 : memref<128xf32, #tpu.memory_space<vmem>>)
    %dma_wait3A_852 = arith.constant 2048 : i32
    %dma_wait3A_853 = tpu.memref_slice %arg13[%dma_wait3A_852] : memref<3200xf32, #tpu.memory_space<vmem>> -> memref<128xf32, #tpu.memory_space<vmem>>
    %dma_wait3A_854 = arith.constant 2048 : i32
    %dma_wait3A_855 = tpu.memref_slice %arg10[%dma_wait3A_854] : memref<3200xi32, #tpu.memory_space<vmem>> -> memref<128xi32, #tpu.memory_space<vmem>>
    %dma_wait3A_856 = arith.constant 0 : i32
    %dma_wait3A_857 = tpu.memref_slice %arg2[%dma_wait3A_856] : memref<2097152xf32, #tpu.memory_space<hbm>> -> memref<2097152xf32, #tpu.memory_space<hbm>>
    tpu.wait_indirect_dma semaphore(%arg16 : memref<!tpu.dma_semaphore, #tpu.memory_space<semaphore_mem>>) src(%dma_wait3A_857 : memref<2097152xf32, #tpu.memory_space<hbm>>) dst(%dma_wait3A_853 : memref<128xf32, #tpu.memory_space<vmem>>)
    %dma_wait3A_858 = arith.constant 2176 : i32
    %dma_wait3A_859 = tpu.memref_slice %arg13[%dma_wait3A_858] : memref<3200xf32, #tpu.memory_space<vmem>> -> memref<128xf32, #tpu.memory_space<vmem>>
    %dma_wait3A_860 = arith.constant 2176 : i32
    %dma_wait3A_861 = tpu.memref_slice %arg10[%dma_wait3A_860] : memref<3200xi32, #tpu.memory_space<vmem>> -> memref<128xi32, #tpu.memory_space<vmem>>
    %dma_wait3A_862 = arith.constant 0 : i32
    %dma_wait3A_863 = tpu.memref_slice %arg2[%dma_wait3A_862] : memref<2097152xf32, #tpu.memory_space<hbm>> -> memref<2097152xf32, #tpu.memory_space<hbm>>
    tpu.wait_indirect_dma semaphore(%arg16 : memref<!tpu.dma_semaphore, #tpu.memory_space<semaphore_mem>>) src(%dma_wait3A_863 : memref<2097152xf32, #tpu.memory_space<hbm>>) dst(%dma_wait3A_859 : memref<128xf32, #tpu.memory_space<vmem>>)
    %dma_wait3A_864 = arith.constant 2304 : i32
    %dma_wait3A_865 = tpu.memref_slice %arg13[%dma_wait3A_864] : memref<3200xf32, #tpu.memory_space<vmem>> -> memref<128xf32, #tpu.memory_space<vmem>>
    %dma_wait3A_866 = arith.constant 2304 : i32
    %dma_wait3A_867 = tpu.memref_slice %arg10[%dma_wait3A_866] : memref<3200xi32, #tpu.memory_space<vmem>> -> memref<128xi32, #tpu.memory_space<vmem>>
    %dma_wait3A_868 = arith.constant 0 : i32
    %dma_wait3A_869 = tpu.memref_slice %arg2[%dma_wait3A_868] : memref<2097152xf32, #tpu.memory_space<hbm>> -> memref<2097152xf32, #tpu.memory_space<hbm>>
    tpu.wait_indirect_dma semaphore(%arg16 : memref<!tpu.dma_semaphore, #tpu.memory_space<semaphore_mem>>) src(%dma_wait3A_869 : memref<2097152xf32, #tpu.memory_space<hbm>>) dst(%dma_wait3A_865 : memref<128xf32, #tpu.memory_space<vmem>>)
    %dma_wait3A_870 = arith.constant 2432 : i32
    %dma_wait3A_871 = tpu.memref_slice %arg13[%dma_wait3A_870] : memref<3200xf32, #tpu.memory_space<vmem>> -> memref<128xf32, #tpu.memory_space<vmem>>
    %dma_wait3A_872 = arith.constant 2432 : i32
    %dma_wait3A_873 = tpu.memref_slice %arg10[%dma_wait3A_872] : memref<3200xi32, #tpu.memory_space<vmem>> -> memref<128xi32, #tpu.memory_space<vmem>>
    %dma_wait3A_874 = arith.constant 0 : i32
    %dma_wait3A_875 = tpu.memref_slice %arg2[%dma_wait3A_874] : memref<2097152xf32, #tpu.memory_space<hbm>> -> memref<2097152xf32, #tpu.memory_space<hbm>>
    tpu.wait_indirect_dma semaphore(%arg16 : memref<!tpu.dma_semaphore, #tpu.memory_space<semaphore_mem>>) src(%dma_wait3A_875 : memref<2097152xf32, #tpu.memory_space<hbm>>) dst(%dma_wait3A_871 : memref<128xf32, #tpu.memory_space<vmem>>)
    %dma_wait3A_876 = arith.constant 2560 : i32
    %dma_wait3A_877 = tpu.memref_slice %arg13[%dma_wait3A_876] : memref<3200xf32, #tpu.memory_space<vmem>> -> memref<128xf32, #tpu.memory_space<vmem>>
    %dma_wait3A_878 = arith.constant 2560 : i32
    %dma_wait3A_879 = tpu.memref_slice %arg10[%dma_wait3A_878] : memref<3200xi32, #tpu.memory_space<vmem>> -> memref<128xi32, #tpu.memory_space<vmem>>
    %dma_wait3A_880 = arith.constant 0 : i32
    %dma_wait3A_881 = tpu.memref_slice %arg2[%dma_wait3A_880] : memref<2097152xf32, #tpu.memory_space<hbm>> -> memref<2097152xf32, #tpu.memory_space<hbm>>
    tpu.wait_indirect_dma semaphore(%arg16 : memref<!tpu.dma_semaphore, #tpu.memory_space<semaphore_mem>>) src(%dma_wait3A_881 : memref<2097152xf32, #tpu.memory_space<hbm>>) dst(%dma_wait3A_877 : memref<128xf32, #tpu.memory_space<vmem>>)
    %dma_wait3A_882 = arith.constant 2688 : i32
    %dma_wait3A_883 = tpu.memref_slice %arg13[%dma_wait3A_882] : memref<3200xf32, #tpu.memory_space<vmem>> -> memref<128xf32, #tpu.memory_space<vmem>>
    %dma_wait3A_884 = arith.constant 2688 : i32
    %dma_wait3A_885 = tpu.memref_slice %arg10[%dma_wait3A_884] : memref<3200xi32, #tpu.memory_space<vmem>> -> memref<128xi32, #tpu.memory_space<vmem>>
    %dma_wait3A_886 = arith.constant 0 : i32
    %dma_wait3A_887 = tpu.memref_slice %arg2[%dma_wait3A_886] : memref<2097152xf32, #tpu.memory_space<hbm>> -> memref<2097152xf32, #tpu.memory_space<hbm>>
    tpu.wait_indirect_dma semaphore(%arg16 : memref<!tpu.dma_semaphore, #tpu.memory_space<semaphore_mem>>) src(%dma_wait3A_887 : memref<2097152xf32, #tpu.memory_space<hbm>>) dst(%dma_wait3A_883 : memref<128xf32, #tpu.memory_space<vmem>>)
    %dma_wait3A_888 = arith.constant 2816 : i32
    %dma_wait3A_889 = tpu.memref_slice %arg13[%dma_wait3A_888] : memref<3200xf32, #tpu.memory_space<vmem>> -> memref<128xf32, #tpu.memory_space<vmem>>
    %dma_wait3A_890 = arith.constant 2816 : i32
    %dma_wait3A_891 = tpu.memref_slice %arg10[%dma_wait3A_890] : memref<3200xi32, #tpu.memory_space<vmem>> -> memref<128xi32, #tpu.memory_space<vmem>>
    %dma_wait3A_892 = arith.constant 0 : i32
    %dma_wait3A_893 = tpu.memref_slice %arg2[%dma_wait3A_892] : memref<2097152xf32, #tpu.memory_space<hbm>> -> memref<2097152xf32, #tpu.memory_space<hbm>>
    tpu.wait_indirect_dma semaphore(%arg16 : memref<!tpu.dma_semaphore, #tpu.memory_space<semaphore_mem>>) src(%dma_wait3A_893 : memref<2097152xf32, #tpu.memory_space<hbm>>) dst(%dma_wait3A_889 : memref<128xf32, #tpu.memory_space<vmem>>)
    %dma_wait3A_894 = arith.constant 2944 : i32
    %dma_wait3A_895 = tpu.memref_slice %arg13[%dma_wait3A_894] : memref<3200xf32, #tpu.memory_space<vmem>> -> memref<128xf32, #tpu.memory_space<vmem>>
    %dma_wait3A_896 = arith.constant 2944 : i32
    %dma_wait3A_897 = tpu.memref_slice %arg10[%dma_wait3A_896] : memref<3200xi32, #tpu.memory_space<vmem>> -> memref<128xi32, #tpu.memory_space<vmem>>
    %dma_wait3A_898 = arith.constant 0 : i32
    %dma_wait3A_899 = tpu.memref_slice %arg2[%dma_wait3A_898] : memref<2097152xf32, #tpu.memory_space<hbm>> -> memref<2097152xf32, #tpu.memory_space<hbm>>
    tpu.wait_indirect_dma semaphore(%arg16 : memref<!tpu.dma_semaphore, #tpu.memory_space<semaphore_mem>>) src(%dma_wait3A_899 : memref<2097152xf32, #tpu.memory_space<hbm>>) dst(%dma_wait3A_895 : memref<128xf32, #tpu.memory_space<vmem>>)
    %dma_wait3A_900 = arith.constant 3072 : i32
    %dma_wait3A_901 = tpu.memref_slice %arg13[%dma_wait3A_900] : memref<3200xf32, #tpu.memory_space<vmem>> -> memref<128xf32, #tpu.memory_space<vmem>>
    %dma_wait3A_902 = arith.constant 3072 : i32
    %dma_wait3A_903 = tpu.memref_slice %arg10[%dma_wait3A_902] : memref<3200xi32, #tpu.memory_space<vmem>> -> memref<128xi32, #tpu.memory_space<vmem>>
    %dma_wait3A_904 = arith.constant 0 : i32
    %dma_wait3A_905 = tpu.memref_slice %arg2[%dma_wait3A_904] : memref<2097152xf32, #tpu.memory_space<hbm>> -> memref<2097152xf32, #tpu.memory_space<hbm>>
    tpu.wait_indirect_dma semaphore(%arg16 : memref<!tpu.dma_semaphore, #tpu.memory_space<semaphore_mem>>) src(%dma_wait3A_905 : memref<2097152xf32, #tpu.memory_space<hbm>>) dst(%dma_wait3A_901 : memref<128xf32, #tpu.memory_space<vmem>>)
    "tpu.region"() ({
      %run_scoped3A = tpu.sem_alloc : memref<!tpu.dma_semaphore, #tpu.memory_space<semaphore_mem>>
      %dma_start3A_906 = tpu.memref_slice %arg6[%mul3A_2] : memref<102400xf32, #tpu.memory_space<hbm>> -> memref<3200xf32, #tpu.memory_space<hbm>>
      %dma_start3A_907 = tpu.memref_slice %arg6[%mul3A_2] : memref<102400xf32, #tpu.memory_space<hbm>> -> memref<3200xf32, #tpu.memory_space<hbm>>
      tpu.enqueue_dma source(%arg13 : memref<3200xf32, #tpu.memory_space<vmem>>) target(%dma_start3A_907 : memref<3200xf32, #tpu.memory_space<hbm>>) target_semaphore(%run_scoped3A : memref<!tpu.dma_semaphore, #tpu.memory_space<semaphore_mem>>)
      %dma_wait3A_908 = tpu.memref_slice %arg6[%mul3A_2] : memref<102400xf32, #tpu.memory_space<hbm>> -> memref<3200xf32, #tpu.memory_space<hbm>>
      %dma_wait3A_909 = tpu.memref_slice %arg6[%mul3A_2] : memref<102400xf32, #tpu.memory_space<hbm>> -> memref<3200xf32, #tpu.memory_space<hbm>>
      tpu.wait_dma2 semaphore(%run_scoped3A : memref<!tpu.dma_semaphore, #tpu.memory_space<semaphore_mem>>) src(%arg13 : memref<3200xf32, #tpu.memory_space<vmem>>) dst(%dma_wait3A_909 : memref<3200xf32, #tpu.memory_space<hbm>>)
      tpu.yield
    }) : () -> ()
    return
  }
}

module attributes {stable_mosaic.version = 14 : i64} {
  func.func @_proj_body(%arg0: i32, %arg1: memref<64x8x512xf32, #tpu.memory_space<vmem>>, %arg2: memref<64x128xf32, #tpu.memory_space<vmem>>, %arg3: memref<16x128xf32, #tpu.memory_space<vmem>>, %arg4: memref<8x32x128xf32, #tpu.memory_space<vmem>>) attributes {dimension_semantics = [#tpu.dimension_semantics<arbitrary>], iteration_bounds = array<i64: 64>, scalar_prefetch = 0 : i64, scratch_operands = 0 : i64, tpu.core_type = #tpu.core_type<tc>, window_params = [{transform_indices = @transform_0, window_bounds = array<i64: 64, 8, 512>}, {pipeline_mode = #tpu.pipeline_mode<synchronous>, transform_indices = @transform_1, window_bounds = array<i64: 64, 128>}, {pipeline_mode = #tpu.pipeline_mode<synchronous>, transform_indices = @transform_2, window_bounds = array<i64: 16, 128>}, {transform_indices = @transform_3, window_bounds = array<i64: 8, 32, 128>}]} {
    %get3A = arith.constant 0 : index
    %get3A_0 = arith.constant 0 : index
    %get3A_1 = vector.load %arg3[%get3A, %get3A_0] : memref<16x128xf32, #tpu.memory_space<vmem>>, vector<16x128xf32>
    %get3A_2 = arith.constant 0 : index
    %get3A_3 = arith.constant 0 : index
    %get3A_4 = arith.constant 0 : index
    %get3A_5 = vector.load %arg1[%get3A_2, %get3A_3, %get3A_4] : memref<64x8x512xf32, #tpu.memory_space<vmem>>, vector<64x1x512xf32>
    %get3A_6 = vector.shape_cast %get3A_5 : vector<64x1x512xf32> to vector<64x512xf32>
    %get3A_7 = arith.constant 0 : index
    %get3A_8 = arith.constant 0 : index
    %get3A_9 = vector.load %arg2[%get3A_7, %get3A_8] : memref<64x128xf32, #tpu.memory_space<vmem>>, vector<64x128xf32>
    %dot_general3A = arith.constant dense<0.000000e+00> : vector<512x128xf32>
    %dot_general3A_10 = tpu.matmul %get3A_6, %get3A_9, %dot_general3A {dimension_numbers = #tpu.dot_dimension_numbers<[0], [0], [1], [1], [0, 1, 1, 1], [], []>, transpose_lhs_hint = false} : vector<64x512xf32>, vector<64x128xf32>, vector<512x128xf32> -> vector<512x128xf32>
    %reshape3A = vector.shape_cast %dot_general3A_10 : vector<512x128xf32> to vector<32x16x128xf32>
    %broadcast_in_dim3A = vector.shape_cast %get3A_1 : vector<16x128xf32> to vector<1x16x128xf32>
    %mul3A = vector.broadcast %broadcast_in_dim3A : vector<1x16x128xf32> to vector<32x16x128xf32>
    %mul3A_11 = arith.mulf %reshape3A, %mul3A : vector<32x16x128xf32>
    %reduce_sum3A = arith.constant dense<0.000000e+00> : vector<32x128xf32>
    %reduce_sum3A_12 = vector.multi_reduction <add>, %mul3A_11, %reduce_sum3A [1] : vector<32x16x128xf32> to vector<32x128xf32>
    %swap3A = arith.constant 0 : index
    %swap3A_13 = arith.constant 0 : index
    %swap3A_14 = arith.constant 0 : index
    %swap3A_15 = vector.load %arg4[%swap3A, %swap3A_13, %swap3A_14] : memref<8x32x128xf32, #tpu.memory_space<vmem>>, vector<1x32x128xf32>
    %swap3A_16 = vector.shape_cast %swap3A_15 : vector<1x32x128xf32> to vector<32x128xf32>
    %swap3A_17 = vector.shape_cast %reduce_sum3A_12 : vector<32x128xf32> to vector<1x32x128xf32>
    tpu.vector_store %arg4[%swap3A, %swap3A_13, %swap3A_14], %swap3A_17 {strides = array<i32>} : memref<8x32x128xf32, #tpu.memory_space<vmem>>, vector<1x32x128xf32>,
    %get3A_18 = arith.constant 0 : index
    %get3A_19 = arith.constant 1 : index
    %get3A_20 = arith.constant 0 : index
    %get3A_21 = vector.load %arg1[%get3A_18, %get3A_19, %get3A_20] : memref<64x8x512xf32, #tpu.memory_space<vmem>>, vector<64x1x512xf32>
    %get3A_22 = vector.shape_cast %get3A_21 : vector<64x1x512xf32> to vector<64x512xf32>
    %get3A_23 = arith.constant 0 : index
    %get3A_24 = arith.constant 0 : index
    %get3A_25 = vector.load %arg2[%get3A_23, %get3A_24] : memref<64x128xf32, #tpu.memory_space<vmem>>, vector<64x128xf32>
    %dot_general3A_26 = arith.constant dense<0.000000e+00> : vector<512x128xf32>
    %dot_general3A_27 = tpu.matmul %get3A_22, %get3A_25, %dot_general3A_26 {dimension_numbers = #tpu.dot_dimension_numbers<[0], [0], [1], [1], [0, 1, 1, 1], [], []>, transpose_lhs_hint = false} : vector<64x512xf32>, vector<64x128xf32>, vector<512x128xf32> -> vector<512x128xf32>
    %reshape3A_28 = vector.shape_cast %dot_general3A_27 : vector<512x128xf32> to vector<32x16x128xf32>
    %broadcast_in_dim3A_29 = vector.shape_cast %get3A_1 : vector<16x128xf32> to vector<1x16x128xf32>
    %mul3A_30 = vector.broadcast %broadcast_in_dim3A_29 : vector<1x16x128xf32> to vector<32x16x128xf32>
    %mul3A_31 = arith.mulf %reshape3A_28, %mul3A_30 : vector<32x16x128xf32>
    %reduce_sum3A_32 = arith.constant dense<0.000000e+00> : vector<32x128xf32>
    %reduce_sum3A_33 = vector.multi_reduction <add>, %mul3A_31, %reduce_sum3A_32 [1] : vector<32x16x128xf32> to vector<32x128xf32>
    %swap3A_34 = arith.constant 1 : index
    %swap3A_35 = arith.constant 0 : index
    %swap3A_36 = arith.constant 0 : index
    %swap3A_37 = vector.load %arg4[%swap3A_34, %swap3A_35, %swap3A_36] : memref<8x32x128xf32, #tpu.memory_space<vmem>>, vector<1x32x128xf32>
    %swap3A_38 = vector.shape_cast %swap3A_37 : vector<1x32x128xf32> to vector<32x128xf32>
    %swap3A_39 = vector.shape_cast %reduce_sum3A_33 : vector<32x128xf32> to vector<1x32x128xf32>
    tpu.vector_store %arg4[%swap3A_34, %swap3A_35, %swap3A_36], %swap3A_39 {strides = array<i32>} : memref<8x32x128xf32, #tpu.memory_space<vmem>>, vector<1x32x128xf32>,
    %get3A_40 = arith.constant 0 : index
    %get3A_41 = arith.constant 2 : index
    %get3A_42 = arith.constant 0 : index
    %get3A_43 = vector.load %arg1[%get3A_40, %get3A_41, %get3A_42] : memref<64x8x512xf32, #tpu.memory_space<vmem>>, vector<64x1x512xf32>
    %get3A_44 = vector.shape_cast %get3A_43 : vector<64x1x512xf32> to vector<64x512xf32>
    %get3A_45 = arith.constant 0 : index
    %get3A_46 = arith.constant 0 : index
    %get3A_47 = vector.load %arg2[%get3A_45, %get3A_46] : memref<64x128xf32, #tpu.memory_space<vmem>>, vector<64x128xf32>
    %dot_general3A_48 = arith.constant dense<0.000000e+00> : vector<512x128xf32>
    %dot_general3A_49 = tpu.matmul %get3A_44, %get3A_47, %dot_general3A_48 {dimension_numbers = #tpu.dot_dimension_numbers<[0], [0], [1], [1], [0, 1, 1, 1], [], []>, transpose_lhs_hint = false} : vector<64x512xf32>, vector<64x128xf32>, vector<512x128xf32> -> vector<512x128xf32>
    %reshape3A_50 = vector.shape_cast %dot_general3A_49 : vector<512x128xf32> to vector<32x16x128xf32>
    %broadcast_in_dim3A_51 = vector.shape_cast %get3A_1 : vector<16x128xf32> to vector<1x16x128xf32>
    %mul3A_52 = vector.broadcast %broadcast_in_dim3A_51 : vector<1x16x128xf32> to vector<32x16x128xf32>
    %mul3A_53 = arith.mulf %reshape3A_50, %mul3A_52 : vector<32x16x128xf32>
    %reduce_sum3A_54 = arith.constant dense<0.000000e+00> : vector<32x128xf32>
    %reduce_sum3A_55 = vector.multi_reduction <add>, %mul3A_53, %reduce_sum3A_54 [1] : vector<32x16x128xf32> to vector<32x128xf32>
    %swap3A_56 = arith.constant 2 : index
    %swap3A_57 = arith.constant 0 : index
    %swap3A_58 = arith.constant 0 : index
    %swap3A_59 = vector.load %arg4[%swap3A_56, %swap3A_57, %swap3A_58] : memref<8x32x128xf32, #tpu.memory_space<vmem>>, vector<1x32x128xf32>
    %swap3A_60 = vector.shape_cast %swap3A_59 : vector<1x32x128xf32> to vector<32x128xf32>
    %swap3A_61 = vector.shape_cast %reduce_sum3A_55 : vector<32x128xf32> to vector<1x32x128xf32>
    tpu.vector_store %arg4[%swap3A_56, %swap3A_57, %swap3A_58], %swap3A_61 {strides = array<i32>} : memref<8x32x128xf32, #tpu.memory_space<vmem>>, vector<1x32x128xf32>,
    %get3A_62 = arith.constant 0 : index
    %get3A_63 = arith.constant 3 : index
    %get3A_64 = arith.constant 0 : index
    %get3A_65 = vector.load %arg1[%get3A_62, %get3A_63, %get3A_64] : memref<64x8x512xf32, #tpu.memory_space<vmem>>, vector<64x1x512xf32>
    %get3A_66 = vector.shape_cast %get3A_65 : vector<64x1x512xf32> to vector<64x512xf32>
    %get3A_67 = arith.constant 0 : index
    %get3A_68 = arith.constant 0 : index
    %get3A_69 = vector.load %arg2[%get3A_67, %get3A_68] : memref<64x128xf32, #tpu.memory_space<vmem>>, vector<64x128xf32>
    %dot_general3A_70 = arith.constant dense<0.000000e+00> : vector<512x128xf32>
    %dot_general3A_71 = tpu.matmul %get3A_66, %get3A_69, %dot_general3A_70 {dimension_numbers = #tpu.dot_dimension_numbers<[0], [0], [1], [1], [0, 1, 1, 1], [], []>, transpose_lhs_hint = false} : vector<64x512xf32>, vector<64x128xf32>, vector<512x128xf32> -> vector<512x128xf32>
    %reshape3A_72 = vector.shape_cast %dot_general3A_71 : vector<512x128xf32> to vector<32x16x128xf32>
    %broadcast_in_dim3A_73 = vector.shape_cast %get3A_1 : vector<16x128xf32> to vector<1x16x128xf32>
    %mul3A_74 = vector.broadcast %broadcast_in_dim3A_73 : vector<1x16x128xf32> to vector<32x16x128xf32>
    %mul3A_75 = arith.mulf %reshape3A_72, %mul3A_74 : vector<32x16x128xf32>
    %reduce_sum3A_76 = arith.constant dense<0.000000e+00> : vector<32x128xf32>
    %reduce_sum3A_77 = vector.multi_reduction <add>, %mul3A_75, %reduce_sum3A_76 [1] : vector<32x16x128xf32> to vector<32x128xf32>
    %swap3A_78 = arith.constant 3 : index
    %swap3A_79 = arith.constant 0 : index
    %swap3A_80 = arith.constant 0 : index
    %swap3A_81 = vector.load %arg4[%swap3A_78, %swap3A_79, %swap3A_80] : memref<8x32x128xf32, #tpu.memory_space<vmem>>, vector<1x32x128xf32>
    %swap3A_82 = vector.shape_cast %swap3A_81 : vector<1x32x128xf32> to vector<32x128xf32>
    %swap3A_83 = vector.shape_cast %reduce_sum3A_77 : vector<32x128xf32> to vector<1x32x128xf32>
    tpu.vector_store %arg4[%swap3A_78, %swap3A_79, %swap3A_80], %swap3A_83 {strides = array<i32>} : memref<8x32x128xf32, #tpu.memory_space<vmem>>, vector<1x32x128xf32>,
    %get3A_84 = arith.constant 0 : index
    %get3A_85 = arith.constant 4 : index
    %get3A_86 = arith.constant 0 : index
    %get3A_87 = vector.load %arg1[%get3A_84, %get3A_85, %get3A_86] : memref<64x8x512xf32, #tpu.memory_space<vmem>>, vector<64x1x512xf32>
    %get3A_88 = vector.shape_cast %get3A_87 : vector<64x1x512xf32> to vector<64x512xf32>
    %get3A_89 = arith.constant 0 : index
    %get3A_90 = arith.constant 0 : index
    %get3A_91 = vector.load %arg2[%get3A_89, %get3A_90] : memref<64x128xf32, #tpu.memory_space<vmem>>, vector<64x128xf32>
    %dot_general3A_92 = arith.constant dense<0.000000e+00> : vector<512x128xf32>
    %dot_general3A_93 = tpu.matmul %get3A_88, %get3A_91, %dot_general3A_92 {dimension_numbers = #tpu.dot_dimension_numbers<[0], [0], [1], [1], [0, 1, 1, 1], [], []>, transpose_lhs_hint = false} : vector<64x512xf32>, vector<64x128xf32>, vector<512x128xf32> -> vector<512x128xf32>
    %reshape3A_94 = vector.shape_cast %dot_general3A_93 : vector<512x128xf32> to vector<32x16x128xf32>
    %broadcast_in_dim3A_95 = vector.shape_cast %get3A_1 : vector<16x128xf32> to vector<1x16x128xf32>
    %mul3A_96 = vector.broadcast %broadcast_in_dim3A_95 : vector<1x16x128xf32> to vector<32x16x128xf32>
    %mul3A_97 = arith.mulf %reshape3A_94, %mul3A_96 : vector<32x16x128xf32>
    %reduce_sum3A_98 = arith.constant dense<0.000000e+00> : vector<32x128xf32>
    %reduce_sum3A_99 = vector.multi_reduction <add>, %mul3A_97, %reduce_sum3A_98 [1] : vector<32x16x128xf32> to vector<32x128xf32>
    %swap3A_100 = arith.constant 4 : index
    %swap3A_101 = arith.constant 0 : index
    %swap3A_102 = arith.constant 0 : index
    %swap3A_103 = vector.load %arg4[%swap3A_100, %swap3A_101, %swap3A_102] : memref<8x32x128xf32, #tpu.memory_space<vmem>>, vector<1x32x128xf32>
    %swap3A_104 = vector.shape_cast %swap3A_103 : vector<1x32x128xf32> to vector<32x128xf32>
    %swap3A_105 = vector.shape_cast %reduce_sum3A_99 : vector<32x128xf32> to vector<1x32x128xf32>
    tpu.vector_store %arg4[%swap3A_100, %swap3A_101, %swap3A_102], %swap3A_105 {strides = array<i32>} : memref<8x32x128xf32, #tpu.memory_space<vmem>>, vector<1x32x128xf32>,
    %get3A_106 = arith.constant 0 : index
    %get3A_107 = arith.constant 5 : index
    %get3A_108 = arith.constant 0 : index
    %get3A_109 = vector.load %arg1[%get3A_106, %get3A_107, %get3A_108] : memref<64x8x512xf32, #tpu.memory_space<vmem>>, vector<64x1x512xf32>
    %get3A_110 = vector.shape_cast %get3A_109 : vector<64x1x512xf32> to vector<64x512xf32>
    %get3A_111 = arith.constant 0 : index
    %get3A_112 = arith.constant 0 : index
    %get3A_113 = vector.load %arg2[%get3A_111, %get3A_112] : memref<64x128xf32, #tpu.memory_space<vmem>>, vector<64x128xf32>
    %dot_general3A_114 = arith.constant dense<0.000000e+00> : vector<512x128xf32>
    %dot_general3A_115 = tpu.matmul %get3A_110, %get3A_113, %dot_general3A_114 {dimension_numbers = #tpu.dot_dimension_numbers<[0], [0], [1], [1], [0, 1, 1, 1], [], []>, transpose_lhs_hint = false} : vector<64x512xf32>, vector<64x128xf32>, vector<512x128xf32> -> vector<512x128xf32>
    %reshape3A_116 = vector.shape_cast %dot_general3A_115 : vector<512x128xf32> to vector<32x16x128xf32>
    %broadcast_in_dim3A_117 = vector.shape_cast %get3A_1 : vector<16x128xf32> to vector<1x16x128xf32>
    %mul3A_118 = vector.broadcast %broadcast_in_dim3A_117 : vector<1x16x128xf32> to vector<32x16x128xf32>
    %mul3A_119 = arith.mulf %reshape3A_116, %mul3A_118 : vector<32x16x128xf32>
    %reduce_sum3A_120 = arith.constant dense<0.000000e+00> : vector<32x128xf32>
    %reduce_sum3A_121 = vector.multi_reduction <add>, %mul3A_119, %reduce_sum3A_120 [1] : vector<32x16x128xf32> to vector<32x128xf32>
    %swap3A_122 = arith.constant 5 : index
    %swap3A_123 = arith.constant 0 : index
    %swap3A_124 = arith.constant 0 : index
    %swap3A_125 = vector.load %arg4[%swap3A_122, %swap3A_123, %swap3A_124] : memref<8x32x128xf32, #tpu.memory_space<vmem>>, vector<1x32x128xf32>
    %swap3A_126 = vector.shape_cast %swap3A_125 : vector<1x32x128xf32> to vector<32x128xf32>
    %swap3A_127 = vector.shape_cast %reduce_sum3A_121 : vector<32x128xf32> to vector<1x32x128xf32>
    tpu.vector_store %arg4[%swap3A_122, %swap3A_123, %swap3A_124], %swap3A_127 {strides = array<i32>} : memref<8x32x128xf32, #tpu.memory_space<vmem>>, vector<1x32x128xf32>,
    %get3A_128 = arith.constant 0 : index
    %get3A_129 = arith.constant 6 : index
    %get3A_130 = arith.constant 0 : index
    %get3A_131 = vector.load %arg1[%get3A_128, %get3A_129, %get3A_130] : memref<64x8x512xf32, #tpu.memory_space<vmem>>, vector<64x1x512xf32>
    %get3A_132 = vector.shape_cast %get3A_131 : vector<64x1x512xf32> to vector<64x512xf32>
    %get3A_133 = arith.constant 0 : index
    %get3A_134 = arith.constant 0 : index
    %get3A_135 = vector.load %arg2[%get3A_133, %get3A_134] : memref<64x128xf32, #tpu.memory_space<vmem>>, vector<64x128xf32>
    %dot_general3A_136 = arith.constant dense<0.000000e+00> : vector<512x128xf32>
    %dot_general3A_137 = tpu.matmul %get3A_132, %get3A_135, %dot_general3A_136 {dimension_numbers = #tpu.dot_dimension_numbers<[0], [0], [1], [1], [0, 1, 1, 1], [], []>, transpose_lhs_hint = false} : vector<64x512xf32>, vector<64x128xf32>, vector<512x128xf32> -> vector<512x128xf32>
    %reshape3A_138 = vector.shape_cast %dot_general3A_137 : vector<512x128xf32> to vector<32x16x128xf32>
    %broadcast_in_dim3A_139 = vector.shape_cast %get3A_1 : vector<16x128xf32> to vector<1x16x128xf32>
    %mul3A_140 = vector.broadcast %broadcast_in_dim3A_139 : vector<1x16x128xf32> to vector<32x16x128xf32>
    %mul3A_141 = arith.mulf %reshape3A_138, %mul3A_140 : vector<32x16x128xf32>
    %reduce_sum3A_142 = arith.constant dense<0.000000e+00> : vector<32x128xf32>
    %reduce_sum3A_143 = vector.multi_reduction <add>, %mul3A_141, %reduce_sum3A_142 [1] : vector<32x16x128xf32> to vector<32x128xf32>
    %swap3A_144 = arith.constant 6 : index
    %swap3A_145 = arith.constant 0 : index
    %swap3A_146 = arith.constant 0 : index
    %swap3A_147 = vector.load %arg4[%swap3A_144, %swap3A_145, %swap3A_146] : memref<8x32x128xf32, #tpu.memory_space<vmem>>, vector<1x32x128xf32>
    %swap3A_148 = vector.shape_cast %swap3A_147 : vector<1x32x128xf32> to vector<32x128xf32>
    %swap3A_149 = vector.shape_cast %reduce_sum3A_143 : vector<32x128xf32> to vector<1x32x128xf32>
    tpu.vector_store %arg4[%swap3A_144, %swap3A_145, %swap3A_146], %swap3A_149 {strides = array<i32>} : memref<8x32x128xf32, #tpu.memory_space<vmem>>, vector<1x32x128xf32>,
    %get3A_150 = arith.constant 0 : index
    %get3A_151 = arith.constant 7 : index
    %get3A_152 = arith.constant 0 : index
    %get3A_153 = vector.load %arg1[%get3A_150, %get3A_151, %get3A_152] : memref<64x8x512xf32, #tpu.memory_space<vmem>>, vector<64x1x512xf32>
    %get3A_154 = vector.shape_cast %get3A_153 : vector<64x1x512xf32> to vector<64x512xf32>
    %get3A_155 = arith.constant 0 : index
    %get3A_156 = arith.constant 0 : index
    %get3A_157 = vector.load %arg2[%get3A_155, %get3A_156] : memref<64x128xf32, #tpu.memory_space<vmem>>, vector<64x128xf32>
    %dot_general3A_158 = arith.constant dense<0.000000e+00> : vector<512x128xf32>
    %dot_general3A_159 = tpu.matmul %get3A_154, %get3A_157, %dot_general3A_158 {dimension_numbers = #tpu.dot_dimension_numbers<[0], [0], [1], [1], [0, 1, 1, 1], [], []>, transpose_lhs_hint = false} : vector<64x512xf32>, vector<64x128xf32>, vector<512x128xf32> -> vector<512x128xf32>
    %reshape3A_160 = vector.shape_cast %dot_general3A_159 : vector<512x128xf32> to vector<32x16x128xf32>
    %broadcast_in_dim3A_161 = vector.shape_cast %get3A_1 : vector<16x128xf32> to vector<1x16x128xf32>
    %mul3A_162 = vector.broadcast %broadcast_in_dim3A_161 : vector<1x16x128xf32> to vector<32x16x128xf32>
    %mul3A_163 = arith.mulf %reshape3A_160, %mul3A_162 : vector<32x16x128xf32>
    %reduce_sum3A_164 = arith.constant dense<0.000000e+00> : vector<32x128xf32>
    %reduce_sum3A_165 = vector.multi_reduction <add>, %mul3A_163, %reduce_sum3A_164 [1] : vector<32x16x128xf32> to vector<32x128xf32>
    %swap3A_166 = arith.constant 7 : index
    %swap3A_167 = arith.constant 0 : index
    %swap3A_168 = arith.constant 0 : index
    %swap3A_169 = vector.load %arg4[%swap3A_166, %swap3A_167, %swap3A_168] : memref<8x32x128xf32, #tpu.memory_space<vmem>>, vector<1x32x128xf32>
    %swap3A_170 = vector.shape_cast %swap3A_169 : vector<1x32x128xf32> to vector<32x128xf32>
    %swap3A_171 = vector.shape_cast %reduce_sum3A_165 : vector<32x128xf32> to vector<1x32x128xf32>
    tpu.vector_store %arg4[%swap3A_166, %swap3A_167, %swap3A_168], %swap3A_171 {strides = array<i32>} : memref<8x32x128xf32, #tpu.memory_space<vmem>>, vector<1x32x128xf32>,
    return
  }
  func.func @transform_0(%arg0: i32) -> (i32, i32, i32) {
    %c0_i32 = arith.constant 0 : i32
    %c0_i32_0 = arith.constant 0 : i32
    %c0_i32_1 = arith.constant 0 : i32
    return %c0_i32, %arg0, %c0_i32_0 : i32, i32, i32
  }
  func.func @transform_1(%arg0: i32) -> (i32, i32) {
    %c0_i32 = arith.constant 0 : i32
    %c0_i32_0 = arith.constant 0 : i32
    %c0_i32_1 = arith.constant 0 : i32
    return %c0_i32, %c0_i32_0 : i32, i32
  }
  func.func @transform_2(%arg0: i32) -> (i32, i32) {
    %c0_i32 = arith.constant 0 : i32
    %c0_i32_0 = arith.constant 0 : i32
    %c0_i32_1 = arith.constant 0 : i32
    return %c0_i32, %c0_i32_0 : i32, i32
  }
  func.func @transform_3(%arg0: i32) -> (i32, i32, i32) {
    %c0_i32 = arith.constant 0 : i32
    %c0_i32_0 = arith.constant 0 : i32
    %c0_i32_1 = arith.constant 0 : i32
    return %arg0, %c0_i32, %c0_i32_0 : i32, i32, i32
  }
}

module attributes {stable_mosaic.version = 14 : i64} {
  func.func @_add_body(%arg0: i32, %arg1: memref<16384xf32, #tpu.memory_space<vmem>>, %arg2: memref<16384xf32, #tpu.memory_space<vmem>>, %arg3: memref<16384xf32, #tpu.memory_space<vmem>>, %arg4: memref<16384xf32, #tpu.memory_space<vmem>>, %arg5: memref<16384xf32, #tpu.memory_space<vmem>>, %arg6: memref<16384xf32, #tpu.memory_space<vmem>>, %arg7: memref<16384xf32, #tpu.memory_space<vmem>>, %arg8: memref<16384xf32, #tpu.memory_space<vmem>>, %arg9: memref<16384xf32, #tpu.memory_space<vmem>>) attributes {dimension_semantics = [#tpu.dimension_semantics<arbitrary>], iteration_bounds = array<i64: 7>, scalar_prefetch = 0 : i64, scratch_operands = 0 : i64, tpu.core_type = #tpu.core_type<tc>, window_params = [{transform_indices = @transform_0, window_bounds = array<i64: 16384>}, {transform_indices = @transform_1, window_bounds = array<i64: 16384>}, {transform_indices = @transform_2, window_bounds = array<i64: 16384>}, {transform_indices = @transform_3, window_bounds = array<i64: 16384>}, {transform_indices = @transform_4, window_bounds = array<i64: 16384>}, {transform_indices = @transform_5, window_bounds = array<i64: 16384>}, {transform_indices = @transform_6, window_bounds = array<i64: 16384>}, {transform_indices = @transform_7, window_bounds = array<i64: 16384>}, {transform_indices = @transform_8, window_bounds = array<i64: 16384>}]} {
    %get3A = arith.constant 0 : index
    %get3A_0 = vector.load %arg1[%get3A] : memref<16384xf32, #tpu.memory_space<vmem>>, vector<16384xf32>
    %get3A_1 = arith.constant 0 : index
    %get3A_2 = vector.load %arg4[%get3A_1] : memref<16384xf32, #tpu.memory_space<vmem>>, vector<16384xf32>
    %add3A = arith.addf %get3A_0, %get3A_2 : vector<16384xf32>
    %swap3A = arith.constant 0 : index
    %swap3A_3 = vector.load %arg7[%swap3A] : memref<16384xf32, #tpu.memory_space<vmem>>, vector<16384xf32>
    tpu.vector_store %arg7[%swap3A], %add3A {strides = array<i32>} : memref<16384xf32, #tpu.memory_space<vmem>>, vector<16384xf32>,
    %get3A_4 = arith.constant 0 : index
    %get3A_5 = vector.load %arg2[%get3A_4] : memref<16384xf32, #tpu.memory_space<vmem>>, vector<16384xf32>
    %get3A_6 = arith.constant 0 : index
    %get3A_7 = vector.load %arg5[%get3A_6] : memref<16384xf32, #tpu.memory_space<vmem>>, vector<16384xf32>
    %add3A_8 = arith.addf %get3A_5, %get3A_7 : vector<16384xf32>
    %swap3A_9 = arith.constant 0 : index
    %swap3A_10 = vector.load %arg8[%swap3A_9] : memref<16384xf32, #tpu.memory_space<vmem>>, vector<16384xf32>
    tpu.vector_store %arg8[%swap3A_9], %add3A_8 {strides = array<i32>} : memref<16384xf32, #tpu.memory_space<vmem>>, vector<16384xf32>,
    %get3A_11 = arith.constant 0 : index
    %get3A_12 = vector.load %arg3[%get3A_11] : memref<16384xf32, #tpu.memory_space<vmem>>, vector<16384xf32>
    %get3A_13 = arith.constant 0 : index
    %get3A_14 = vector.load %arg6[%get3A_13] : memref<16384xf32, #tpu.memory_space<vmem>>, vector<16384xf32>
    %add3A_15 = arith.addf %get3A_12, %get3A_14 : vector<16384xf32>
    %swap3A_16 = arith.constant 0 : index
    %swap3A_17 = vector.load %arg9[%swap3A_16] : memref<16384xf32, #tpu.memory_space<vmem>>, vector<16384xf32>
    tpu.vector_store %arg9[%swap3A_16], %add3A_15 {strides = array<i32>} : memref<16384xf32, #tpu.memory_space<vmem>>, vector<16384xf32>,
    return
  }
  func.func @transform_0(%arg0: i32) -> i32 {
    %c0_i32 = arith.constant 0 : i32
    return %arg0 : i32
  }
  func.func @transform_1(%arg0: i32) -> i32 {
    %c0_i32 = arith.constant 0 : i32
    return %arg0 : i32
  }
  func.func @transform_2(%arg0: i32) -> i32 {
    %c0_i32 = arith.constant 0 : i32
    return %arg0 : i32
  }
  func.func @transform_3(%arg0: i32) -> i32 {
    %c0_i32 = arith.constant 0 : i32
    return %arg0 : i32
  }
  func.func @transform_4(%arg0: i32) -> i32 {
    %c0_i32 = arith.constant 0 : i32
    return %arg0 : i32
  }
  func.func @transform_5(%arg0: i32) -> i32 {
    %c0_i32 = arith.constant 0 : i32
    return %arg0 : i32
  }
  func.func @transform_6(%arg0: i32) -> i32 {
    %c0_i32 = arith.constant 0 : i32
    return %arg0 : i32
  }
  func.func @transform_7(%arg0: i32) -> i32 {
    %c0_i32 = arith.constant 0 : i32
    return %arg0 : i32
  }
  func.func @transform_8(%arg0: i32) -> i32 {
    %c0_i32 = arith.constant 0 : i32
    return %arg0 : i32
  }
}

module attributes {stable_mosaic.version = 14 : i64} {
  func.func @_dense_body(%arg0: i32, %arg1: memref<64x2048xf32, #tpu.memory_space<vmem>>, %arg2: memref<64x8xf32, #tpu.memory_space<vmem>>, %arg3: memref<1x8xf32, #tpu.memory_space<vmem>>, %arg4: memref<2048xf32, #tpu.memory_space<vmem>>, %arg5: memref<2048xf32, #tpu.memory_space<vmem>>, %arg6: memref<2048xf32, #tpu.memory_space<vmem>>) attributes {dimension_semantics = [#tpu.dimension_semantics<arbitrary>], iteration_bounds = array<i64: 49>, scalar_prefetch = 0 : i64, scratch_operands = 0 : i64, tpu.core_type = #tpu.core_type<tc>, window_params = [{transform_indices = @transform_0, window_bounds = array<i64: 64, 2048>}, {pipeline_mode = #tpu.pipeline_mode<synchronous>, transform_indices = @transform_1, window_bounds = array<i64: 64, 8>}, {pipeline_mode = #tpu.pipeline_mode<synchronous>, transform_indices = @transform_2, window_bounds = array<i64: 1, 8>}, {transform_indices = @transform_3, window_bounds = array<i64: 2048>}, {transform_indices = @transform_4, window_bounds = array<i64: 2048>}, {transform_indices = @transform_5, window_bounds = array<i64: 2048>}]} {
    %get3A = arith.constant 0 : index
    %get3A_0 = arith.constant 0 : index
    %get3A_1 = vector.load %arg2[%get3A, %get3A_0] : memref<64x8xf32, #tpu.memory_space<vmem>>, vector<64x8xf32>
    %get3A_2 = arith.constant 0 : index
    %get3A_3 = arith.constant 0 : index
    %get3A_4 = vector.load %arg1[%get3A_2, %get3A_3] : memref<64x2048xf32, #tpu.memory_space<vmem>>, vector<64x2048xf32>
    %dot_general3A = arith.constant dense<0.000000e+00> : vector<8x2048xf32>
    %dot_general3A_5 = tpu.matmul %get3A_1, %get3A_4, %dot_general3A {dimension_numbers = #tpu.dot_dimension_numbers<[0], [0], [1], [1], [0, 1, 1, 1], [], []>, transpose_lhs_hint = false} : vector<64x8xf32>, vector<64x2048xf32>, vector<8x2048xf32> -> vector<8x2048xf32>
    %slice3A = vector.extract_strided_slice %dot_general3A_5 {offsets = [0, 0], sizes = [1, 2048], strides = [1, 1]} : vector<8x2048xf32> to vector<1x2048xf32>
    %squeeze3A = vector.shape_cast %slice3A : vector<1x2048xf32> to vector<2048xf32>
    %get3A_6 = arith.constant 0 : index
    %get3A_7 = arith.constant 0 : index
    %get3A_8 = vector.load %arg3[%get3A_6, %get3A_7] : memref<1x8xf32, #tpu.memory_space<vmem>>, vector<1x1xf32>
    %get3A_9 = vector.extract %get3A_8[0, 0] : f32 from vector<1x1xf32>
    %add3A = vector.broadcast %get3A_9 : f32 to vector<2048xf32>
    %add3A_10 = arith.addf %squeeze3A, %add3A : vector<2048xf32>
    %swap3A = arith.constant 0 : index
    %swap3A_11 = vector.load %arg4[%swap3A] : memref<2048xf32, #tpu.memory_space<vmem>>, vector<2048xf32>
    tpu.vector_store %arg4[%swap3A], %add3A_10 {strides = array<i32>} : memref<2048xf32, #tpu.memory_space<vmem>>, vector<2048xf32>,
    %slice3A_12 = vector.extract_strided_slice %dot_general3A_5 {offsets = [1, 0], sizes = [1, 2048], strides = [1, 1]} : vector<8x2048xf32> to vector<1x2048xf32>
    %squeeze3A_13 = vector.shape_cast %slice3A_12 : vector<1x2048xf32> to vector<2048xf32>
    %get3A_14 = arith.constant 0 : index
    %get3A_15 = arith.constant 1 : index
    %get3A_16 = vector.load %arg3[%get3A_14, %get3A_15] : memref<1x8xf32, #tpu.memory_space<vmem>>, vector<1x1xf32>
    %get3A_17 = vector.extract %get3A_16[0, 0] : f32 from vector<1x1xf32>
    %add3A_18 = vector.broadcast %get3A_17 : f32 to vector<2048xf32>
    %add3A_19 = arith.addf %squeeze3A_13, %add3A_18 : vector<2048xf32>
    %swap3A_20 = arith.constant 0 : index
    %swap3A_21 = vector.load %arg5[%swap3A_20] : memref<2048xf32, #tpu.memory_space<vmem>>, vector<2048xf32>
    tpu.vector_store %arg5[%swap3A_20], %add3A_19 {strides = array<i32>} : memref<2048xf32, #tpu.memory_space<vmem>>, vector<2048xf32>,
    %slice3A_22 = vector.extract_strided_slice %dot_general3A_5 {offsets = [2, 0], sizes = [1, 2048], strides = [1, 1]} : vector<8x2048xf32> to vector<1x2048xf32>
    %squeeze3A_23 = vector.shape_cast %slice3A_22 : vector<1x2048xf32> to vector<2048xf32>
    %get3A_24 = arith.constant 0 : index
    %get3A_25 = arith.constant 2 : index
    %get3A_26 = vector.load %arg3[%get3A_24, %get3A_25] : memref<1x8xf32, #tpu.memory_space<vmem>>, vector<1x1xf32>
    %get3A_27 = vector.extract %get3A_26[0, 0] : f32 from vector<1x1xf32>
    %add3A_28 = vector.broadcast %get3A_27 : f32 to vector<2048xf32>
    %add3A_29 = arith.addf %squeeze3A_23, %add3A_28 : vector<2048xf32>
    %swap3A_30 = arith.constant 0 : index
    %swap3A_31 = vector.load %arg6[%swap3A_30] : memref<2048xf32, #tpu.memory_space<vmem>>, vector<2048xf32>
    tpu.vector_store %arg6[%swap3A_30], %add3A_29 {strides = array<i32>} : memref<2048xf32, #tpu.memory_space<vmem>>, vector<2048xf32>,
    return
  }
  func.func @transform_0(%arg0: i32) -> (i32, i32) {
    %c0_i32 = arith.constant 0 : i32
    %c0_i32_0 = arith.constant 0 : i32
    return %c0_i32, %arg0 : i32, i32
  }
  func.func @transform_1(%arg0: i32) -> (i32, i32) {
    %c0_i32 = arith.constant 0 : i32
    %c0_i32_0 = arith.constant 0 : i32
    %c0_i32_1 = arith.constant 0 : i32
    return %c0_i32, %c0_i32_0 : i32, i32
  }
  func.func @transform_2(%arg0: i32) -> (i32, i32) {
    %c0_i32 = arith.constant 0 : i32
    %c0_i32_0 = arith.constant 0 : i32
    %c0_i32_1 = arith.constant 0 : i32
    return %c0_i32, %c0_i32_0 : i32, i32
  }
  func.func @transform_3(%arg0: i32) -> i32 {
    %c0_i32 = arith.constant 0 : i32
    return %arg0 : i32
  }
  func.func @transform_4(%arg0: i32) -> i32 {
    %c0_i32 = arith.constant 0 : i32
    return %arg0 : i32
  }
  func.func @transform_5(%arg0: i32) -> i32 {
    %c0_i32 = arith.constant 0 : i32
    return %arg0 : i32
  }
}

</mosaic_0001>

<sc_bundles>
// kernel: kernel.6.cloned.1.call-start
scs
__scs_entry_jumppad:
0x0: {  	(pc) =	sbr.rel $0x88, $3  }
0x1: {  	(tag) =	ssettag $0x0;
	lr =	simm.s32 $0x1  }
0x2: {  	[smem:$0x3F9A] =	sst lr;
	_ =	strace $0xD0000000  }
0x3: {  	_ = 	snop  }
0x4: {  	_ = 	snop  }
0x5: {  	_ = 	snop  }
0x6: {  	_ = 	snop  }
0x7: {  	_ = 	snop  }
__scs_overlays_trampoline_lowered:
0x8: {  	[smem:$0x3FA9] =	sst s0  }
0x9: {  	[smem:$0x3FAA] =	sst s1  }
0xa: {  	[smem:$0x3FAB] =	sst s2  }
0xb: {  	[smem:$0x3FAC] =	sst s3  }
0xc: {  	[smem:$0x3FAD] =	sst s4  }
0xd: {  	[smem:$0x3FAE] =	sst s5  }
0xe: {  	[smem:$0x3FAF] =	sst s6  }
0xf: {  	[smem:$0x3FB0] =	sst s7  }
0x10: {  	[smem:$0x3FB1] =	sst s8  }
0x11: {  	[smem:$0x3FB2] =	sst s9;
	s0 =	simm.s32 @!p0 $0x0  }
0x12: {  	s1 =	sld [smem:$0x3F98];
	s0 =	simm.s32 @p0 $0x1  }
0x13: {  	[smem:$0x3FB3] =	sst s0;
	s0 =	simm.s32 @!p1 $0x0  }
0x14: {  	s2 =	sld [smem:$0x3F97];
	s0 =	simm.s32 @p1 $0x1  }
0x15: {  	[smem:$0x3FB4] =	sst s0;
	s0 =	simm.s32 @!p2 $0x0  }
0x16: {  	s3 =	sld [smem:$0x3FDB];
	s0 =	simm.s32 @p2 $0x1  }
0x17: {  	s4 =	simm.s32 $0x1BF5;
	[smem:$0x3FB6] =	sst s0  }
0x18: {  	s0 =	sld [smem:$0x3F99];
	_ =	swait.ge [sflag:s4], $0x0  }
0x19: {  	s7 =	sld [smem:$0x3F9A]  }
0x1a: {  	s8 =	sadd.s32 $0xFFFFE003, lr  }
0x1b: {  	s9 =	sadd.s32 $0xFFFFFEF7, lr;
	s5 =	simm.s32 $0xFFFFFFFF;
	p2 =	slt.u32 s8, $0xFFFFF086  }
0x1c: {  	p1 =	slt.u32 s9, $0xF7A;
	s5 =	simm.s32 @!p2 $0x0  }
0x1d: {  	s5 =	simm.s32 @p1 $0x1;
	p0 =	seq.s32 s7, s2  }
0x1e: {  	s7 =	smul.u32 @!p0 $0xF7A, s2;
	p2 =	seq.s32 @!p0 s5, $0x0  }
0x1f: {  	s9 =	smul.u32 $0xF7A, s1;
	s8 =	simm.s32 @!p0 $0x1BF5;
	p2 =	por !p2, p0  }
0x20: {  	[sflag:s8] =	ssyncset.s32 @!p0 $0xFFFFF086;
	s6 =	sadd.s32 @!p0 s3, s7;
	s7 =	simm.s32 @!p0 $0x108  }
0x21: {  	s3 =	sadd.s32 s3, s9;
	s6 =	sadd.s32 @!p0 $0x88, s6;
	s7 =	simm.s32 @p2 $0x1082  }
0x22: {  	[simem:s7], [sflag:s8] =	dma.local @!p0 [hbm:s6], $0xF7A  }
0x23: {  	s9 =	sor.u32 $0xD0000000, s2;
	s6 =	simm.s32 $0x108;
	_ =	swait.ge @!p0 [sflag:s8], $0x0  }
0x24: {  	s3 =	sadd.s32 $0x88, s3;
	s6 =	simm.s32 @!p1 $0x1082;
	[sflag:s4] =	ssyncset.s32 $0xFFFFF086  }
0x25: {  	[simem:s6], [sflag:s4] =	dma.local [hbm:s3], $0xF7A  }
0x26: {  	[smem:$0x3F9A] =	sst s1;
	(tag) =	ssettag s2;
	_ =	strace s9  }
0x27: {  	s1 =	sld [smem:$0x3FAA]  }
0x28: {  	s2 =	sld [smem:$0x3FAB]  }
0x29: {  	s4 =	sld [smem:$0x3FAD]  }
0x2a: {  	p0 =	seq.s32 s5, $0x0;
	s5 =	sld [smem:$0x3FAE]  }
0x2b: {  	s6 =	sld [smem:$0x3FAF]  }
0x2c: {  	s7 =	sld [smem:$0x3FB0]  }
0x2d: {  	s3 =	simm.s32 $0x108;
	s8 =	sld [smem:$0x3FB1]  }
0x2e: {  	s3 =	simm.s32 @!p0 $0x1082;
	s9 =	sld [smem:$0x3FB2]  }
0x2f: {  	lr =	sadd.s32 s0, s3;
	s0 =	sld [smem:$0x3FA9]  }
0x30: {  	s3 =	sld [smem:$0x3FAC]  }
0x31: {  	[smem:$0x3FB5] =	sst s10  }
0x32: {  	s10 =	sld [smem:$0x3FB3];
	_ =	sdelay $0x3  }
0x33: {  	p0 =	seq.s32 s10, $0x1;
	s10 =	sld [smem:$0x3FB5];
	_ =	sdelay $0x3  }
0x34: {  	[smem:$0x3FB5] =	sst s10  }
0x35: {  	s10 =	sld [smem:$0x3FB4];
	_ =	sdelay $0x3  }
0x36: {  	p1 =	seq.s32 s10, $0x1;
	s10 =	sld [smem:$0x3FB5];
	_ =	sdelay $0x3  }
0x37: {  	[smem:$0x3FB5] =	sst s10  }
0x38: {  	s10 =	sld [smem:$0x3FB6]  }
0x39: {  	_ = 	snop;
	(pc) =	sbr.ind lr, $3  }
0x3a: {  	_ = 	snop  }
0x3b: {  	_ = 	snop  }
0x3c: {  	p2 =	seq.s32 s10, $0x1;
	s10 =	sld [smem:$0x3FB5]  }
0x3d: {  	_ =	shalt  }
0x3e: {  	_ =	shalt  }
0x3f: {  	_ =	shalt  }
0x40: {  	_ =	shalt  }
0x41: {  	_ =	shalt  }
0x42: {  	_ =	shalt  }
0x43: {  	_ =	shalt  }
0x44: {  	_ =	shalt  }
0x45: {  	_ =	shalt  }
0x46: {  	_ =	shalt  }
0x47: {  	_ =	shalt  }
0x48: {  	_ =	shalt  }
0x49: {  	_ =	shalt  }
0x4a: {  	_ =	shalt  }
0x4b: {  	_ =	shalt  }
0x4c: {  	_ =	shalt  }
0x4d: {  	_ =	shalt  }
0x4e: {  	_ =	shalt  }
0x4f: {  	_ =	shalt  }
0x50: {  	_ =	shalt  }
0x51: {  	_ =	shalt  }
0x52: {  	_ =	shalt  }
0x53: {  	_ =	shalt  }
0x54: {  	_ =	shalt  }
0x55: {  	_ =	shalt  }
0x56: {  	_ =	shalt  }
0x57: {  	_ =	shalt  }
0x58: {  	_ =	shalt  }
0x59: {  	_ =	shalt  }
0x5a: {  	_ =	shalt  }
0x5b: {  	_ =	shalt  }
0x5c: {  	_ =	shalt  }
0x5d: {  	_ =	shalt  }
0x5e: {  	_ =	shalt  }
0x5f: {  	_ =	shalt  }
0x60: {  	_ =	shalt  }
0x61: {  	_ =	shalt  }
0x62: {  	_ =	shalt  }
0x63: {  	_ =	shalt  }
0x64: {  	_ =	shalt  }
0x65: {  	_ =	shalt  }
0x66: {  	_ =	shalt  }
0x67: {  	_ =	shalt  }
0x68: {  	_ =	shalt  }
0x69: {  	_ =	shalt  }
0x6a: {  	_ =	shalt  }
0x6b: {  	_ =	shalt  }
0x6c: {  	_ =	shalt  }
0x6d: {  	_ =	shalt  }
0x6e: {  	_ =	shalt  }
0x6f: {  	_ =	shalt  }
0x70: {  	_ =	shalt  }
0x71: {  	_ =	shalt  }
0x72: {  	_ =	shalt  }
0x73: {  	_ =	shalt  }
0x74: {  	_ =	shalt  }
0x75: {  	_ =	shalt  }
0x76: {  	_ =	shalt  }
0x77: {  	_ =	shalt  }
0x78: {  	_ =	shalt  }
0x79: {  	_ =	shalt  }
0x7a: {  	_ =	shalt  }
0x7b: {  	_ =	shalt  }
0x7c: {  	_ =	shalt  }
0x7d: {  	_ =	shalt  }
0x7e: {  	_ =	shalt  }
0x7f: {  	_ =	shalt  }
0x80: {  	_ =	shalt  }
0x81: {  	_ =	shalt  }
0x82: {  	_ =	shalt  }
0x83: {  	_ =	shalt  }
0x84: {  	_ =	shalt  }
0x85: {  	_ =	shalt  }
0x86: {  	_ =	shalt  }
0x87: {  	_ =	shalt  }
.Lfunc_end0:
.L_simem_size_0:
called_computation_lowered:
.L_overlay_start_0:
0x88: {  	s2 =	sld [smem:$0x3FD9]  }
0x89: {  	s3 =	sld [smem:$0x3FFE];
	_ =	sdelay $0x1  }
0x8a: {  	s1 =	srdreg.scid  }
0x8b: {  	s0 =	sand.u32 $0x1, s1  }
0x8c: {  	s17 =	sshll.u32 s0, $0xA;
	s2 =	sadd.s32 s3, s2  }
0x8d: {  	s2 =	sadd.s32 s2, s17  }
0x8e: {  	[smem:$0x3FC1] =	sst s2  }
0x8f: {  	_ = 	snop  }
0x90: {  	s2 =	sld [smem:$0x3FD0];
	(tm) =	ssettm $0x1  }
0x91: {  	s18 =	sld [smem:$0x3FFB];
	_ =	sdelay $0x3  }
0x92: {  	_ =	strace s18  }
0x93: {  	s3 =	sld [smem:$0x3FFC];
	_ =	sdelay $0x3  }
0x94: {  	_ =	strace s3  }
0x95: {  	s3 =	sld [smem:$0x3FFD];
	_ =	sdelay $0x3  }
0x96: {  	_ =	strace s3  }
0x97: {  	_ =	strace $0x8FFFFFFF  }
0x98: {  	s19 =	sld [smem:$0x3FDB];
	_ =	sdelay $0x1  }
0x99: {  	s4 =	simm.s32 $_scs_section_size  }
0x9a: {  	s5 =	simm.s32 $_size__tile_overlayer_lowered;
	s6 =	simm.s32 $_tile_overlayer_lowered  }
0x9b: {  	s22 =	simm.s32 $0x1BFF;
	s21 =	sshll.u32 s6, $0x1;
	s3 =	sadd.s32 s4, s19  }
0x9c: {  	s7 =	simm.s32 $0x0;
	s20 =	sshll.u32 s5, $0x1;
	s5 =	sadd.s32 s21, s3  }
0x9d: {  	[timem:s7], [sflag:s22] =	dma.local [hbm:s5], s20  }
0x9e: {  	_ =	swait.ge [sflag:s22], s20  }
0x9f: {  	s4 =	ssub.s32 $0x0, s20;
	[sflag:s22] =	ssyncset.done $0x0  }
0xa0: {  	[sflag:s22] =	ssyncadd.s32 s4;
	_ =	sdelay $0x1  }
0xa1: {  	s23 =	simm.s32 $0x1B8B  }
0xa2: {  	_ =	swait.ge [sflag:s23], $0x1  }
0xa3: {  	[sflag:s23] =	ssyncset.done $0x0  }
0xa4: {  	s25 =	simm.s32 $0x1B8E;
	s24 =	sld [smem:$0x3FFE];
	[sflag:s23] =	ssyncadd.s32 $0xFFFFFFFF  }
0xa5: {  	s26 =	simm.s32 $execute0_lowered;
	[smem:$0x3FD2] =	sst s25  }
0xa6: {  	s5 =	sshll.u32 s26, $0x1;
	_ =	strace $0x80000046;
	[dreg:$0x1] =	wrdreg $0xFFFFFFFF  }
0xa7: {  	s28 =	simm.s32 $_size_execute0_lowered;
	s3 =	sadd.s32 s3, s5;
	[dreg:$0x0] =	wrdreg $0x0  }
0xa8: {  	s5 =	sshll.u32 s28, $0x1;
	[dreg:$0x2] =	wrdreg s3  }
0xa9: {  	[dreg:$0x3] =	wrdreg s5  }
0xaa: {  	[dreg:$0x4] =	wrdreg $0xC0  }
0xab: {  	_ =	task [dreg:s7], $0x5FFFF  }
0xac: {  	[dreg:$0x1] =	wrdreg $0xFFFFFFFF  }
0xad: {  	[dreg:$0x0] =	wrdreg $0x60  }
0xae: {  	[dreg:$0x2] =	wrdreg s24  }
0xaf: {  	[dreg:$0x3] =	wrdreg s2  }
0xb0: {  	[dreg:$0x4] =	wrdreg $0x9  }
0xb1: {  	_ =	task.clear_ibuf [dreg:s7], $0x5FFFF;
	_ =	strace $0x90000046  }
0xb2: {  	s29 =	simm.s32 $0x9;
	_ =	strace $0x80000048  }
0xb3: {  	_ =	swait.ge [sflag:s29], $0x1  }
0xb4: {  	[sflag:s29] =	ssyncadd.s32 $0xFFFFFFFF  }
0xb5: {  	_ =	strace $0x90000048  }
0xb6: {  	_ =	sfence  }
0xb7: {  	s30 =	sld [smem:$0x0];
	_ =	sdelay $0x2  }
0xb8: {  	s31 =	sshll.u32 s1, $0xD;
	s1 =	sshrl.u32 s1, $0x2  }
0xb9: {  	s3 =	sand.u32 $0x4000, s31;
	s1 =	sadd.s32 s1, s30  }
0xba: {  	s0 =	sor.u32 s3, s0;
	s1 =	sshll.u32 s1, $0x11  }
0xbb: {  	s0 =	sor.u32 s1, s0  }
0xbc: {  	s0 =	sadd.s32 $0x8F2B, s0  }
0xbd: {  	[sflag:s0] =	ssyncadd.remote.s32 $0x1  }
0xbe: {  	_ =	sfence.sel $0xFFFF  }
0xbf: {  	[dreg:$0x0] =	wrdreg $0xFFFFFFFF;
	(pc) =	sbr.abs _section_cstart, $3  }
0xc0: {  	[dreg:$0x1] =	wrdreg $0xFFFFFFFF  }
0xc1: {  	_ =	task.clear_ibuf [dreg:s7], $0x2FFFF;
	_ =	strace $0x9FFFFFFF  }
0xc2: {  	(tm) =	ssettm $0x7FFFFFFF  }
0xc3: {  	_ =	shalt  }
tec
execute0_lowered:
.L_overlay_start_1:
0x0: {  	(tag) =	ssettag $0x1  }
0x1: {  	s0 =	rddreg [dreg:$0x0]  }
0x2: {  	s1 =	srdreg.scid;
	s2 =	stileid.u32  }
0x3: {  	s4 =	rddreg [dreg:$0x1];
	s9 =	simm.s32 $0x4;
	s10 =	simm.s32 $0x80  }
0x4: {  	s12 =	simm.s32 $0x3200;
	s20 =	simm.s32 $0x3E80;
	s30 =	simm.s32 $0x1  }
0x5: {  	s11 =	simm.s32 $0x5480;
	s13 =	simm.s32 $0x2F80;
	s14 =	simm.s32 $0x5500  }
0x6: {  	s15 =	simm.s32 $0x3000;
	s16 =	simm.s32 $0x5580;
	s17 =	simm.s32 $0x3080  }
0x7: {  	s18 =	simm.s32 $0x5600;
	s19 =	simm.s32 $0x3100;
	s21 =	simm.s32 $0x5680  }
0x8: {  	s22 =	simm.s32 $0x3180;
	s23 =	simm.s32 $0x5700;
	s24 =	simm.s32 $0x2  }
0x9: {  	s25 =	simm.s32 $0x3;
	s1 =	sand.u32 $0x1, s1;
	s3 =	sshll.u32 s2, $0x1  }
0xa: {  	s26 =	simm.s32 $0x0;
	s2 =	simm.s32 $0x0;
	s3 =	sor.u32 s1, s3  }
0xb: {  	[smem:$0x7FF] =	sst s2;
	s1 =	ssub.s32 $0x2, s1;
	s5 =	smul.u32 $0x190, s3  }
0xc: {  	_ =	strace $0x80000047;
	s3 =	sadd.s32 $0x1C00, s0;
	s6 =	sshrl.u32 s1, $0x1  }
0xd: {  	s1 =	ssub.s32 s1, s6;
	s0 =	sadd.s32 s5, s0;
	s4 =	sadd.s32 s4, s5  }
0xe: {  	s8 =	smax.u32 s1, $0x1;
	s1 =	simm.s32 $0x4B00;
	s5 =	sadd.s32 $0x41C00, s0  }
0xf: {  	s6 =	sadd.s32 $0x44E00, s0;
	s7 =	sadd.s32 $0x48000, s0;
	s0 =	simm.s32 $0x2F00  }
.LBB2_1:
0x10: {  	[tilespmem:s2], [sflag:$0x4] =	stream.linear.gather [hbm4b:s4+s2], $0xC80, $0x38;
	[tilespmem:$0x5780] =	vst v63  }
0x11: {  	_ =	swait.ge [sflag:s9], $0xC80  }
0x12: {  	[sflag:s9] =	ssyncset.done $0x0  }
0x13: {  	s28 =	simm.s32 $0x0;
	[sflag:s9] =	ssyncadd.s32 $0xFFFFF380  }
0x14: {  	v0 =	vld [tilespmem:s28+$0x0];
	_ =	sdelay $0x1  }
0x15: {  	s29 =	simm.s32 $0x40  }
.LBB2_2:
0x16: {  	p0 =	sne.s32 s29, $0x31C0  }
.Ltmp0:
0x17: {  	_ = 	snop;
	(pc) =	sbr.rel @p0 .LBB2_2-.Ltmp0, $4  }
0x18: {  	s31 =	sshra.s32 s29, $0x2;
	v1 =	vshll.u32 v0, $0x3  }
0x19: {  	v0 =	vld [tilespmem:s31+$0x0];
	[tilespmem:s28+$0xC80] =	vst v1;
	v2 =	vor.u32 $0x1, v1;
	v1 =	vor.u32 $0x2, v1  }
0x1a: {  	[tilespmem:s28+$0x2580] =	vst v1  }
0x1b: {  	s29 =	sadd.s32 $0x40, s29;
	[tilespmem:s28+$0x1900] =	vst v2;
	s28 =	smov.u32 s31  }
0x1c: {  	_ =	sdelay $0x1  }
0x1d: {  	v0 =	vshll.u32 v0, $0x3  }
0x1e: {  	[tilespmem:s28+$0xC80] =	vst v0;
	v1 =	vor.u32 $0x2, v0  }
0x1f: {  	v0 =	vor.u32 $0x1, v0;
	[tilespmem:s28+$0x2580] =	vst v1  }
0x20: {  	s29 =	simm.s32 $0xC80;
	[tilespmem:s28+$0x1900] =	vst v0  }
0x21: {  	[tilespmem:s12], [sflag:$0x1] =	stream.indirect.gather [hbm4b:s3+s10], $0x1, s29, s10, $0xb8;
	[tilespmem:$0x5780] =	vst v63  }
0x22: {  	s31 =	simm.s32 $0xD00;
	s29 =	simm.s32 $0x3280  }
0x23: {  	[tilespmem:s29], [sflag:$0x1] =	stream.indirect.gather [hbm4b:s3+s10], $0x1, s31, s10, $0xb8;
	[tilespmem:$0x5780] =	vst v63  }
0x24: {  	s28 =	simm.s32 $0xD80;
	s31 =	simm.s32 $0x3300  }
0x25: {  	[tilespmem:s31], [sflag:$0x1] =	stream.indirect.gather [hbm4b:s3+s10], $0x1, s28, s10, $0xb8;
	[tilespmem:$0x5780] =	vst v63  }
0x26: {  	s28 =	simm.s32 $0xE00;
	s31 =	simm.s32 $0x3380  }
0x27: {  	[tilespmem:s31], [sflag:$0x1] =	stream.indirect.gather [hbm4b:s3+s10], $0x1, s28, s10, $0xb8;
	[tilespmem:$0x5780] =	vst v63  }
0x28: {  	s28 =	simm.s32 $0xE80;
	s31 =	simm.s32 $0x3400  }
0x29: {  	[tilespmem:s31], [sflag:$0x1] =	stream.indirect.gather [hbm4b:s3+s10], $0x1, s28, s10, $0xb8;
	[tilespmem:$0x5780] =	vst v63  }
0x2a: {  	s28 =	simm.s32 $0xF00;
	s31 =	simm.s32 $0x3480  }
0x2b: {  	[tilespmem:s31], [sflag:$0x1] =	stream.indirect.gather [hbm4b:s3+s10], $0x1, s28, s10, $0xb8;
	[tilespmem:$0x5780] =	vst v63  }
0x2c: {  	s28 =	simm.s32 $0xF80;
	s31 =	simm.s32 $0x3500  }
0x2d: {  	[tilespmem:s31], [sflag:$0x1] =	stream.indirect.gather [hbm4b:s3+s10], $0x1, s28, s10, $0xb8;
	[tilespmem:$0x5780] =	vst v63  }
0x2e: {  	s28 =	simm.s32 $0x1000;
	s31 =	simm.s32 $0x3580  }
0x2f: {  	[tilespmem:s31], [sflag:$0x1] =	stream.indirect.gather [hbm4b:s3+s10], $0x1, s28, s10, $0xb8;
	[tilespmem:$0x5780] =	vst v63  }
0x30: {  	s28 =	simm.s32 $0x1080;
	s31 =	simm.s32 $0x3600  }
0x31: {  	[tilespmem:s31], [sflag:$0x1] =	stream.indirect.gather [hbm4b:s3+s10], $0x1, s28, s10, $0xb8;
	[tilespmem:$0x5780] =	vst v63  }
0x32: {  	s28 =	simm.s32 $0x1100;
	s31 =	simm.s32 $0x3680  }
0x33: {  	[tilespmem:s31], [sflag:$0x1] =	stream.indirect.gather [hbm4b:s3+s10], $0x1, s28, s10, $0xb8;
	[tilespmem:$0x5780] =	vst v63  }
0x34: {  	s28 =	simm.s32 $0x1180;
	s31 =	simm.s32 $0x3700  }
0x35: {  	[tilespmem:s31], [sflag:$0x1] =	stream.indirect.gather [hbm4b:s3+s10], $0x1, s28, s10, $0xb8;
	[tilespmem:$0x5780] =	vst v63  }
0x36: {  	s28 =	simm.s32 $0x1200;
	s31 =	simm.s32 $0x3780  }
0x37: {  	[tilespmem:s31], [sflag:$0x1] =	stream.indirect.gather [hbm4b:s3+s10], $0x1, s28, s10, $0xb8;
	[tilespmem:$0x5780] =	vst v63  }
0x38: {  	s28 =	simm.s32 $0x1280;
	s31 =	simm.s32 $0x3800  }
0x39: {  	[tilespmem:s31], [sflag:$0x1] =	stream.indirect.gather [hbm4b:s3+s10], $0x1, s28, s10, $0xb8;
	[tilespmem:$0x5780] =	vst v63  }
0x3a: {  	s28 =	simm.s32 $0x1300;
	s31 =	simm.s32 $0x3880  }
0x3b: {  	[tilespmem:s31], [sflag:$0x1] =	stream.indirect.gather [hbm4b:s3+s10], $0x1, s28, s10, $0xb8;
	[tilespmem:$0x5780] =	vst v63  }
0x3c: {  	s28 =	simm.s32 $0x1380;
	s31 =	simm.s32 $0x3900  }
0x3d: {  	[tilespmem:s31], [sflag:$0x1] =	stream.indirect.gather [hbm4b:s3+s10], $0x1, s28, s10, $0xb8;
	[tilespmem:$0x5780] =	vst v63  }
0x3e: {  	s28 =	simm.s32 $0x1400;
	s31 =	simm.s32 $0x3980  }
0x3f: {  	[tilespmem:s31], [sflag:$0x1] =	stream.indirect.gather [hbm4b:s3+s10], $0x1, s28, s10, $0xb8;
	[tilespmem:$0x5780] =	vst v63  }
0x40: {  	s28 =	simm.s32 $0x1480;
	s31 =	simm.s32 $0x3A00  }
0x41: {  	[tilespmem:s31], [sflag:$0x1] =	stream.indirect.gather [hbm4b:s3+s10], $0x1, s28, s10, $0xb8;
	[tilespmem:$0x5780] =	vst v63  }
0x42: {  	s28 =	simm.s32 $0x1500;
	s31 =	simm.s32 $0x3A80  }
0x43: {  	[tilespmem:s31], [sflag:$0x1] =	stream.indirect.gather [hbm4b:s3+s10], $0x1, s28, s10, $0xb8;
	[tilespmem:$0x5780] =	vst v63  }
0x44: {  	s28 =	simm.s32 $0x1580;
	s31 =	simm.s32 $0x3B00  }
0x45: {  	[tilespmem:s31], [sflag:$0x1] =	stream.indirect.gather [hbm4b:s3+s10], $0x1, s28, s10, $0xb8;
	[tilespmem:$0x5780] =	vst v63  }
0x46: {  	s28 =	simm.s32 $0x1600;
	s31 =	simm.s32 $0x3B80  }
0x47: {  	[tilespmem:s31], [sflag:$0x1] =	stream.indirect.gather [hbm4b:s3+s10], $0x1, s28, s10, $0xb8;
	[tilespmem:$0x5780] =	vst v63  }
0x48: {  	s28 =	simm.s32 $0x1680;
	s31 =	simm.s32 $0x3C00  }
0x49: {  	[tilespmem:s31], [sflag:$0x1] =	stream.indirect.gather [hbm4b:s3+s10], $0x1, s28, s10, $0xb8;
	[tilespmem:$0x5780] =	vst v63  }
0x4a: {  	s28 =	simm.s32 $0x1700;
	s31 =	simm.s32 $0x3C80  }
0x4b: {  	[tilespmem:s31], [sflag:$0x1] =	stream.indirect.gather [hbm4b:s3+s10], $0x1, s28, s10, $0xb8;
	[tilespmem:$0x5780] =	vst v63  }
0x4c: {  	s28 =	simm.s32 $0x1780;
	s31 =	simm.s32 $0x3D00  }
0x4d: {  	[tilespmem:s31], [sflag:$0x1] =	stream.indirect.gather [hbm4b:s3+s10], $0x1, s28, s10, $0xb8;
	[tilespmem:$0x5780] =	vst v63  }
0x4e: {  	s28 =	simm.s32 $0x1800;
	s31 =	simm.s32 $0x3D80  }
0x4f: {  	[tilespmem:s31], [sflag:$0x1] =	stream.indirect.gather [hbm4b:s3+s10], $0x1, s28, s10, $0xb8;
	[tilespmem:$0x5780] =	vst v63  }
0x50: {  	s28 =	simm.s32 $0x1880;
	s31 =	simm.s32 $0x3E00  }
0x51: {  	[tilespmem:s31], [sflag:$0x1] =	stream.indirect.gather [hbm4b:s3+s10], $0x1, s28, s10, $0xb8;
	[tilespmem:$0x5780] =	vst v63  }
0x52: {  	s29 =	simm.s32 $0x1900  }
0x53: {  	[tilespmem:s20], [sflag:$0x2] =	stream.indirect.gather [hbm4b:s3+s10], $0x1, s29, s10, $0xb8;
	[tilespmem:$0x5780] =	vst v63  }
0x54: {  	s28 =	simm.s32 $0x1980;
	s31 =	simm.s32 $0x3F00  }
0x55: {  	[tilespmem:s31], [sflag:$0x2] =	stream.indirect.gather [hbm4b:s3+s10], $0x1, s28, s10, $0xb8;
	[tilespmem:$0x5780] =	vst v63  }
0x56: {  	s28 =	simm.s32 $0x1A00;
	s31 =	simm.s32 $0x3F80  }
0x57: {  	[tilespmem:s31], [sflag:$0x2] =	stream.indirect.gather [hbm4b:s3+s10], $0x1, s28, s10, $0xb8;
	[tilespmem:$0x5780] =	vst v63  }
0x58: {  	s28 =	simm.s32 $0x1A80;
	s31 =	simm.s32 $0x4000  }
0x59: {  	[tilespmem:s31], [sflag:$0x2] =	stream.indirect.gather [hbm4b:s3+s10], $0x1, s28, s10, $0xb8;
	[tilespmem:$0x5780] =	vst v63  }
0x5a: {  	s28 =	simm.s32 $0x1B00;
	s31 =	simm.s32 $0x4080  }
0x5b: {  	[tilespmem:s31], [sflag:$0x2] =	stream.indirect.gather [hbm4b:s3+s10], $0x1, s28, s10, $0xb8;
	[tilespmem:$0x5780] =	vst v63  }
0x5c: {  	s28 =	simm.s32 $0x1B80;
	s31 =	simm.s32 $0x4100  }
0x5d: {  	[tilespmem:s31], [sflag:$0x2] =	stream.indirect.gather [hbm4b:s3+s10], $0x1, s28, s10, $0xb8;
	[tilespmem:$0x5780] =	vst v63  }
0x5e: {  	s28 =	simm.s32 $0x1C00;
	s31 =	simm.s32 $0x4180  }
0x5f: {  	[tilespmem:s31], [sflag:$0x2] =	stream.indirect.gather [hbm4b:s3+s10], $0x1, s28, s10, $0xb8;
	[tilespmem:$0x5780] =	vst v63  }
0x60: {  	s28 =	simm.s32 $0x1C80;
	s31 =	simm.s32 $0x4200  }
0x61: {  	[tilespmem:s31], [sflag:$0x2] =	stream.indirect.gather [hbm4b:s3+s10], $0x1, s28, s10, $0xb8;
	[tilespmem:$0x5780] =	vst v63  }
0x62: {  	s28 =	simm.s32 $0x1D00;
	s31 =	simm.s32 $0x4280  }
0x63: {  	[tilespmem:s31], [sflag:$0x2] =	stream.indirect.gather [hbm4b:s3+s10], $0x1, s28, s10, $0xb8;
	[tilespmem:$0x5780] =	vst v63  }
0x64: {  	s28 =	simm.s32 $0x1D80;
	s31 =	simm.s32 $0x4300  }
0x65: {  	[tilespmem:s31], [sflag:$0x2] =	stream.indirect.gather [hbm4b:s3+s10], $0x1, s28, s10, $0xb8;
	[tilespmem:$0x5780] =	vst v63  }
0x66: {  	s28 =	simm.s32 $0x1E00;
	s31 =	simm.s32 $0x4380  }
0x67: {  	[tilespmem:s31], [sflag:$0x2] =	stream.indirect.gather [hbm4b:s3+s10], $0x1, s28, s10, $0xb8;
	[tilespmem:$0x5780] =	vst v63  }
0x68: {  	s28 =	simm.s32 $0x1E80;
	s31 =	simm.s32 $0x4400  }
0x69: {  	[tilespmem:s31], [sflag:$0x2] =	stream.indirect.gather [hbm4b:s3+s10], $0x1, s28, s10, $0xb8;
	[tilespmem:$0x5780] =	vst v63  }
0x6a: {  	s28 =	simm.s32 $0x1F00;
	s31 =	simm.s32 $0x4480  }
0x6b: {  	[tilespmem:s31], [sflag:$0x2] =	stream.indirect.gather [hbm4b:s3+s10], $0x1, s28, s10, $0xb8;
	[tilespmem:$0x5780] =	vst v63  }
0x6c: {  	s28 =	simm.s32 $0x1F80;
	s31 =	simm.s32 $0x4500  }
0x6d: {  	[tilespmem:s31], [sflag:$0x2] =	stream.indirect.gather [hbm4b:s3+s10], $0x1, s28, s10, $0xb8;
	[tilespmem:$0x5780] =	vst v63  }
0x6e: {  	s28 =	simm.s32 $0x2000;
	s31 =	simm.s32 $0x4580  }
0x6f: {  	[tilespmem:s31], [sflag:$0x2] =	stream.indirect.gather [hbm4b:s3+s10], $0x1, s28, s10, $0xb8;
	[tilespmem:$0x5780] =	vst v63  }
0x70: {  	s28 =	simm.s32 $0x2080;
	s31 =	simm.s32 $0x4600  }
0x71: {  	[tilespmem:s31], [sflag:$0x2] =	stream.indirect.gather [hbm4b:s3+s10], $0x1, s28, s10, $0xb8;
	[tilespmem:$0x5780] =	vst v63  }
0x72: {  	s28 =	simm.s32 $0x2100;
	s31 =	simm.s32 $0x4680  }
0x73: {  	[tilespmem:s31], [sflag:$0x2] =	stream.indirect.gather [hbm4b:s3+s10], $0x1, s28, s10, $0xb8;
	[tilespmem:$0x5780] =	vst v63  }
0x74: {  	s28 =	simm.s32 $0x2180;
	s31 =	simm.s32 $0x4700  }
0x75: {  	[tilespmem:s31], [sflag:$0x2] =	stream.indirect.gather [hbm4b:s3+s10], $0x1, s28, s10, $0xb8;
	[tilespmem:$0x5780] =	vst v63  }
0x76: {  	s28 =	simm.s32 $0x2200;
	s31 =	simm.s32 $0x4780  }
0x77: {  	[tilespmem:s31], [sflag:$0x2] =	stream.indirect.gather [hbm4b:s3+s10], $0x1, s28, s10, $0xb8;
	[tilespmem:$0x5780] =	vst v63  }
0x78: {  	s28 =	simm.s32 $0x2280;
	s31 =	simm.s32 $0x4800  }
0x79: {  	[tilespmem:s31], [sflag:$0x2] =	stream.indirect.gather [hbm4b:s3+s10], $0x1, s28, s10, $0xb8;
	[tilespmem:$0x5780] =	vst v63  }
0x7a: {  	s28 =	simm.s32 $0x2300;
	s31 =	simm.s32 $0x4880  }
0x7b: {  	[tilespmem:s31], [sflag:$0x2] =	stream.indirect.gather [hbm4b:s3+s10], $0x1, s28, s10, $0xb8;
	[tilespmem:$0x5780] =	vst v63  }
0x7c: {  	s28 =	simm.s32 $0x2380;
	s31 =	simm.s32 $0x4900  }
0x7d: {  	[tilespmem:s31], [sflag:$0x2] =	stream.indirect.gather [hbm4b:s3+s10], $0x1, s28, s10, $0xb8;
	[tilespmem:$0x5780] =	vst v63  }
0x7e: {  	s28 =	simm.s32 $0x2400;
	s31 =	simm.s32 $0x4980  }
0x7f: {  	[tilespmem:s31], [sflag:$0x2] =	stream.indirect.gather [hbm4b:s3+s10], $0x1, s28, s10, $0xb8;
	[tilespmem:$0x5780] =	vst v63  }
0x80: {  	s28 =	simm.s32 $0x2480;
	s31 =	simm.s32 $0x4A00  }
0x81: {  	[tilespmem:s31], [sflag:$0x2] =	stream.indirect.gather [hbm4b:s3+s10], $0x1, s28, s10, $0xb8;
	[tilespmem:$0x5780] =	vst v63  }
0x82: {  	s28 =	simm.s32 $0x2500;
	s31 =	simm.s32 $0x4A80  }
0x83: {  	[tilespmem:s31], [sflag:$0x2] =	stream.indirect.gather [hbm4b:s3+s10], $0x1, s28, s10, $0xb8;
	[tilespmem:$0x5780] =	vst v63  }
0x84: {  	_ =	swait.ge [sflag:s30], $0x80  }
0x85: {  	[sflag:s30] =	ssyncset.done $0x0  }
0x86: {  	[sflag:s30] =	ssyncadd.s32 $0xFFFFFF80  }
0x87: {  	_ =	swait.ge [sflag:s30], $0x80  }
0x88: {  	[sflag:s30] =	ssyncset.done $0x0  }
0x89: {  	[sflag:s30] =	ssyncadd.s32 $0xFFFFFF80  }
0x8a: {  	_ =	swait.ge [sflag:s30], $0x80  }
0x8b: {  	[sflag:s30] =	ssyncset.done $0x0  }
0x8c: {  	[sflag:s30] =	ssyncadd.s32 $0xFFFFFF80  }
0x8d: {  	_ =	swait.ge [sflag:s30], $0x80  }
0x8e: {  	[sflag:s30] =	ssyncset.done $0x0  }
0x8f: {  	[sflag:s30] =	ssyncadd.s32 $0xFFFFFF80  }
0x90: {  	_ =	swait.ge [sflag:s30], $0x80  }
0x91: {  	[sflag:s30] =	ssyncset.done $0x0  }
0x92: {  	[sflag:s30] =	ssyncadd.s32 $0xFFFFFF80  }
0x93: {  	_ =	swait.ge [sflag:s30], $0x80  }
0x94: {  	[sflag:s30] =	ssyncset.done $0x0  }
0x95: {  	[sflag:s30] =	ssyncadd.s32 $0xFFFFFF80  }
0x96: {  	_ =	swait.ge [sflag:s30], $0x80  }
0x97: {  	[sflag:s30] =	ssyncset.done $0x0  }
0x98: {  	[sflag:s30] =	ssyncadd.s32 $0xFFFFFF80  }
0x99: {  	_ =	swait.ge [sflag:s30], $0x80  }
0x9a: {  	[sflag:s30] =	ssyncset.done $0x0  }
0x9b: {  	[sflag:s30] =	ssyncadd.s32 $0xFFFFFF80  }
0x9c: {  	_ =	swait.ge [sflag:s30], $0x80  }
0x9d: {  	[sflag:s30] =	ssyncset.done $0x0  }
0x9e: {  	[sflag:s30] =	ssyncadd.s32 $0xFFFFFF80  }
0x9f: {  	_ =	swait.ge [sflag:s30], $0x80  }
0xa0: {  	[sflag:s30] =	ssyncset.done $0x0  }
0xa1: {  	[sflag:s30] =	ssyncadd.s32 $0xFFFFFF80  }
0xa2: {  	_ =	swait.ge [sflag:s30], $0x80  }
0xa3: {  	[sflag:s30] =	ssyncset.done $0x0  }
0xa4: {  	[sflag:s30] =	ssyncadd.s32 $0xFFFFFF80  }
0xa5: {  	_ =	swait.ge [sflag:s30], $0x80  }
0xa6: {  	[sflag:s30] =	ssyncset.done $0x0  }
0xa7: {  	[sflag:s30] =	ssyncadd.s32 $0xFFFFFF80  }
0xa8: {  	_ =	swait.ge [sflag:s30], $0x80  }
0xa9: {  	[sflag:s30] =	ssyncset.done $0x0  }
0xaa: {  	[sflag:s30] =	ssyncadd.s32 $0xFFFFFF80  }
0xab: {  	_ =	swait.ge [sflag:s30], $0x80  }
0xac: {  	[sflag:s30] =	ssyncset.done $0x0  }
0xad: {  	[sflag:s30] =	ssyncadd.s32 $0xFFFFFF80  }
0xae: {  	_ =	swait.ge [sflag:s30], $0x80  }
0xaf: {  	[sflag:s30] =	ssyncset.done $0x0  }
0xb0: {  	[sflag:s30] =	ssyncadd.s32 $0xFFFFFF80  }
0xb1: {  	_ =	swait.ge [sflag:s30], $0x80  }
0xb2: {  	[sflag:s30] =	ssyncset.done $0x0  }
0xb3: {  	[sflag:s30] =	ssyncadd.s32 $0xFFFFFF80  }
0xb4: {  	_ =	swait.ge [sflag:s30], $0x80  }
0xb5: {  	[sflag:s30] =	ssyncset.done $0x0  }
0xb6: {  	[sflag:s30] =	ssyncadd.s32 $0xFFFFFF80  }
0xb7: {  	_ =	swait.ge [sflag:s30], $0x80  }
0xb8: {  	[sflag:s30] =	ssyncset.done $0x0  }
0xb9: {  	[sflag:s30] =	ssyncadd.s32 $0xFFFFFF80  }
0xba: {  	_ =	swait.ge [sflag:s30], $0x80  }
0xbb: {  	[sflag:s30] =	ssyncset.done $0x0  }
0xbc: {  	[sflag:s30] =	ssyncadd.s32 $0xFFFFFF80  }
0xbd: {  	_ =	swait.ge [sflag:s30], $0x80  }
0xbe: {  	[sflag:s30] =	ssyncset.done $0x0  }
0xbf: {  	[sflag:s30] =	ssyncadd.s32 $0xFFFFFF80  }
0xc0: {  	_ =	swait.ge [sflag:s30], $0x80  }
0xc1: {  	[sflag:s30] =	ssyncset.done $0x0  }
0xc2: {  	[sflag:s30] =	ssyncadd.s32 $0xFFFFFF80  }
0xc3: {  	_ =	swait.ge [sflag:s30], $0x80  }
0xc4: {  	[sflag:s30] =	ssyncset.done $0x0  }
0xc5: {  	[sflag:s30] =	ssyncadd.s32 $0xFFFFFF80  }
0xc6: {  	_ =	swait.ge [sflag:s30], $0x80  }
0xc7: {  	[sflag:s30] =	ssyncset.done $0x0  }
0xc8: {  	[sflag:s30] =	ssyncadd.s32 $0xFFFFFF80  }
0xc9: {  	_ =	swait.ge [sflag:s30], $0x80  }
0xca: {  	[sflag:s30] =	ssyncset.done $0x0  }
0xcb: {  	[sflag:s30] =	ssyncadd.s32 $0xFFFFFF80  }
0xcc: {  	_ =	swait.ge [sflag:s30], $0x80  }
0xcd: {  	[sflag:s30] =	ssyncset.done $0x0  }
0xce: {  	[sflag:s30] =	ssyncadd.s32 $0xFFFFFF80  }
0xcf: {  	[hbm4b:s5+s2] =	stream.linear.scatter [tilespmem:s12], [sflag:$0x4], $0xC80, $0x38;
	[tilespmem:$0x5780] =	vst v63  }
0xd0: {  	_ =	swait.ge [sflag:s9], $0xC80  }
0xd1: {  	[sflag:s9] =	ssyncset.done $0x0  }
0xd2: {  	s29 =	simm.s32 $0x2580;
	[sflag:s9] =	ssyncadd.s32 $0xFFFFF380  }
0xd3: {  	[tilespmem:s1], [sflag:$0x3] =	stream.indirect.gather [hbm4b:s3+s10], $0x1, s29, s10, $0xb8;
	[tilespmem:$0x5780] =	vst v63  }
0xd4: {  	s28 =	simm.s32 $0x2600;
	s31 =	simm.s32 $0x4B80  }
0xd5: {  	[tilespmem:s31], [sflag:$0x3] =	stream.indirect.gather [hbm4b:s3+s10], $0x1, s28, s10, $0xb8;
	[tilespmem:$0x5780] =	vst v63  }
0xd6: {  	s28 =	simm.s32 $0x2680;
	s31 =	simm.s32 $0x4C00  }
0xd7: {  	[tilespmem:s31], [sflag:$0x3] =	stream.indirect.gather [hbm4b:s3+s10], $0x1, s28, s10, $0xb8;
	[tilespmem:$0x5780] =	vst v63  }
0xd8: {  	s28 =	simm.s32 $0x2700;
	s31 =	simm.s32 $0x4C80  }
0xd9: {  	[tilespmem:s31], [sflag:$0x3] =	stream.indirect.gather [hbm4b:s3+s10], $0x1, s28, s10, $0xb8;
	[tilespmem:$0x5780] =	vst v63  }
0xda: {  	s28 =	simm.s32 $0x2780;
	s31 =	simm.s32 $0x4D00  }
0xdb: {  	[tilespmem:s31], [sflag:$0x3] =	stream.indirect.gather [hbm4b:s3+s10], $0x1, s28, s10, $0xb8;
	[tilespmem:$0x5780] =	vst v63  }
0xdc: {  	s28 =	simm.s32 $0x2800;
	s31 =	simm.s32 $0x4D80  }
0xdd: {  	[tilespmem:s31], [sflag:$0x3] =	stream.indirect.gather [hbm4b:s3+s10], $0x1, s28, s10, $0xb8;
	[tilespmem:$0x5780] =	vst v63  }
0xde: {  	s28 =	simm.s32 $0x2880;
	s31 =	simm.s32 $0x4E00  }
0xdf: {  	[tilespmem:s31], [sflag:$0x3] =	stream.indirect.gather [hbm4b:s3+s10], $0x1, s28, s10, $0xb8;
	[tilespmem:$0x5780] =	vst v63  }
0xe0: {  	s28 =	simm.s32 $0x2900;
	s31 =	simm.s32 $0x4E80  }
0xe1: {  	[tilespmem:s31], [sflag:$0x3] =	stream.indirect.gather [hbm4b:s3+s10], $0x1, s28, s10, $0xb8;
	[tilespmem:$0x5780] =	vst v63  }
0xe2: {  	s28 =	simm.s32 $0x2980;
	s31 =	simm.s32 $0x4F00  }
0xe3: {  	[tilespmem:s31], [sflag:$0x3] =	stream.indirect.gather [hbm4b:s3+s10], $0x1, s28, s10, $0xb8;
	[tilespmem:$0x5780] =	vst v63  }
0xe4: {  	s28 =	simm.s32 $0x2A00;
	s31 =	simm.s32 $0x4F80  }
0xe5: {  	[tilespmem:s31], [sflag:$0x3] =	stream.indirect.gather [hbm4b:s3+s10], $0x1, s28, s10, $0xb8;
	[tilespmem:$0x5780] =	vst v63  }
0xe6: {  	s28 =	simm.s32 $0x2A80;
	s31 =	simm.s32 $0x5000  }
0xe7: {  	[tilespmem:s31], [sflag:$0x3] =	stream.indirect.gather [hbm4b:s3+s10], $0x1, s28, s10, $0xb8;
	[tilespmem:$0x5780] =	vst v63  }
0xe8: {  	s28 =	simm.s32 $0x2B00;
	s31 =	simm.s32 $0x5080  }
0xe9: {  	[tilespmem:s31], [sflag:$0x3] =	stream.indirect.gather [hbm4b:s3+s10], $0x1, s28, s10, $0xb8;
	[tilespmem:$0x5780] =	vst v63  }
0xea: {  	s28 =	simm.s32 $0x2B80;
	s31 =	simm.s32 $0x5100  }
0xeb: {  	[tilespmem:s31], [sflag:$0x3] =	stream.indirect.gather [hbm4b:s3+s10], $0x1, s28, s10, $0xb8;
	[tilespmem:$0x5780] =	vst v63  }
0xec: {  	s28 =	simm.s32 $0x2C00;
	s31 =	simm.s32 $0x5180  }
0xed: {  	[tilespmem:s31], [sflag:$0x3] =	stream.indirect.gather [hbm4b:s3+s10], $0x1, s28, s10, $0xb8;
	[tilespmem:$0x5780] =	vst v63  }
0xee: {  	s28 =	simm.s32 $0x2C80;
	s31 =	simm.s32 $0x5200  }
0xef: {  	[tilespmem:s31], [sflag:$0x3] =	stream.indirect.gather [hbm4b:s3+s10], $0x1, s28, s10, $0xb8;
	[tilespmem:$0x5780] =	vst v63  }
0xf0: {  	s28 =	simm.s32 $0x2D00;
	s31 =	simm.s32 $0x5280  }
0xf1: {  	[tilespmem:s31], [sflag:$0x3] =	stream.indirect.gather [hbm4b:s3+s10], $0x1, s28, s10, $0xb8;
	[tilespmem:$0x5780] =	vst v63  }
0xf2: {  	s28 =	simm.s32 $0x2D80;
	s31 =	simm.s32 $0x5300  }
0xf3: {  	[tilespmem:s31], [sflag:$0x3] =	stream.indirect.gather [hbm4b:s3+s10], $0x1, s28, s10, $0xb8;
	[tilespmem:$0x5780] =	vst v63  }
0xf4: {  	s28 =	simm.s32 $0x2E00;
	s31 =	simm.s32 $0x5380  }
0xf5: {  	[tilespmem:s31], [sflag:$0x3] =	stream.indirect.gather [hbm4b:s3+s10], $0x1, s28, s10, $0xb8;
	[tilespmem:$0x5780] =	vst v63  }
0xf6: {  	s28 =	simm.s32 $0x2E80;
	s31 =	simm.s32 $0x5400  }
0xf7: {  	[tilespmem:s31], [sflag:$0x3] =	stream.indirect.gather [hbm4b:s3+s10], $0x1, s28, s10, $0xb8;
	[tilespmem:$0x5780] =	vst v63  }
0xf8: {  	_ = 	snop  }
0xf9: {  	[tilespmem:s11], [sflag:$0x3] =	stream.indirect.gather [hbm4b:s3+s10], $0x1, s0, s10, $0xb8;
	[tilespmem:$0x5780] =	vst v63  }
0xfa: {  	_ = 	snop  }
0xfb: {  	[tilespmem:s14], [sflag:$0x3] =	stream.indirect.gather [hbm4b:s3+s10], $0x1, s13, s10, $0xb8;
	[tilespmem:$0x5780] =	vst v63  }
0xfc: {  	_ = 	snop  }
0xfd: {  	[tilespmem:s16], [sflag:$0x3] =	stream.indirect.gather [hbm4b:s3+s10], $0x1, s15, s10, $0xb8;
	[tilespmem:$0x5780] =	vst v63  }
0xfe: {  	_ = 	snop  }
0xff: {  	[tilespmem:s18], [sflag:$0x3] =	stream.indirect.gather [hbm4b:s3+s10], $0x1, s17, s10, $0xb8;
	[tilespmem:$0x5780] =	vst v63  }
0x100: {  	_ = 	snop  }
0x101: {  	[tilespmem:s21], [sflag:$0x3] =	stream.indirect.gather [hbm4b:s3+s10], $0x1, s19, s10, $0xb8;
	[tilespmem:$0x5780] =	vst v63  }
0x102: {  	_ = 	snop  }
0x103: {  	[tilespmem:s23], [sflag:$0x3] =	stream.indirect.gather [hbm4b:s3+s10], $0x1, s22, s10, $0xb8;
	[tilespmem:$0x5780] =	vst v63  }
0x104: {  	_ =	swait.ge [sflag:s24], $0x80  }
0x105: {  	[sflag:s24] =	ssyncset.done $0x0  }
0x106: {  	[sflag:s24] =	ssyncadd.s32 $0xFFFFFF80  }
0x107: {  	_ =	swait.ge [sflag:s24], $0x80  }
0x108: {  	[sflag:s24] =	ssyncset.done $0x0  }
0x109: {  	[sflag:s24] =	ssyncadd.s32 $0xFFFFFF80  }
0x10a: {  	_ =	swait.ge [sflag:s24], $0x80  }
0x10b: {  	[sflag:s24] =	ssyncset.done $0x0  }
0x10c: {  	[sflag:s24] =	ssyncadd.s32 $0xFFFFFF80  }
0x10d: {  	_ =	swait.ge [sflag:s24], $0x80  }
0x10e: {  	[sflag:s24] =	ssyncset.done $0x0  }
0x10f: {  	[sflag:s24] =	ssyncadd.s32 $0xFFFFFF80  }
0x110: {  	_ =	swait.ge [sflag:s24], $0x80  }
0x111: {  	[sflag:s24] =	ssyncset.done $0x0  }
0x112: {  	[sflag:s24] =	ssyncadd.s32 $0xFFFFFF80  }
0x113: {  	_ =	swait.ge [sflag:s24], $0x80  }
0x114: {  	[sflag:s24] =	ssyncset.done $0x0  }
0x115: {  	[sflag:s24] =	ssyncadd.s32 $0xFFFFFF80  }
0x116: {  	_ =	swait.ge [sflag:s24], $0x80  }
0x117: {  	[sflag:s24] =	ssyncset.done $0x0  }
0x118: {  	[sflag:s24] =	ssyncadd.s32 $0xFFFFFF80  }
0x119: {  	_ =	swait.ge [sflag:s24], $0x80  }
0x11a: {  	[sflag:s24] =	ssyncset.done $0x0  }
0x11b: {  	[sflag:s24] =	ssyncadd.s32 $0xFFFFFF80  }
0x11c: {  	_ =	swait.ge [sflag:s24], $0x80  }
0x11d: {  	[sflag:s24] =	ssyncset.done $0x0  }
0x11e: {  	[sflag:s24] =	ssyncadd.s32 $0xFFFFFF80  }
0x11f: {  	_ =	swait.ge [sflag:s24], $0x80  }
0x120: {  	[sflag:s24] =	ssyncset.done $0x0  }
0x121: {  	[sflag:s24] =	ssyncadd.s32 $0xFFFFFF80  }
0x122: {  	_ =	swait.ge [sflag:s24], $0x80  }
0x123: {  	[sflag:s24] =	ssyncset.done $0x0  }
0x124: {  	[sflag:s24] =	ssyncadd.s32 $0xFFFFFF80  }
0x125: {  	_ =	swait.ge [sflag:s24], $0x80  }
0x126: {  	[sflag:s24] =	ssyncset.done $0x0  }
0x127: {  	[sflag:s24] =	ssyncadd.s32 $0xFFFFFF80  }
0x128: {  	_ =	swait.ge [sflag:s24], $0x80  }
0x129: {  	[sflag:s24] =	ssyncset.done $0x0  }
0x12a: {  	[sflag:s24] =	ssyncadd.s32 $0xFFFFFF80  }
0x12b: {  	_ =	swait.ge [sflag:s24], $0x80  }
0x12c: {  	[sflag:s24] =	ssyncset.done $0x0  }
0x12d: {  	[sflag:s24] =	ssyncadd.s32 $0xFFFFFF80  }
0x12e: {  	_ =	swait.ge [sflag:s24], $0x80  }
0x12f: {  	[sflag:s24] =	ssyncset.done $0x0  }
0x130: {  	[sflag:s24] =	ssyncadd.s32 $0xFFFFFF80  }
0x131: {  	_ =	swait.ge [sflag:s24], $0x80  }
0x132: {  	[sflag:s24] =	ssyncset.done $0x0  }
0x133: {  	[sflag:s24] =	ssyncadd.s32 $0xFFFFFF80  }
0x134: {  	_ =	swait.ge [sflag:s24], $0x80  }
0x135: {  	[sflag:s24] =	ssyncset.done $0x0  }
0x136: {  	[sflag:s24] =	ssyncadd.s32 $0xFFFFFF80  }
0x137: {  	_ =	swait.ge [sflag:s24], $0x80  }
0x138: {  	[sflag:s24] =	ssyncset.done $0x0  }
0x139: {  	[sflag:s24] =	ssyncadd.s32 $0xFFFFFF80  }
0x13a: {  	_ =	swait.ge [sflag:s24], $0x80  }
0x13b: {  	[sflag:s24] =	ssyncset.done $0x0  }
0x13c: {  	[sflag:s24] =	ssyncadd.s32 $0xFFFFFF80  }
0x13d: {  	_ =	swait.ge [sflag:s24], $0x80  }
0x13e: {  	[sflag:s24] =	ssyncset.done $0x0  }
0x13f: {  	[sflag:s24] =	ssyncadd.s32 $0xFFFFFF80  }
0x140: {  	_ =	swait.ge [sflag:s24], $0x80  }
0x141: {  	[sflag:s24] =	ssyncset.done $0x0  }
0x142: {  	[sflag:s24] =	ssyncadd.s32 $0xFFFFFF80  }
0x143: {  	_ =	swait.ge [sflag:s24], $0x80  }
0x144: {  	[sflag:s24] =	ssyncset.done $0x0  }
0x145: {  	[sflag:s24] =	ssyncadd.s32 $0xFFFFFF80  }
0x146: {  	_ =	swait.ge [sflag:s24], $0x80  }
0x147: {  	[sflag:s24] =	ssyncset.done $0x0  }
0x148: {  	[sflag:s24] =	ssyncadd.s32 $0xFFFFFF80  }
0x149: {  	_ =	swait.ge [sflag:s24], $0x80  }
0x14a: {  	[sflag:s24] =	ssyncset.done $0x0  }
0x14b: {  	[sflag:s24] =	ssyncadd.s32 $0xFFFFFF80  }
0x14c: {  	_ =	swait.ge [sflag:s24], $0x80  }
0x14d: {  	[sflag:s24] =	ssyncset.done $0x0  }
0x14e: {  	[sflag:s24] =	ssyncadd.s32 $0xFFFFFF80  }
0x14f: {  	[hbm4b:s6+s2] =	stream.linear.scatter [tilespmem:s20], [sflag:$0x4], $0xC80, $0x38;
	[tilespmem:$0x5780] =	vst v63  }
0x150: {  	_ =	swait.ge [sflag:s9], $0xC80  }
0x151: {  	[sflag:s9] =	ssyncset.done $0x0  }
0x152: {  	[sflag:s9] =	ssyncadd.s32 $0xFFFFF380  }
0x153: {  	_ =	swait.ge [sflag:s25], $0x80  }
0x154: {  	[sflag:s25] =	ssyncset.done $0x0  }
0x155: {  	[sflag:s25] =	ssyncadd.s32 $0xFFFFFF80  }
0x156: {  	_ =	swait.ge [sflag:s25], $0x80  }
0x157: {  	[sflag:s25] =	ssyncset.done $0x0  }
0x158: {  	[sflag:s25] =	ssyncadd.s32 $0xFFFFFF80  }
0x159: {  	_ =	swait.ge [sflag:s25], $0x80  }
0x15a: {  	[sflag:s25] =	ssyncset.done $0x0  }
0x15b: {  	[sflag:s25] =	ssyncadd.s32 $0xFFFFFF80  }
0x15c: {  	_ =	swait.ge [sflag:s25], $0x80  }
0x15d: {  	[sflag:s25] =	ssyncset.done $0x0  }
0x15e: {  	[sflag:s25] =	ssyncadd.s32 $0xFFFFFF80  }
0x15f: {  	_ =	swait.ge [sflag:s25], $0x80  }
0x160: {  	[sflag:s25] =	ssyncset.done $0x0  }
0x161: {  	[sflag:s25] =	ssyncadd.s32 $0xFFFFFF80  }
0x162: {  	_ =	swait.ge [sflag:s25], $0x80  }
0x163: {  	[sflag:s25] =	ssyncset.done $0x0  }
0x164: {  	[sflag:s25] =	ssyncadd.s32 $0xFFFFFF80  }
0x165: {  	_ =	swait.ge [sflag:s25], $0x80  }
0x166: {  	[sflag:s25] =	ssyncset.done $0x0  }
0x167: {  	[sflag:s25] =	ssyncadd.s32 $0xFFFFFF80  }
0x168: {  	_ =	swait.ge [sflag:s25], $0x80  }
0x169: {  	[sflag:s25] =	ssyncset.done $0x0  }
0x16a: {  	[sflag:s25] =	ssyncadd.s32 $0xFFFFFF80  }
0x16b: {  	_ =	swait.ge [sflag:s25], $0x80  }
0x16c: {  	[sflag:s25] =	ssyncset.done $0x0  }
0x16d: {  	[sflag:s25] =	ssyncadd.s32 $0xFFFFFF80  }
0x16e: {  	_ =	swait.ge [sflag:s25], $0x80  }
0x16f: {  	[sflag:s25] =	ssyncset.done $0x0  }
0x170: {  	[sflag:s25] =	ssyncadd.s32 $0xFFFFFF80  }
0x171: {  	_ =	swait.ge [sflag:s25], $0x80  }
0x172: {  	[sflag:s25] =	ssyncset.done $0x0  }
0x173: {  	[sflag:s25] =	ssyncadd.s32 $0xFFFFFF80  }
0x174: {  	_ =	swait.ge [sflag:s25], $0x80  }
0x175: {  	[sflag:s25] =	ssyncset.done $0x0  }
0x176: {  	[sflag:s25] =	ssyncadd.s32 $0xFFFFFF80  }
0x177: {  	_ =	swait.ge [sflag:s25], $0x80  }
0x178: {  	[sflag:s25] =	ssyncset.done $0x0  }
0x179: {  	[sflag:s25] =	ssyncadd.s32 $0xFFFFFF80  }
0x17a: {  	_ =	swait.ge [sflag:s25], $0x80  }
0x17b: {  	[sflag:s25] =	ssyncset.done $0x0  }
0x17c: {  	[sflag:s25] =	ssyncadd.s32 $0xFFFFFF80  }
0x17d: {  	_ =	swait.ge [sflag:s25], $0x80  }
0x17e: {  	[sflag:s25] =	ssyncset.done $0x0  }
0x17f: {  	[sflag:s25] =	ssyncadd.s32 $0xFFFFFF80  }
0x180: {  	_ =	swait.ge [sflag:s25], $0x80  }
0x181: {  	[sflag:s25] =	ssyncset.done $0x0  }
0x182: {  	[sflag:s25] =	ssyncadd.s32 $0xFFFFFF80  }
0x183: {  	_ =	swait.ge [sflag:s25], $0x80  }
0x184: {  	[sflag:s25] =	ssyncset.done $0x0  }
0x185: {  	[sflag:s25] =	ssyncadd.s32 $0xFFFFFF80  }
0x186: {  	_ =	swait.ge [sflag:s25], $0x80  }
0x187: {  	[sflag:s25] =	ssyncset.done $0x0  }
0x188: {  	[sflag:s25] =	ssyncadd.s32 $0xFFFFFF80  }
0x189: {  	_ =	swait.ge [sflag:s25], $0x80  }
0x18a: {  	[sflag:s25] =	ssyncset.done $0x0  }
0x18b: {  	[sflag:s25] =	ssyncadd.s32 $0xFFFFFF80  }
0x18c: {  	_ =	swait.ge [sflag:s25], $0x80  }
0x18d: {  	[sflag:s25] =	ssyncset.done $0x0  }
0x18e: {  	[sflag:s25] =	ssyncadd.s32 $0xFFFFFF80  }
0x18f: {  	_ =	swait.ge [sflag:s25], $0x80  }
0x190: {  	[sflag:s25] =	ssyncset.done $0x0  }
0x191: {  	[sflag:s25] =	ssyncadd.s32 $0xFFFFFF80  }
0x192: {  	_ =	swait.ge [sflag:s25], $0x80  }
0x193: {  	[sflag:s25] =	ssyncset.done $0x0  }
0x194: {  	[sflag:s25] =	ssyncadd.s32 $0xFFFFFF80  }
0x195: {  	_ =	swait.ge [sflag:s25], $0x80  }
0x196: {  	[sflag:s25] =	ssyncset.done $0x0  }
0x197: {  	[sflag:s25] =	ssyncadd.s32 $0xFFFFFF80  }
0x198: {  	_ =	swait.ge [sflag:s25], $0x80  }
0x199: {  	[sflag:s25] =	ssyncset.done $0x0  }
0x19a: {  	[sflag:s25] =	ssyncadd.s32 $0xFFFFFF80  }
0x19b: {  	s26 =	sadd.s32 $0x1, s26;
	_ =	swait.ge [sflag:s25], $0x80  }
0x19c: {  	p0 =	sne.s32 s26, s8;
	[sflag:s25] =	ssyncset.done $0x0  }
.Ltmp1:
0x19d: {  	[sflag:s25] =	ssyncadd.s32 $0xFFFFFF80;
	(pc) =	sbr.rel @p0 .LBB2_1-.Ltmp1, $4  }
0x19e: {  	[hbm4b:s7+s2] =	stream.linear.scatter [tilespmem:s1], [sflag:$0x4], $0xC80, $0x38;
	[tilespmem:$0x5780] =	vst v63  }
0x19f: {  	_ =	swait.ge [sflag:s9], $0xC80  }
0x1a0: {  	[sflag:s9] =	ssyncset.done $0x0  }
0x1a1: {  	[sflag:s9] =	ssyncadd.s32 $0xFFFFF380  }
0x1a2: {  	_ =	sfence.sel $0x180000  }
0x1a3: {  	[bflag:$0x0] =	sbarrier.arrive $0xFFFF  }
0x1a4: {  	_ =	strace $0x90000047  }
0x1a5: {  	s0 =	stileid.u32;
	[bflag:$0x2] =	sbarrier.arrive $0xFFFF  }
0x1a6: {  	p0 =	sne.s32 s0, $0x0;
	s0 =	rddreg [dreg:$0x2]  }
0x1a7: {  	s0 =	sadd.s32 @!p0 $0x100000, s0  }
0x1a8: {  	[sflag:s0] =	ssyncadd.tile.s32 @!p0 $0x1;
	_ =	shalt  }
.Lfunc_end2:
_tile_overlayer_lowered:
.L_overlay_start_2:
0x1a9: {  	(tag) =	ssettag $0x2  }
0x1aa: {  	s0 =	rddreg [dreg:$0x0];
	s2 =	stileid.u32  }
0x1ab: {  	s1 =	rddreg [dreg:$0x1];
	p0 =	sne.s32 s2, $0x0  }
0x1ac: {  	s3 =	rddreg [dreg:$0x2];
	[bflag:$0x3] =	sbarrier.arrive $0xFFFF;
	s2 =	simm.s32 @!p0 $0x1C04  }
0x1ad: {  	[timem:s3], [sflag:s2] =	dma.local @!p0 [hbm:s0], s1  }
0x1ae: {  	s0 =	simm.s32 @!p0 $0x4  }
0x1af: {  	_ =	swait.ge @!p0 [sflag:s0], s1  }
0x1b0: {  	s1 =	ssub.s32 @!p0 $0x0, s1;
	[sflag:s0] =	ssyncset.done @!p0 $0x0  }
0x1b1: {  	[sflag:s0] =	ssyncadd.s32 @!p0 s1  }
0x1b2: {  	[bflag:$0x3] =	sbarrier.arrive $0xFFFF  }
0x1b3: {  	_ =	shalt  }

</sc_bundles>
